<compile_context>
chip_gen: v7x
topology: tpu7x:2x2x1
jax: 0.10.2.dev20260603
libtpu: 0.0.44.dev20260713+nightly
codegen_flags: <defaults>
</compile_context>

<pallas_src>
import functools

import jax
import jax.numpy as jnp
from jax import lax
from jax.experimental import pallas as pl
from jax.experimental.pallas import tpu as pltpu
from jax.experimental.pallas import tpu_sc as plsc

_N = 50000
_D = 128
_NUM_PATH = 3
_PATH_LEN = 4
_K = _NUM_PATH * _PATH_LEN
_NW = 32
_RPW = 1568
_N_PAD = _NW * _RPW
_C = 32
_NCH = _RPW // _C
_NGB = _C * _K // 128
_CI = _C * _K

_mesh = plsc.VectorSubcoreMesh(core_axis_name="c", subcore_axis_name="s")


@functools.partial(
    pl.kernel,
    mesh=_mesh,
    out_type=jax.ShapeDtypeStruct((_N_PAD, _D), jnp.float32),
    scratch_types=[
        pltpu.VMEM((2 * _CI,), jnp.int32),
        pltpu.VMEM((2 * _CI, _D), jnp.float32),
        pltpu.VMEM((2 * _C, _D), jnp.float32),
        pltpu.VMEM((_PATH_LEN, _D), jnp.float32),
        pltpu.SemaphoreType.DMA,
        pltpu.SemaphoreType.DMA,
        pltpu.SemaphoreType.DMA,
    ],
)
def _sc_gather_acc(feats_hbm, idx_hbm, pw_hbm, out_hbm,
                   idx_v, rows_v, out_v, pw_v, si, sg, so):
    wid = lax.axis_index("c") * 16 + lax.axis_index("s")
    pltpu.sync_copy(pw_hbm, pw_v)

    def idx_copy(ch, par):
        row0 = wid * _RPW + ch * _C
        return pltpu.make_async_copy(
            idx_hbm.at[pl.ds(row0 * _K, _CI)],
            idx_v.at[pl.ds(par * _CI, _CI)],
            si)

    def gather_copies(par):
        return [
            pltpu.make_async_copy(
                feats_hbm.at[idx_v.at[pl.ds(par * _CI + g * 128, 128)]],
                rows_v.at[pl.ds(par * _CI + g * 128, 128)],
                sg)
            for g in range(_NGB)
        ]

    def out_copy(ch, par):
        row0 = wid * _RPW + ch * _C
        return pltpu.make_async_copy(
            out_v.at[pl.ds(par * _C, _C)],
            out_hbm.at[pl.ds(row0, _C)],
            so)

    def compute(par):
        base_r = par * _CI
        base_o = par * _C
        for vg in range(2):
            sls = [pl.ds((vg * 4 + u) * 16, 16) for u in range(4)]
            pws = [tuple(pw_v[j, sls[u]] for j in range(_PATH_LEN))
                   for u in range(4)]

            def row_body(c, acc_carry, _sls=sls, _pws=pws):
                b0 = base_r + c * _K
                for u in range(4):
                    sl = _sls[u]
                    acc = rows_v[b0, sl] * _pws[u][0]
                    for k in range(1, _K):
                        acc = acc + rows_v[b0 + k, sl] * _pws[u][k % _PATH_LEN]
                    out_v[base_o + c, sl] = acc
                return acc_carry

            lax.fori_loop(0, _C, row_body, 0)

    idx_copy(0, 0).start()
    idx_copy(1, 1).start()
    idx_copy(0, 0).wait()
    for cp in gather_copies(0):
        cp.start()
    out_copy(0, 0).start()
    out_copy(1, 1).start()

    def body(ch, carry):
        par = lax.rem(ch, 2)
        npar = 1 - par
        idx_copy(ch + 1, npar).wait()
        for cp in gather_copies(npar):
            cp.start()
        for cp in gather_copies(par):
            cp.wait()
        idx_copy(ch + 2, par).start()
        out_copy(ch, par).wait()
        compute(par)
        out_copy(ch, par).start()
        return carry

    lax.fori_loop(0, _NCH - 1, body, 0)
    lpar = (_NCH - 1) % 2
    for cp in gather_copies(lpar):
        cp.wait()
    out_copy(_NCH - 1, lpar).wait()
    compute(lpar)
    out_copy(_NCH - 1, lpar).start()
    out_copy(_NCH - 2, 1 - lpar).wait()
    out_copy(_NCH - 1, lpar).wait()


_BN = 2000


def _mm_body(x_ref, w_ref, o_ref):
    o_ref[...] = jnp.maximum(
        lax.dot_general(x_ref[...], w_ref[...],
                        (((1,), (1,)), ((), ())),
                        preferred_element_type=jnp.float32),
        0.0)


def _tc_mm_relu(x, w):
    return pl.pallas_call(
        _mm_body,
        grid=(_N // _BN,),
        in_specs=[
            pl.BlockSpec((_BN, _D), lambda i: (i, 0)),
            pl.BlockSpec((_D, _D), lambda i: (0, 0)),
        ],
        out_specs=pl.BlockSpec((_BN, _D), lambda i: (i, 0)),
        out_shape=jax.ShapeDtypeStruct((_N, _D), jnp.float32),
    )(x, w)


def kernel(feats, paths, init_feats, path_weight, fc_weight):
    del init_feats
    idx = jnp.transpose(paths.astype(jnp.int32), (1, 0, 2)).reshape(_N, _K)
    idx_flat = jnp.pad(idx, ((0, _N_PAD + _C - _N), (0, 0))).reshape(-1)
    pw = path_weight[0] * (1.0 / _NUM_PATH)
    acc = _sc_gather_acc(feats, idx_flat, pw)
    return _tc_mm_relu(acc, fc_weight)

# --- scband reference (transcript-rebuilt; emitter-appended) ---
"""Pipeline reference for scband-path-gcnlayer-61306363183203 (READ-ONLY COPY).

The authoritative reference and input builder live on the scoring server;
editing this copy changes nothing except your own understanding.
"""

import jax, jax.numpy as jnp
import numpy as np

N = 50000
D = 128
NUM_PATH = 3
PATH_LEN = 4


def setup_inputs(seed: int = 0) -> dict:
    key = jax.random.key(seed)
    k_feats, k_paths, k_init, k_pw, k_fc = jax.random.split(key, 5)
    feats = jax.random.normal(k_feats, (N, D), dtype=jnp.float32)
    paths = jax.random.randint(k_paths, (NUM_PATH, N, PATH_LEN), 0, N, dtype=jnp.int64)
    init_feats = jax.random.normal(k_init, (N, D), dtype=jnp.float32)
    # xavier_normal with gain=1.414 for path_weight (1, PATH_LEN, D):
    # fan_in = PATH_LEN*D? torch treats dims: fan_in = D (last dim), fan_out = PATH_LEN... use std per xavier formula on (PATH_LEN, D) view
    std_pw = 1.414 * np.sqrt(2.0 / (PATH_LEN + D))
    path_weight = jax.random.normal(k_pw, (1, PATH_LEN, D), dtype=jnp.float32) * std_pw
    std_fc = 1.414 * np.sqrt(2.0 / (D + D))
    fc_weight = jax.random.normal(k_fc, (D, D), dtype=jnp.float32) * std_fc
    return {"feats": feats, "paths": paths, "init_feats": init_feats,
            "path_weight": path_weight, "fc_weight": fc_weight}


def reference(feats, paths, init_feats, path_weight, fc_weight):
    num_path = paths.shape[0]
    results = None
    for i in range(num_path):
        # gather: (N, PATH_LEN, D)
        path_feats = jnp.take(feats, paths[i], axis=0)
        path_feats = (path_feats * path_weight).sum(axis=1)  # (N, D)
        results = path_feats if results is None else results + path_feats
    results = results / num_path
    results = results @ fc_weight.T  # nn.Linear, bias=False
    results = jax.nn.relu(results)
    return results

if __name__ == "__main__":
    import jax
    _d = setup_inputs()
    print(jax.jit(kernel)(*tuple(_d.values())))

</pallas_src>

<mosaic_0001>
#map = affine_map<(d0, d1) -> (0, 0)>
#map1 = affine_map<(d0, d1) -> (0)>
module attributes {stable_mosaic.version = 14 : i64} {
  func.func @_sc_gather_acc(%arg0: i32, %arg1: i32, %arg2: memref<50000x128xf32, #tpu.memory_space<hbm>>, %arg3: memref<602496xi32, #tpu.memory_space<hbm>>, %arg4: memref<4x128xf32, #tpu.memory_space<hbm>>, %arg5: memref<50176x128xf32, #tpu.memory_space<hbm>>, %arg6: memref<768xi32, #tpu.memory_space<vmem>>, %arg7: memref<768x128xf32, #tpu.memory_space<vmem>>, %arg8: memref<64x128xf32, #tpu.memory_space<vmem>>, %arg9: memref<4x128xf32, #tpu.memory_space<vmem>>, %arg10: memref<!tpu.dma_semaphore, #tpu.memory_space<semaphore_mem>>, %arg11: memref<!tpu.dma_semaphore, #tpu.memory_space<semaphore_mem>>, %arg12: memref<!tpu.dma_semaphore, #tpu.memory_space<semaphore_mem>>) attributes {dimension_semantics = [#tpu.dimension_semantics<core_parallel>, #tpu.dimension_semantics<subcore_parallel>], iteration_bounds = array<i64: 2, 16>, scalar_prefetch = 0 : i64, scratch_operands = 7 : i64, tpu.core_type = #tpu.core_type<sc_vector_subcore>, window_params = [{transform_indices = #map}, {transform_indices = #map1}, {transform_indices = #map}, {transform_indices = #map}]} {
    %mul3A = arith.constant 16 : i32
    %mul3A_0 = arith.muli %arg0, %mul3A : i32
    %add3A = arith.addi %mul3A_0, %arg1 : i32
    "tpu.region"() ({
      %run_scoped3A = tpu.sem_alloc : memref<!tpu.dma_semaphore, #tpu.memory_space<semaphore_mem>>
      tpu.enqueue_dma source(%arg4 : memref<4x128xf32, #tpu.memory_space<hbm>>) target(%arg9 : memref<4x128xf32, #tpu.memory_space<vmem>>) target_semaphore(%run_scoped3A : memref<!tpu.dma_semaphore, #tpu.memory_space<semaphore_mem>>)
      tpu.wait_dma2 semaphore(%run_scoped3A : memref<!tpu.dma_semaphore, #tpu.memory_space<semaphore_mem>>) src(%arg4 : memref<4x128xf32, #tpu.memory_space<hbm>>) dst(%arg9 : memref<4x128xf32, #tpu.memory_space<vmem>>)
      tpu.yield
    }) : () -> ()
    %mul3A_1 = arith.constant 1568 : i32
    %mul3A_2 = arith.muli %add3A, %mul3A_1 : i32
    %add3A_3 = arith.constant 0 : i32
    %add3A_4 = arith.addi %mul3A_2, %add3A_3 : i32
    %mul3A_5 = arith.constant 12 : i32
    %mul3A_6 = arith.muli %add3A_4, %mul3A_5 : i32
    %dma_start3A = arith.constant 0 : i32
    %dma_start3A_7 = tpu.memref_slice %arg6[%dma_start3A] : memref<768xi32, #tpu.memory_space<vmem>> -> memref<384xi32, #tpu.memory_space<vmem>>
    %dma_start3A_8 = tpu.memref_slice %arg3[%mul3A_6] : memref<602496xi32, #tpu.memory_space<hbm>> -> memref<384xi32, #tpu.memory_space<hbm>>
    %dma_start3A_9 = arith.constant 0 : i32
    %dma_start3A_10 = tpu.memref_slice %arg6[%dma_start3A_9] : memref<768xi32, #tpu.memory_space<vmem>> -> memref<384xi32, #tpu.memory_space<vmem>>
    %dma_start3A_11 = tpu.memref_slice %arg3[%mul3A_6] : memref<602496xi32, #tpu.memory_space<hbm>> -> memref<384xi32, #tpu.memory_space<hbm>>
    tpu.enqueue_dma source(%dma_start3A_11 : memref<384xi32, #tpu.memory_space<hbm>>) target(%dma_start3A_10 : memref<384xi32, #tpu.memory_space<vmem>>) target_semaphore(%arg10 : memref<!tpu.dma_semaphore, #tpu.memory_space<semaphore_mem>>)
    %mul3A_12 = arith.constant 1568 : i32
    %mul3A_13 = arith.muli %add3A, %mul3A_12 : i32
    %add3A_14 = arith.constant 32 : i32
    %add3A_15 = arith.addi %mul3A_13, %add3A_14 : i32
    %mul3A_16 = arith.constant 12 : i32
    %mul3A_17 = arith.muli %add3A_15, %mul3A_16 : i32
    %dma_start3A_18 = arith.constant 384 : i32
    %dma_start3A_19 = tpu.memref_slice %arg6[%dma_start3A_18] : memref<768xi32, #tpu.memory_space<vmem>> -> memref<384xi32, #tpu.memory_space<vmem>>
    %dma_start3A_20 = tpu.memref_slice %arg3[%mul3A_17] : memref<602496xi32, #tpu.memory_space<hbm>> -> memref<384xi32, #tpu.memory_space<hbm>>
    %dma_start3A_21 = arith.constant 384 : i32
    %dma_start3A_22 = tpu.memref_slice %arg6[%dma_start3A_21] : memref<768xi32, #tpu.memory_space<vmem>> -> memref<384xi32, #tpu.memory_space<vmem>>
    %dma_start3A_23 = tpu.memref_slice %arg3[%mul3A_17] : memref<602496xi32, #tpu.memory_space<hbm>> -> memref<384xi32, #tpu.memory_space<hbm>>
    tpu.enqueue_dma source(%dma_start3A_23 : memref<384xi32, #tpu.memory_space<hbm>>) target(%dma_start3A_22 : memref<384xi32, #tpu.memory_space<vmem>>) target_semaphore(%arg10 : memref<!tpu.dma_semaphore, #tpu.memory_space<semaphore_mem>>)
    %mul3A_24 = arith.constant 1568 : i32
    %mul3A_25 = arith.muli %add3A, %mul3A_24 : i32
    %add3A_26 = arith.constant 0 : i32
    %add3A_27 = arith.addi %mul3A_25, %add3A_26 : i32
    %mul3A_28 = arith.constant 12 : i32
    %mul3A_29 = arith.muli %add3A_27, %mul3A_28 : i32
    %dma_wait3A = arith.constant 0 : i32
    %dma_wait3A_30 = tpu.memref_slice %arg6[%dma_wait3A] : memref<768xi32, #tpu.memory_space<vmem>> -> memref<384xi32, #tpu.memory_space<vmem>>
    %dma_wait3A_31 = tpu.memref_slice %arg3[%mul3A_29] : memref<602496xi32, #tpu.memory_space<hbm>> -> memref<384xi32, #tpu.memory_space<hbm>>
    %dma_wait3A_32 = arith.constant 0 : i32
    %dma_wait3A_33 = tpu.memref_slice %arg6[%dma_wait3A_32] : memref<768xi32, #tpu.memory_space<vmem>> -> memref<384xi32, #tpu.memory_space<vmem>>
    %dma_wait3A_34 = tpu.memref_slice %arg3[%mul3A_29] : memref<602496xi32, #tpu.memory_space<hbm>> -> memref<384xi32, #tpu.memory_space<hbm>>
    tpu.wait_dma2 semaphore(%arg10 : memref<!tpu.dma_semaphore, #tpu.memory_space<semaphore_mem>>) src(%dma_wait3A_34 : memref<384xi32, #tpu.memory_space<hbm>>) dst(%dma_wait3A_33 : memref<384xi32, #tpu.memory_space<vmem>>)
    %dma_start3A_35 = arith.constant 0 : i32
    %dma_start3A_36 = arith.constant 0 : i32
    %dma_start3A_37 = tpu.memref_slice %arg7[%dma_start3A_35, %dma_start3A_36] : memref<768x128xf32, #tpu.memory_space<vmem>> -> memref<128x128xf32, #tpu.memory_space<vmem>>
    %dma_start3A_38 = arith.constant 0 : i32
    %dma_start3A_39 = tpu.memref_slice %arg6[%dma_start3A_38] : memref<768xi32, #tpu.memory_space<vmem>> -> memref<128xi32, #tpu.memory_space<vmem>>
    %dma_start3A_40 = arith.constant 0 : i32
    %dma_start3A_41 = arith.constant 0 : i32
    %dma_start3A_42 = tpu.memref_slice %arg2[%dma_start3A_40, %dma_start3A_41] : memref<50000x128xf32, #tpu.memory_space<hbm>> -> memref<50000x128xf32, #tpu.memory_space<hbm>>
    tpu.enqueue_indirect_dma source(%dma_start3A_42 : memref<50000x128xf32, #tpu.memory_space<hbm>>) target(%dma_start3A_37 : memref<128x128xf32, #tpu.memory_space<vmem>>) offsets(%dma_start3A_39 : memref<128xi32, #tpu.memory_space<vmem>>) semaphore(%arg11 : memref<!tpu.dma_semaphore, #tpu.memory_space<semaphore_mem>>)
    %dma_start3A_43 = arith.constant 128 : i32
    %dma_start3A_44 = arith.constant 0 : i32
    %dma_start3A_45 = tpu.memref_slice %arg7[%dma_start3A_43, %dma_start3A_44] : memref<768x128xf32, #tpu.memory_space<vmem>> -> memref<128x128xf32, #tpu.memory_space<vmem>>
    %dma_start3A_46 = arith.constant 128 : i32
    %dma_start3A_47 = tpu.memref_slice %arg6[%dma_start3A_46] : memref<768xi32, #tpu.memory_space<vmem>> -> memref<128xi32, #tpu.memory_space<vmem>>
    %dma_start3A_48 = arith.constant 0 : i32
    %dma_start3A_49 = arith.constant 0 : i32
    %dma_start3A_50 = tpu.memref_slice %arg2[%dma_start3A_48, %dma_start3A_49] : memref<50000x128xf32, #tpu.memory_space<hbm>> -> memref<50000x128xf32, #tpu.memory_space<hbm>>
    tpu.enqueue_indirect_dma source(%dma_start3A_50 : memref<50000x128xf32, #tpu.memory_space<hbm>>) target(%dma_start3A_45 : memref<128x128xf32, #tpu.memory_space<vmem>>) offsets(%dma_start3A_47 : memref<128xi32, #tpu.memory_space<vmem>>) semaphore(%arg11 : memref<!tpu.dma_semaphore, #tpu.memory_space<semaphore_mem>>)
    %dma_start3A_51 = arith.constant 256 : i32
    %dma_start3A_52 = arith.constant 0 : i32
    %dma_start3A_53 = tpu.memref_slice %arg7[%dma_start3A_51, %dma_start3A_52] : memref<768x128xf32, #tpu.memory_space<vmem>> -> memref<128x128xf32, #tpu.memory_space<vmem>>
    %dma_start3A_54 = arith.constant 256 : i32
    %dma_start3A_55 = tpu.memref_slice %arg6[%dma_start3A_54] : memref<768xi32, #tpu.memory_space<vmem>> -> memref<128xi32, #tpu.memory_space<vmem>>
    %dma_start3A_56 = arith.constant 0 : i32
    %dma_start3A_57 = arith.constant 0 : i32
    %dma_start3A_58 = tpu.memref_slice %arg2[%dma_start3A_56, %dma_start3A_57] : memref<50000x128xf32, #tpu.memory_space<hbm>> -> memref<50000x128xf32, #tpu.memory_space<hbm>>
    tpu.enqueue_indirect_dma source(%dma_start3A_58 : memref<50000x128xf32, #tpu.memory_space<hbm>>) target(%dma_start3A_53 : memref<128x128xf32, #tpu.memory_space<vmem>>) offsets(%dma_start3A_55 : memref<128xi32, #tpu.memory_space<vmem>>) semaphore(%arg11 : memref<!tpu.dma_semaphore, #tpu.memory_space<semaphore_mem>>)
    %mul3A_59 = arith.constant 1568 : i32
    %mul3A_60 = arith.muli %add3A, %mul3A_59 : i32
    %add3A_61 = arith.constant 0 : i32
    %add3A_62 = arith.addi %mul3A_60, %add3A_61 : i32
    %dma_start3A_63 = arith.constant 0 : i32
    %dma_start3A_64 = arith.constant 0 : i32
    %dma_start3A_65 = tpu.memref_slice %arg8[%dma_start3A_63, %dma_start3A_64] : memref<64x128xf32, #tpu.memory_space<vmem>> -> memref<32x128xf32, #tpu.memory_space<vmem>>
    %dma_start3A_66 = arith.constant 0 : i32
    %dma_start3A_67 = tpu.memref_slice %arg5[%add3A_62, %dma_start3A_66] : memref<50176x128xf32, #tpu.memory_space<hbm>> -> memref<32x128xf32, #tpu.memory_space<hbm>>
    %dma_start3A_68 = arith.constant 0 : i32
    %dma_start3A_69 = tpu.memref_slice %arg5[%add3A_62, %dma_start3A_68] : memref<50176x128xf32, #tpu.memory_space<hbm>> -> memref<32x128xf32, #tpu.memory_space<hbm>>
    %dma_start3A_70 = arith.constant 0 : i32
    %dma_start3A_71 = arith.constant 0 : i32
    %dma_start3A_72 = tpu.memref_slice %arg8[%dma_start3A_70, %dma_start3A_71] : memref<64x128xf32, #tpu.memory_space<vmem>> -> memref<32x128xf32, #tpu.memory_space<vmem>>
    tpu.enqueue_dma source(%dma_start3A_72 : memref<32x128xf32, #tpu.memory_space<vmem>>) target(%dma_start3A_69 : memref<32x128xf32, #tpu.memory_space<hbm>>) target_semaphore(%arg12 : memref<!tpu.dma_semaphore, #tpu.memory_space<semaphore_mem>>)
    %mul3A_73 = arith.constant 1568 : i32
    %mul3A_74 = arith.muli %add3A, %mul3A_73 : i32
    %add3A_75 = arith.constant 32 : i32
    %add3A_76 = arith.addi %mul3A_74, %add3A_75 : i32
    %dma_start3A_77 = arith.constant 32 : i32
    %dma_start3A_78 = arith.constant 0 : i32
    %dma_start3A_79 = tpu.memref_slice %arg8[%dma_start3A_77, %dma_start3A_78] : memref<64x128xf32, #tpu.memory_space<vmem>> -> memref<32x128xf32, #tpu.memory_space<vmem>>
    %dma_start3A_80 = arith.constant 0 : i32
    %dma_start3A_81 = tpu.memref_slice %arg5[%add3A_76, %dma_start3A_80] : memref<50176x128xf32, #tpu.memory_space<hbm>> -> memref<32x128xf32, #tpu.memory_space<hbm>>
    %dma_start3A_82 = arith.constant 0 : i32
    %dma_start3A_83 = tpu.memref_slice %arg5[%add3A_76, %dma_start3A_82] : memref<50176x128xf32, #tpu.memory_space<hbm>> -> memref<32x128xf32, #tpu.memory_space<hbm>>
    %dma_start3A_84 = arith.constant 32 : i32
    %dma_start3A_85 = arith.constant 0 : i32
    %dma_start3A_86 = tpu.memref_slice %arg8[%dma_start3A_84, %dma_start3A_85] : memref<64x128xf32, #tpu.memory_space<vmem>> -> memref<32x128xf32, #tpu.memory_space<vmem>>
    tpu.enqueue_dma source(%dma_start3A_86 : memref<32x128xf32, #tpu.memory_space<vmem>>) target(%dma_start3A_83 : memref<32x128xf32, #tpu.memory_space<hbm>>) target_semaphore(%arg12 : memref<!tpu.dma_semaphore, #tpu.memory_space<semaphore_mem>>)
    %scan3A = arith.constant 0 : i32
    %scan3A_87 = arith.constant 0 : i32
    %scan3A_88 = arith.constant 48 : i32
    %scan3A_89 = arith.addi %scan3A_87, %scan3A_88 : i32
    %scan3A_90 = arith.constant 1 : i32
    scf.for %scan3A_343 = %scan3A_87 to %scan3A_89 step %scan3A_90  : i32 {
      %rem3A = arith.constant 2 : i32
      %rem3A_344 = arith.remsi %scan3A_343, %rem3A : i32
      %sub3A = arith.constant 1 : i32
      %sub3A_345 = arith.subi %sub3A, %rem3A_344 : i32
      %add3A_346 = arith.constant 1 : i32
      %add3A_347 = arith.addi %scan3A_343, %add3A_346 : i32
      %mul3A_348 = arith.constant 1568 : i32
      %mul3A_349 = arith.muli %add3A, %mul3A_348 : i32
      %mul3A_350 = arith.constant 32 : i32
      %mul3A_351 = arith.muli %add3A_347, %mul3A_350 : i32
      %add3A_352 = arith.addi %mul3A_349, %mul3A_351 : i32
      %mul3A_353 = arith.constant 12 : i32
      %mul3A_354 = arith.muli %add3A_352, %mul3A_353 : i32
      %mul3A_355 = arith.constant 384 : i32
      %mul3A_356 = arith.muli %sub3A_345, %mul3A_355 : i32
      %dma_wait3A_357 = tpu.memref_slice %arg6[%mul3A_356] : memref<768xi32, #tpu.memory_space<vmem>> -> memref<384xi32, #tpu.memory_space<vmem>>
      %dma_wait3A_358 = tpu.memref_slice %arg3[%mul3A_354] : memref<602496xi32, #tpu.memory_space<hbm>> -> memref<384xi32, #tpu.memory_space<hbm>>
      %dma_wait3A_359 = tpu.memref_slice %arg6[%mul3A_356] : memref<768xi32, #tpu.memory_space<vmem>> -> memref<384xi32, #tpu.memory_space<vmem>>
      %dma_wait3A_360 = tpu.memref_slice %arg3[%mul3A_354] : memref<602496xi32, #tpu.memory_space<hbm>> -> memref<384xi32, #tpu.memory_space<hbm>>
      tpu.wait_dma2 semaphore(%arg10 : memref<!tpu.dma_semaphore, #tpu.memory_space<semaphore_mem>>) src(%dma_wait3A_360 : memref<384xi32, #tpu.memory_space<hbm>>) dst(%dma_wait3A_359 : memref<384xi32, #tpu.memory_space<vmem>>)
      %mul3A_361 = arith.constant 384 : i32
      %mul3A_362 = arith.muli %sub3A_345, %mul3A_361 : i32
      %add3A_363 = arith.constant 0 : i32
      %add3A_364 = arith.addi %mul3A_362, %add3A_363 : i32
      %mul3A_365 = arith.constant 384 : i32
      %mul3A_366 = arith.muli %sub3A_345, %mul3A_365 : i32
      %add3A_367 = arith.constant 0 : i32
      %add3A_368 = arith.addi %mul3A_366, %add3A_367 : i32
      %mul3A_369 = arith.constant 384 : i32
      %mul3A_370 = arith.muli %sub3A_345, %mul3A_369 : i32
      %add3A_371 = arith.constant 128 : i32
      %add3A_372 = arith.addi %mul3A_370, %add3A_371 : i32
      %mul3A_373 = arith.constant 384 : i32
      %mul3A_374 = arith.muli %sub3A_345, %mul3A_373 : i32
      %add3A_375 = arith.constant 128 : i32
      %add3A_376 = arith.addi %mul3A_374, %add3A_375 : i32
      %mul3A_377 = arith.constant 384 : i32
      %mul3A_378 = arith.muli %sub3A_345, %mul3A_377 : i32
      %add3A_379 = arith.constant 256 : i32
      %add3A_380 = arith.addi %mul3A_378, %add3A_379 : i32
      %mul3A_381 = arith.constant 384 : i32
      %mul3A_382 = arith.muli %sub3A_345, %mul3A_381 : i32
      %add3A_383 = arith.constant 256 : i32
      %add3A_384 = arith.addi %mul3A_382, %add3A_383 : i32
      %dma_start3A_385 = arith.constant 0 : i32
      %dma_start3A_386 = tpu.memref_slice %arg7[%add3A_368, %dma_start3A_385] : memref<768x128xf32, #tpu.memory_space<vmem>> -> memref<128x128xf32, #tpu.memory_space<vmem>>
      %dma_start3A_387 = tpu.memref_slice %arg6[%add3A_364] : memref<768xi32, #tpu.memory_space<vmem>> -> memref<128xi32, #tpu.memory_space<vmem>>
      %dma_start3A_388 = arith.constant 0 : i32
      %dma_start3A_389 = arith.constant 0 : i32
      %dma_start3A_390 = tpu.memref_slice %arg2[%dma_start3A_388, %dma_start3A_389] : memref<50000x128xf32, #tpu.memory_space<hbm>> -> memref<50000x128xf32, #tpu.memory_space<hbm>>
      tpu.enqueue_indirect_dma source(%dma_start3A_390 : memref<50000x128xf32, #tpu.memory_space<hbm>>) target(%dma_start3A_386 : memref<128x128xf32, #tpu.memory_space<vmem>>) offsets(%dma_start3A_387 : memref<128xi32, #tpu.memory_space<vmem>>) semaphore(%arg11 : memref<!tpu.dma_semaphore, #tpu.memory_space<semaphore_mem>>)
      %dma_start3A_391 = arith.constant 0 : i32
      %dma_start3A_392 = tpu.memref_slice %arg7[%add3A_376, %dma_start3A_391] : memref<768x128xf32, #tpu.memory_space<vmem>> -> memref<128x128xf32, #tpu.memory_space<vmem>>
      %dma_start3A_393 = tpu.memref_slice %arg6[%add3A_372] : memref<768xi32, #tpu.memory_space<vmem>> -> memref<128xi32, #tpu.memory_space<vmem>>
      %dma_start3A_394 = arith.constant 0 : i32
      %dma_start3A_395 = arith.constant 0 : i32
      %dma_start3A_396 = tpu.memref_slice %arg2[%dma_start3A_394, %dma_start3A_395] : memref<50000x128xf32, #tpu.memory_space<hbm>> -> memref<50000x128xf32, #tpu.memory_space<hbm>>
      tpu.enqueue_indirect_dma source(%dma_start3A_396 : memref<50000x128xf32, #tpu.memory_space<hbm>>) target(%dma_start3A_392 : memref<128x128xf32, #tpu.memory_space<vmem>>) offsets(%dma_start3A_393 : memref<128xi32, #tpu.memory_space<vmem>>) semaphore(%arg11 : memref<!tpu.dma_semaphore, #tpu.memory_space<semaphore_mem>>)
      %dma_start3A_397 = arith.constant 0 : i32
      %dma_start3A_398 = tpu.memref_slice %arg7[%add3A_384, %dma_start3A_397] : memref<768x128xf32, #tpu.memory_space<vmem>> -> memref<128x128xf32, #tpu.memory_space<vmem>>
      %dma_start3A_399 = tpu.memref_slice %arg6[%add3A_380] : memref<768xi32, #tpu.memory_space<vmem>> -> memref<128xi32, #tpu.memory_space<vmem>>
      %dma_start3A_400 = arith.constant 0 : i32
      %dma_start3A_401 = arith.constant 0 : i32
      %dma_start3A_402 = tpu.memref_slice %arg2[%dma_start3A_400, %dma_start3A_401] : memref<50000x128xf32, #tpu.memory_space<hbm>> -> memref<50000x128xf32, #tpu.memory_space<hbm>>
      tpu.enqueue_indirect_dma source(%dma_start3A_402 : memref<50000x128xf32, #tpu.memory_space<hbm>>) target(%dma_start3A_398 : memref<128x128xf32, #tpu.memory_space<vmem>>) offsets(%dma_start3A_399 : memref<128xi32, #tpu.memory_space<vmem>>) semaphore(%arg11 : memref<!tpu.dma_semaphore, #tpu.memory_space<semaphore_mem>>)
      %mul3A_403 = arith.constant 384 : i32
      %mul3A_404 = arith.muli %rem3A_344, %mul3A_403 : i32
      %add3A_405 = arith.constant 0 : i32
      %add3A_406 = arith.addi %mul3A_404, %add3A_405 : i32
      %mul3A_407 = arith.constant 384 : i32
      %mul3A_408 = arith.muli %rem3A_344, %mul3A_407 : i32
      %add3A_409 = arith.constant 0 : i32
      %add3A_410 = arith.addi %mul3A_408, %add3A_409 : i32
      %mul3A_411 = arith.constant 384 : i32
      %mul3A_412 = arith.muli %rem3A_344, %mul3A_411 : i32
      %add3A_413 = arith.constant 128 : i32
      %add3A_414 = arith.addi %mul3A_412, %add3A_413 : i32
      %mul3A_415 = arith.constant 384 : i32
      %mul3A_416 = arith.muli %rem3A_344, %mul3A_415 : i32
      %add3A_417 = arith.constant 128 : i32
      %add3A_418 = arith.addi %mul3A_416, %add3A_417 : i32
      %mul3A_419 = arith.constant 384 : i32
      %mul3A_420 = arith.muli %rem3A_344, %mul3A_419 : i32
      %add3A_421 = arith.constant 256 : i32
      %add3A_422 = arith.addi %mul3A_420, %add3A_421 : i32
      %mul3A_423 = arith.constant 384 : i32
      %mul3A_424 = arith.muli %rem3A_344, %mul3A_423 : i32
      %add3A_425 = arith.constant 256 : i32
      %add3A_426 = arith.addi %mul3A_424, %add3A_425 : i32
      %dma_wait3A_427 = arith.constant 0 : i32
      %dma_wait3A_428 = tpu.memref_slice %arg7[%add3A_410, %dma_wait3A_427] : memref<768x128xf32, #tpu.memory_space<vmem>> -> memref<128x128xf32, #tpu.memory_space<vmem>>
      %dma_wait3A_429 = tpu.memref_slice %arg6[%add3A_406] : memref<768xi32, #tpu.memory_space<vmem>> -> memref<128xi32, #tpu.memory_space<vmem>>
      %dma_wait3A_430 = arith.constant 0 : i32
      %dma_wait3A_431 = arith.constant 0 : i32
      %dma_wait3A_432 = tpu.memref_slice %arg2[%dma_wait3A_430, %dma_wait3A_431] : memref<50000x128xf32, #tpu.memory_space<hbm>> -> memref<50000x128xf32, #tpu.memory_space<hbm>>
      tpu.wait_indirect_dma semaphore(%arg11 : memref<!tpu.dma_semaphore, #tpu.memory_space<semaphore_mem>>) src(%dma_wait3A_432 : memref<50000x128xf32, #tpu.memory_space<hbm>>) dst(%dma_wait3A_428 : memref<128x128xf32, #tpu.memory_space<vmem>>)
      %dma_wait3A_433 = arith.constant 0 : i32
      %dma_wait3A_434 = tpu.memref_slice %arg7[%add3A_418, %dma_wait3A_433] : memref<768x128xf32, #tpu.memory_space<vmem>> -> memref<128x128xf32, #tpu.memory_space<vmem>>
      %dma_wait3A_435 = tpu.memref_slice %arg6[%add3A_414] : memref<768xi32, #tpu.memory_space<vmem>> -> memref<128xi32, #tpu.memory_space<vmem>>
      %dma_wait3A_436 = arith.constant 0 : i32
      %dma_wait3A_437 = arith.constant 0 : i32
      %dma_wait3A_438 = tpu.memref_slice %arg2[%dma_wait3A_436, %dma_wait3A_437] : memref<50000x128xf32, #tpu.memory_space<hbm>> -> memref<50000x128xf32, #tpu.memory_space<hbm>>
      tpu.wait_indirect_dma semaphore(%arg11 : memref<!tpu.dma_semaphore, #tpu.memory_space<semaphore_mem>>) src(%dma_wait3A_438 : memref<50000x128xf32, #tpu.memory_space<hbm>>) dst(%dma_wait3A_434 : memref<128x128xf32, #tpu.memory_space<vmem>>)
      %dma_wait3A_439 = arith.constant 0 : i32
      %dma_wait3A_440 = tpu.memref_slice %arg7[%add3A_426, %dma_wait3A_439] : memref<768x128xf32, #tpu.memory_space<vmem>> -> memref<128x128xf32, #tpu.memory_space<vmem>>
      %dma_wait3A_441 = tpu.memref_slice %arg6[%add3A_422] : memref<768xi32, #tpu.memory_space<vmem>> -> memref<128xi32, #tpu.memory_space<vmem>>
      %dma_wait3A_442 = arith.constant 0 : i32
      %dma_wait3A_443 = arith.constant 0 : i32
      %dma_wait3A_444 = tpu.memref_slice %arg2[%dma_wait3A_442, %dma_wait3A_443] : memref<50000x128xf32, #tpu.memory_space<hbm>> -> memref<50000x128xf32, #tpu.memory_space<hbm>>
      tpu.wait_indirect_dma semaphore(%arg11 : memref<!tpu.dma_semaphore, #tpu.memory_space<semaphore_mem>>) src(%dma_wait3A_444 : memref<50000x128xf32, #tpu.memory_space<hbm>>) dst(%dma_wait3A_440 : memref<128x128xf32, #tpu.memory_space<vmem>>)
      %add3A_445 = arith.constant 2 : i32
      %add3A_446 = arith.addi %scan3A_343, %add3A_445 : i32
      %mul3A_447 = arith.constant 1568 : i32
      %mul3A_448 = arith.muli %add3A, %mul3A_447 : i32
      %mul3A_449 = arith.constant 32 : i32
      %mul3A_450 = arith.muli %add3A_446, %mul3A_449 : i32
      %add3A_451 = arith.addi %mul3A_448, %mul3A_450 : i32
      %mul3A_452 = arith.constant 12 : i32
      %mul3A_453 = arith.muli %add3A_451, %mul3A_452 : i32
      %mul3A_454 = arith.constant 384 : i32
      %mul3A_455 = arith.muli %rem3A_344, %mul3A_454 : i32
      %dma_start3A_456 = tpu.memref_slice %arg6[%mul3A_455] : memref<768xi32, #tpu.memory_space<vmem>> -> memref<384xi32, #tpu.memory_space<vmem>>
      %dma_start3A_457 = tpu.memref_slice %arg3[%mul3A_453] : memref<602496xi32, #tpu.memory_space<hbm>> -> memref<384xi32, #tpu.memory_space<hbm>>
      %dma_start3A_458 = tpu.memref_slice %arg6[%mul3A_455] : memref<768xi32, #tpu.memory_space<vmem>> -> memref<384xi32, #tpu.memory_space<vmem>>
      %dma_start3A_459 = tpu.memref_slice %arg3[%mul3A_453] : memref<602496xi32, #tpu.memory_space<hbm>> -> memref<384xi32, #tpu.memory_space<hbm>>
      tpu.enqueue_dma source(%dma_start3A_459 : memref<384xi32, #tpu.memory_space<hbm>>) target(%dma_start3A_458 : memref<384xi32, #tpu.memory_space<vmem>>) target_semaphore(%arg10 : memref<!tpu.dma_semaphore, #tpu.memory_space<semaphore_mem>>)
      %mul3A_460 = arith.constant 1568 : i32
      %mul3A_461 = arith.muli %add3A, %mul3A_460 : i32
      %mul3A_462 = arith.constant 32 : i32
      %mul3A_463 = arith.muli %scan3A_343, %mul3A_462 : i32
      %add3A_464 = arith.addi %mul3A_461, %mul3A_463 : i32
      %mul3A_465 = arith.constant 32 : i32
      %mul3A_466 = arith.muli %rem3A_344, %mul3A_465 : i32
      %dma_wait3A_467 = arith.constant 0 : i32
      %dma_wait3A_468 = tpu.memref_slice %arg8[%mul3A_466, %dma_wait3A_467] : memref<64x128xf32, #tpu.memory_space<vmem>> -> memref<32x128xf32, #tpu.memory_space<vmem>>
      %dma_wait3A_469 = arith.constant 0 : i32
      %dma_wait3A_470 = tpu.memref_slice %arg5[%add3A_464, %dma_wait3A_469] : memref<50176x128xf32, #tpu.memory_space<hbm>> -> memref<32x128xf32, #tpu.memory_space<hbm>>
      %dma_wait3A_471 = arith.constant 0 : i32
      %dma_wait3A_472 = tpu.memref_slice %arg5[%add3A_464, %dma_wait3A_471] : memref<50176x128xf32, #tpu.memory_space<hbm>> -> memref<32x128xf32, #tpu.memory_space<hbm>>
      %dma_wait3A_473 = arith.constant 0 : i32
      %dma_wait3A_474 = tpu.memref_slice %arg8[%mul3A_466, %dma_wait3A_473] : memref<64x128xf32, #tpu.memory_space<vmem>> -> memref<32x128xf32, #tpu.memory_space<vmem>>
      tpu.wait_dma2 semaphore(%arg12 : memref<!tpu.dma_semaphore, #tpu.memory_space<semaphore_mem>>) src(%dma_wait3A_474 : memref<32x128xf32, #tpu.memory_space<vmem>>) dst(%dma_wait3A_472 : memref<32x128xf32, #tpu.memory_space<hbm>>)
      %mul3A_475 = arith.constant 384 : i32
      %mul3A_476 = arith.muli %rem3A_344, %mul3A_475 : i32
      %mul3A_477 = arith.constant 32 : i32
      %mul3A_478 = arith.muli %rem3A_344, %mul3A_477 : i32
      %get3A_479 = arith.constant 0 : i32
      %get3A_480 = arith.index_cast %get3A_479 : i32 to index
      %get3A_481 = arith.constant 0 : index
      %get3A_482 = tpu.vector_load %arg9[%get3A_480, %get3A_481] {strides = array<i32>} : memref<4x128xf32, #tpu.memory_space<vmem>>, vector<1x16xf32>,
      %get3A_483 = vector.shape_cast %get3A_482 : vector<1x16xf32> to vector<16xf32>
      %get3A_484 = arith.constant 1 : i32
      %get3A_485 = arith.index_cast %get3A_484 : i32 to index
      %get3A_486 = arith.constant 0 : index
      %get3A_487 = tpu.vector_load %arg9[%get3A_485, %get3A_486] {strides = array<i32>} : memref<4x128xf32, #tpu.memory_space<vmem>>, vector<1x16xf32>,
      %get3A_488 = vector.shape_cast %get3A_487 : vector<1x16xf32> to vector<16xf32>
      %get3A_489 = arith.constant 2 : i32
      %get3A_490 = arith.index_cast %get3A_489 : i32 to index
      %get3A_491 = arith.constant 0 : index
      %get3A_492 = tpu.vector_load %arg9[%get3A_490, %get3A_491] {strides = array<i32>} : memref<4x128xf32, #tpu.memory_space<vmem>>, vector<1x16xf32>,
      %get3A_493 = vector.shape_cast %get3A_492 : vector<1x16xf32> to vector<16xf32>
      %get3A_494 = arith.constant 3 : i32
      %get3A_495 = arith.index_cast %get3A_494 : i32 to index
      %get3A_496 = arith.constant 0 : index
      %get3A_497 = tpu.vector_load %arg9[%get3A_495, %get3A_496] {strides = array<i32>} : memref<4x128xf32, #tpu.memory_space<vmem>>, vector<1x16xf32>,
      %get3A_498 = vector.shape_cast %get3A_497 : vector<1x16xf32> to vector<16xf32>
      %get3A_499 = arith.constant 0 : i32
      %get3A_500 = arith.index_cast %get3A_499 : i32 to index
      %get3A_501 = arith.constant 16 : index
      %get3A_502 = tpu.vector_load %arg9[%get3A_500, %get3A_501] {strides = array<i32>} : memref<4x128xf32, #tpu.memory_space<vmem>>, vector<1x16xf32>,
      %get3A_503 = vector.shape_cast %get3A_502 : vector<1x16xf32> to vector<16xf32>
      %get3A_504 = arith.constant 1 : i32
      %get3A_505 = arith.index_cast %get3A_504 : i32 to index
      %get3A_506 = arith.constant 16 : index
      %get3A_507 = tpu.vector_load %arg9[%get3A_505, %get3A_506] {strides = array<i32>} : memref<4x128xf32, #tpu.memory_space<vmem>>, vector<1x16xf32>,
      %get3A_508 = vector.shape_cast %get3A_507 : vector<1x16xf32> to vector<16xf32>
      %get3A_509 = arith.constant 2 : i32
      %get3A_510 = arith.index_cast %get3A_509 : i32 to index
      %get3A_511 = arith.constant 16 : index
      %get3A_512 = tpu.vector_load %arg9[%get3A_510, %get3A_511] {strides = array<i32>} : memref<4x128xf32, #tpu.memory_space<vmem>>, vector<1x16xf32>,
      %get3A_513 = vector.shape_cast %get3A_512 : vector<1x16xf32> to vector<16xf32>
      %get3A_514 = arith.constant 3 : i32
      %get3A_515 = arith.index_cast %get3A_514 : i32 to index
      %get3A_516 = arith.constant 16 : index
      %get3A_517 = tpu.vector_load %arg9[%get3A_515, %get3A_516] {strides = array<i32>} : memref<4x128xf32, #tpu.memory_space<vmem>>, vector<1x16xf32>,
      %get3A_518 = vector.shape_cast %get3A_517 : vector<1x16xf32> to vector<16xf32>
      %get3A_519 = arith.constant 0 : i32
      %get3A_520 = arith.index_cast %get3A_519 : i32 to index
      %get3A_521 = arith.constant 32 : index
      %get3A_522 = tpu.vector_load %arg9[%get3A_520, %get3A_521] {strides = array<i32>} : memref<4x128xf32, #tpu.memory_space<vmem>>, vector<1x16xf32>,
      %get3A_523 = vector.shape_cast %get3A_522 : vector<1x16xf32> to vector<16xf32>
      %get3A_524 = arith.constant 1 : i32
      %get3A_525 = arith.index_cast %get3A_524 : i32 to index
      %get3A_526 = arith.constant 32 : index
      %get3A_527 = tpu.vector_load %arg9[%get3A_525, %get3A_526] {strides = array<i32>} : memref<4x128xf32, #tpu.memory_space<vmem>>, vector<1x16xf32>,
      %get3A_528 = vector.shape_cast %get3A_527 : vector<1x16xf32> to vector<16xf32>
      %get3A_529 = arith.constant 2 : i32
      %get3A_530 = arith.index_cast %get3A_529 : i32 to index
      %get3A_531 = arith.constant 32 : index
      %get3A_532 = tpu.vector_load %arg9[%get3A_530, %get3A_531] {strides = array<i32>} : memref<4x128xf32, #tpu.memory_space<vmem>>, vector<1x16xf32>,
      %get3A_533 = vector.shape_cast %get3A_532 : vector<1x16xf32> to vector<16xf32>
      %get3A_534 = arith.constant 3 : i32
      %get3A_535 = arith.index_cast %get3A_534 : i32 to index
      %get3A_536 = arith.constant 32 : index
      %get3A_537 = tpu.vector_load %arg9[%get3A_535, %get3A_536] {strides = array<i32>} : memref<4x128xf32, #tpu.memory_space<vmem>>, vector<1x16xf32>,
      %get3A_538 = vector.shape_cast %get3A_537 : vector<1x16xf32> to vector<16xf32>
      %get3A_539 = arith.constant 0 : i32
      %get3A_540 = arith.index_cast %get3A_539 : i32 to index
      %get3A_541 = arith.constant 48 : index
      %get3A_542 = tpu.vector_load %arg9[%get3A_540, %get3A_541] {strides = array<i32>} : memref<4x128xf32, #tpu.memory_space<vmem>>, vector<1x16xf32>,
      %get3A_543 = vector.shape_cast %get3A_542 : vector<1x16xf32> to vector<16xf32>
      %get3A_544 = arith.constant 1 : i32
      %get3A_545 = arith.index_cast %get3A_544 : i32 to index
      %get3A_546 = arith.constant 48 : index
      %get3A_547 = tpu.vector_load %arg9[%get3A_545, %get3A_546] {strides = array<i32>} : memref<4x128xf32, #tpu.memory_space<vmem>>, vector<1x16xf32>,
      %get3A_548 = vector.shape_cast %get3A_547 : vector<1x16xf32> to vector<16xf32>
      %get3A_549 = arith.constant 2 : i32
      %get3A_550 = arith.index_cast %get3A_549 : i32 to index
      %get3A_551 = arith.constant 48 : index
      %get3A_552 = tpu.vector_load %arg9[%get3A_550, %get3A_551] {strides = array<i32>} : memref<4x128xf32, #tpu.memory_space<vmem>>, vector<1x16xf32>,
      %get3A_553 = vector.shape_cast %get3A_552 : vector<1x16xf32> to vector<16xf32>
      %get3A_554 = arith.constant 3 : i32
      %get3A_555 = arith.index_cast %get3A_554 : i32 to index
      %get3A_556 = arith.constant 48 : index
      %get3A_557 = tpu.vector_load %arg9[%get3A_555, %get3A_556] {strides = array<i32>} : memref<4x128xf32, #tpu.memory_space<vmem>>, vector<1x16xf32>,
      %get3A_558 = vector.shape_cast %get3A_557 : vector<1x16xf32> to vector<16xf32>
      %scan3A_559 = arith.constant 0 : i32
      %scan3A_560 = arith.constant 0 : i32
      %scan3A_561 = arith.constant 32 : i32
      %scan3A_562 = arith.addi %scan3A_560, %scan3A_561 : i32
      %scan3A_563 = arith.constant 1 : i32
      scf.for %scan3A_666 = %scan3A_560 to %scan3A_562 step %scan3A_563  : i32 {
        %mul3A_667 = arith.constant 12 : i32
        %mul3A_668 = arith.muli %scan3A_666, %mul3A_667 : i32
        %add3A_669 = arith.addi %mul3A_476, %mul3A_668 : i32
        %get3A_670 = arith.index_cast %add3A_669 : i32 to index
        %get3A_671 = arith.constant 0 : index
        %get3A_672 = tpu.vector_load %arg7[%get3A_670, %get3A_671] {strides = array<i32>} : memref<768x128xf32, #tpu.memory_space<vmem>>, vector<1x16xf32>,
        %get3A_673 = vector.shape_cast %get3A_672 : vector<1x16xf32> to vector<16xf32>
        %mul3A_674 = arith.mulf %get3A_673, %get3A_483 : vector<16xf32>
        %add3A_675 = arith.constant 1 : i32
        %add3A_676 = arith.addi %add3A_669, %add3A_675 : i32
        %get3A_677 = arith.index_cast %add3A_676 : i32 to index
        %get3A_678 = arith.constant 0 : index
        %get3A_679 = tpu.vector_load %arg7[%get3A_677, %get3A_678] {strides = array<i32>} : memref<768x128xf32, #tpu.memory_space<vmem>>, vector<1x16xf32>,
        %get3A_680 = vector.shape_cast %get3A_679 : vector<1x16xf32> to vector<16xf32>
        %mul3A_681 = arith.mulf %get3A_680, %get3A_488 : vector<16xf32>
        %add3A_682 = arith.addf %mul3A_674, %mul3A_681 : vector<16xf32>
        %add3A_683 = arith.constant 2 : i32
        %add3A_684 = arith.addi %add3A_669, %add3A_683 : i32
        %get3A_685 = arith.index_cast %add3A_684 : i32 to index
        %get3A_686 = arith.constant 0 : index
        %get3A_687 = tpu.vector_load %arg7[%get3A_685, %get3A_686] {strides = array<i32>} : memref<768x128xf32, #tpu.memory_space<vmem>>, vector<1x16xf32>,
        %get3A_688 = vector.shape_cast %get3A_687 : vector<1x16xf32> to vector<16xf32>
        %mul3A_689 = arith.mulf %get3A_688, %get3A_493 : vector<16xf32>
        %add3A_690 = arith.addf %add3A_682, %mul3A_689 : vector<16xf32>
        %add3A_691 = arith.constant 3 : i32
        %add3A_692 = arith.addi %add3A_669, %add3A_691 : i32
        %get3A_693 = arith.index_cast %add3A_692 : i32 to index
        %get3A_694 = arith.constant 0 : index
        %get3A_695 = tpu.vector_load %arg7[%get3A_693, %get3A_694] {strides = array<i32>} : memref<768x128xf32, #tpu.memory_space<vmem>>, vector<1x16xf32>,
        %get3A_696 = vector.shape_cast %get3A_695 : vector<1x16xf32> to vector<16xf32>
        %mul3A_697 = arith.mulf %get3A_696, %get3A_498 : vector<16xf32>
        %add3A_698 = arith.addf %add3A_690, %mul3A_697 : vector<16xf32>
        %add3A_699 = arith.constant 4 : i32
        %add3A_700 = arith.addi %add3A_669, %add3A_699 : i32
        %get3A_701 = arith.index_cast %add3A_700 : i32 to index
        %get3A_702 = arith.constant 0 : index
        %get3A_703 = tpu.vector_load %arg7[%get3A_701, %get3A_702] {strides = array<i32>} : memref<768x128xf32, #tpu.memory_space<vmem>>, vector<1x16xf32>,
        %get3A_704 = vector.shape_cast %get3A_703 : vector<1x16xf32> to vector<16xf32>
        %mul3A_705 = arith.mulf %get3A_704, %get3A_483 : vector<16xf32>
        %add3A_706 = arith.addf %add3A_698, %mul3A_705 : vector<16xf32>
        %add3A_707 = arith.constant 5 : i32
        %add3A_708 = arith.addi %add3A_669, %add3A_707 : i32
        %get3A_709 = arith.index_cast %add3A_708 : i32 to index
        %get3A_710 = arith.constant 0 : index
        %get3A_711 = tpu.vector_load %arg7[%get3A_709, %get3A_710] {strides = array<i32>} : memref<768x128xf32, #tpu.memory_space<vmem>>, vector<1x16xf32>,
        %get3A_712 = vector.shape_cast %get3A_711 : vector<1x16xf32> to vector<16xf32>
        %mul3A_713 = arith.mulf %get3A_712, %get3A_488 : vector<16xf32>
        %add3A_714 = arith.addf %add3A_706, %mul3A_713 : vector<16xf32>
        %add3A_715 = arith.constant 6 : i32
        %add3A_716 = arith.addi %add3A_669, %add3A_715 : i32
        %get3A_717 = arith.index_cast %add3A_716 : i32 to index
        %get3A_718 = arith.constant 0 : index
        %get3A_719 = tpu.vector_load %arg7[%get3A_717, %get3A_718] {strides = array<i32>} : memref<768x128xf32, #tpu.memory_space<vmem>>, vector<1x16xf32>,
        %get3A_720 = vector.shape_cast %get3A_719 : vector<1x16xf32> to vector<16xf32>
        %mul3A_721 = arith.mulf %get3A_720, %get3A_493 : vector<16xf32>
        %add3A_722 = arith.addf %add3A_714, %mul3A_721 : vector<16xf32>
        %add3A_723 = arith.constant 7 : i32
        %add3A_724 = arith.addi %add3A_669, %add3A_723 : i32
        %get3A_725 = arith.index_cast %add3A_724 : i32 to index
        %get3A_726 = arith.constant 0 : index
        %get3A_727 = tpu.vector_load %arg7[%get3A_725, %get3A_726] {strides = array<i32>} : memref<768x128xf32, #tpu.memory_space<vmem>>, vector<1x16xf32>,
        %get3A_728 = vector.shape_cast %get3A_727 : vector<1x16xf32> to vector<16xf32>
        %mul3A_729 = arith.mulf %get3A_728, %get3A_498 : vector<16xf32>
        %add3A_730 = arith.addf %add3A_722, %mul3A_729 : vector<16xf32>
        %add3A_731 = arith.constant 8 : i32
        %add3A_732 = arith.addi %add3A_669, %add3A_731 : i32
        %get3A_733 = arith.index_cast %add3A_732 : i32 to index
        %get3A_734 = arith.constant 0 : index
        %get3A_735 = tpu.vector_load %arg7[%get3A_733, %get3A_734] {strides = array<i32>} : memref<768x128xf32, #tpu.memory_space<vmem>>, vector<1x16xf32>,
        %get3A_736 = vector.shape_cast %get3A_735 : vector<1x16xf32> to vector<16xf32>
        %mul3A_737 = arith.mulf %get3A_736, %get3A_483 : vector<16xf32>
        %add3A_738 = arith.addf %add3A_730, %mul3A_737 : vector<16xf32>
        %add3A_739 = arith.constant 9 : i32
        %add3A_740 = arith.addi %add3A_669, %add3A_739 : i32
        %get3A_741 = arith.index_cast %add3A_740 : i32 to index
        %get3A_742 = arith.constant 0 : index
        %get3A_743 = tpu.vector_load %arg7[%get3A_741, %get3A_742] {strides = array<i32>} : memref<768x128xf32, #tpu.memory_space<vmem>>, vector<1x16xf32>,
        %get3A_744 = vector.shape_cast %get3A_743 : vector<1x16xf32> to vector<16xf32>
        %mul3A_745 = arith.mulf %get3A_744, %get3A_488 : vector<16xf32>
        %add3A_746 = arith.addf %add3A_738, %mul3A_745 : vector<16xf32>
        %add3A_747 = arith.constant 10 : i32
        %add3A_748 = arith.addi %add3A_669, %add3A_747 : i32
        %get3A_749 = arith.index_cast %add3A_748 : i32 to index
        %get3A_750 = arith.constant 0 : index
        %get3A_751 = tpu.vector_load %arg7[%get3A_749, %get3A_750] {strides = array<i32>} : memref<768x128xf32, #tpu.memory_space<vmem>>, vector<1x16xf32>,
        %get3A_752 = vector.shape_cast %get3A_751 : vector<1x16xf32> to vector<16xf32>
        %mul3A_753 = arith.mulf %get3A_752, %get3A_493 : vector<16xf32>
        %add3A_754 = arith.addf %add3A_746, %mul3A_753 : vector<16xf32>
        %add3A_755 = arith.constant 11 : i32
        %add3A_756 = arith.addi %add3A_669, %add3A_755 : i32
        %get3A_757 = arith.index_cast %add3A_756 : i32 to index
        %get3A_758 = arith.constant 0 : index
        %get3A_759 = tpu.vector_load %arg7[%get3A_757, %get3A_758] {strides = array<i32>} : memref<768x128xf32, #tpu.memory_space<vmem>>, vector<1x16xf32>,
        %get3A_760 = vector.shape_cast %get3A_759 : vector<1x16xf32> to vector<16xf32>
        %mul3A_761 = arith.mulf %get3A_760, %get3A_498 : vector<16xf32>
        %add3A_762 = arith.addf %add3A_754, %mul3A_761 : vector<16xf32>
        %add3A_763 = arith.addi %mul3A_478, %scan3A_666 : i32
        %swap3A = arith.index_cast %add3A_763 : i32 to index
        %swap3A_764 = arith.constant 0 : index
        %swap3A_765 = tpu.vector_load %arg8[%swap3A, %swap3A_764] {strides = array<i32>} : memref<64x128xf32, #tpu.memory_space<vmem>>, vector<1x16xf32>,
        %swap3A_766 = vector.shape_cast %swap3A_765 : vector<1x16xf32> to vector<16xf32>
        %swap3A_767 = vector.shape_cast %add3A_762 : vector<16xf32> to vector<1x16xf32>
        tpu.vector_store %arg8[%swap3A, %swap3A_764], %swap3A_767 {strides = array<i32>} : memref<64x128xf32, #tpu.memory_space<vmem>>, vector<1x16xf32>,
        %get3A_768 = arith.index_cast %add3A_669 : i32 to index
        %get3A_769 = arith.constant 16 : index
        %get3A_770 = tpu.vector_load %arg7[%get3A_768, %get3A_769] {strides = array<i32>} : memref<768x128xf32, #tpu.memory_space<vmem>>, vector<1x16xf32>,
        %get3A_771 = vector.shape_cast %get3A_770 : vector<1x16xf32> to vector<16xf32>
        %mul3A_772 = arith.mulf %get3A_771, %get3A_503 : vector<16xf32>
        %add3A_773 = arith.constant 1 : i32
        %add3A_774 = arith.addi %add3A_669, %add3A_773 : i32
        %get3A_775 = arith.index_cast %add3A_774 : i32 to index
        %get3A_776 = arith.constant 16 : index
        %get3A_777 = tpu.vector_load %arg7[%get3A_775, %get3A_776] {strides = array<i32>} : memref<768x128xf32, #tpu.memory_space<vmem>>, vector<1x16xf32>,
        %get3A_778 = vector.shape_cast %get3A_777 : vector<1x16xf32> to vector<16xf32>
        %mul3A_779 = arith.mulf %get3A_778, %get3A_508 : vector<16xf32>
        %add3A_780 = arith.addf %mul3A_772, %mul3A_779 : vector<16xf32>
        %add3A_781 = arith.constant 2 : i32
        %add3A_782 = arith.addi %add3A_669, %add3A_781 : i32
        %get3A_783 = arith.index_cast %add3A_782 : i32 to index
        %get3A_784 = arith.constant 16 : index
        %get3A_785 = tpu.vector_load %arg7[%get3A_783, %get3A_784] {strides = array<i32>} : memref<768x128xf32, #tpu.memory_space<vmem>>, vector<1x16xf32>,
        %get3A_786 = vector.shape_cast %get3A_785 : vector<1x16xf32> to vector<16xf32>
        %mul3A_787 = arith.mulf %get3A_786, %get3A_513 : vector<16xf32>
        %add3A_788 = arith.addf %add3A_780, %mul3A_787 : vector<16xf32>
        %add3A_789 = arith.constant 3 : i32
        %add3A_790 = arith.addi %add3A_669, %add3A_789 : i32
        %get3A_791 = arith.index_cast %add3A_790 : i32 to index
        %get3A_792 = arith.constant 16 : index
        %get3A_793 = tpu.vector_load %arg7[%get3A_791, %get3A_792] {strides = array<i32>} : memref<768x128xf32, #tpu.memory_space<vmem>>, vector<1x16xf32>,
        %get3A_794 = vector.shape_cast %get3A_793 : vector<1x16xf32> to vector<16xf32>
        %mul3A_795 = arith.mulf %get3A_794, %get3A_518 : vector<16xf32>
        %add3A_796 = arith.addf %add3A_788, %mul3A_795 : vector<16xf32>
        %add3A_797 = arith.constant 4 : i32
        %add3A_798 = arith.addi %add3A_669, %add3A_797 : i32
        %get3A_799 = arith.index_cast %add3A_798 : i32 to index
        %get3A_800 = arith.constant 16 : index
        %get3A_801 = tpu.vector_load %arg7[%get3A_799, %get3A_800] {strides = array<i32>} : memref<768x128xf32, #tpu.memory_space<vmem>>, vector<1x16xf32>,
        %get3A_802 = vector.shape_cast %get3A_801 : vector<1x16xf32> to vector<16xf32>
        %mul3A_803 = arith.mulf %get3A_802, %get3A_503 : vector<16xf32>
        %add3A_804 = arith.addf %add3A_796, %mul3A_803 : vector<16xf32>
        %add3A_805 = arith.constant 5 : i32
        %add3A_806 = arith.addi %add3A_669, %add3A_805 : i32
        %get3A_807 = arith.index_cast %add3A_806 : i32 to index
        %get3A_808 = arith.constant 16 : index
        %get3A_809 = tpu.vector_load %arg7[%get3A_807, %get3A_808] {strides = array<i32>} : memref<768x128xf32, #tpu.memory_space<vmem>>, vector<1x16xf32>,
        %get3A_810 = vector.shape_cast %get3A_809 : vector<1x16xf32> to vector<16xf32>
        %mul3A_811 = arith.mulf %get3A_810, %get3A_508 : vector<16xf32>
        %add3A_812 = arith.addf %add3A_804, %mul3A_811 : vector<16xf32>
        %add3A_813 = arith.constant 6 : i32
        %add3A_814 = arith.addi %add3A_669, %add3A_813 : i32
        %get3A_815 = arith.index_cast %add3A_814 : i32 to index
        %get3A_816 = arith.constant 16 : index
        %get3A_817 = tpu.vector_load %arg7[%get3A_815, %get3A_816] {strides = array<i32>} : memref<768x128xf32, #tpu.memory_space<vmem>>, vector<1x16xf32>,
        %get3A_818 = vector.shape_cast %get3A_817 : vector<1x16xf32> to vector<16xf32>
        %mul3A_819 = arith.mulf %get3A_818, %get3A_513 : vector<16xf32>
        %add3A_820 = arith.addf %add3A_812, %mul3A_819 : vector<16xf32>
        %add3A_821 = arith.constant 7 : i32
        %add3A_822 = arith.addi %add3A_669, %add3A_821 : i32
        %get3A_823 = arith.index_cast %add3A_822 : i32 to index
        %get3A_824 = arith.constant 16 : index
        %get3A_825 = tpu.vector_load %arg7[%get3A_823, %get3A_824] {strides = array<i32>} : memref<768x128xf32, #tpu.memory_space<vmem>>, vector<1x16xf32>,
        %get3A_826 = vector.shape_cast %get3A_825 : vector<1x16xf32> to vector<16xf32>
        %mul3A_827 = arith.mulf %get3A_826, %get3A_518 : vector<16xf32>
        %add3A_828 = arith.addf %add3A_820, %mul3A_827 : vector<16xf32>
        %add3A_829 = arith.constant 8 : i32
        %add3A_830 = arith.addi %add3A_669, %add3A_829 : i32
        %get3A_831 = arith.index_cast %add3A_830 : i32 to index
        %get3A_832 = arith.constant 16 : index
        %get3A_833 = tpu.vector_load %arg7[%get3A_831, %get3A_832] {strides = array<i32>} : memref<768x128xf32, #tpu.memory_space<vmem>>, vector<1x16xf32>,
        %get3A_834 = vector.shape_cast %get3A_833 : vector<1x16xf32> to vector<16xf32>
        %mul3A_835 = arith.mulf %get3A_834, %get3A_503 : vector<16xf32>
        %add3A_836 = arith.addf %add3A_828, %mul3A_835 : vector<16xf32>
        %add3A_837 = arith.constant 9 : i32
        %add3A_838 = arith.addi %add3A_669, %add3A_837 : i32
        %get3A_839 = arith.index_cast %add3A_838 : i32 to index
        %get3A_840 = arith.constant 16 : index
        %get3A_841 = tpu.vector_load %arg7[%get3A_839, %get3A_840] {strides = array<i32>} : memref<768x128xf32, #tpu.memory_space<vmem>>, vector<1x16xf32>,
        %get3A_842 = vector.shape_cast %get3A_841 : vector<1x16xf32> to vector<16xf32>
        %mul3A_843 = arith.mulf %get3A_842, %get3A_508 : vector<16xf32>
        %add3A_844 = arith.addf %add3A_836, %mul3A_843 : vector<16xf32>
        %add3A_845 = arith.constant 10 : i32
        %add3A_846 = arith.addi %add3A_669, %add3A_845 : i32
        %get3A_847 = arith.index_cast %add3A_846 : i32 to index
        %get3A_848 = arith.constant 16 : index
        %get3A_849 = tpu.vector_load %arg7[%get3A_847, %get3A_848] {strides = array<i32>} : memref<768x128xf32, #tpu.memory_space<vmem>>, vector<1x16xf32>,
        %get3A_850 = vector.shape_cast %get3A_849 : vector<1x16xf32> to vector<16xf32>
        %mul3A_851 = arith.mulf %get3A_850, %get3A_513 : vector<16xf32>
        %add3A_852 = arith.addf %add3A_844, %mul3A_851 : vector<16xf32>
        %add3A_853 = arith.constant 11 : i32
        %add3A_854 = arith.addi %add3A_669, %add3A_853 : i32
        %get3A_855 = arith.index_cast %add3A_854 : i32 to index
        %get3A_856 = arith.constant 16 : index
        %get3A_857 = tpu.vector_load %arg7[%get3A_855, %get3A_856] {strides = array<i32>} : memref<768x128xf32, #tpu.memory_space<vmem>>, vector<1x16xf32>,
        %get3A_858 = vector.shape_cast %get3A_857 : vector<1x16xf32> to vector<16xf32>
        %mul3A_859 = arith.mulf %get3A_858, %get3A_518 : vector<16xf32>
        %add3A_860 = arith.addf %add3A_852, %mul3A_859 : vector<16xf32>
        %add3A_861 = arith.addi %mul3A_478, %scan3A_666 : i32
        %swap3A_862 = arith.index_cast %add3A_861 : i32 to index
        %swap3A_863 = arith.constant 16 : index
        %swap3A_864 = tpu.vector_load %arg8[%swap3A_862, %swap3A_863] {strides = array<i32>} : memref<64x128xf32, #tpu.memory_space<vmem>>, vector<1x16xf32>,
        %swap3A_865 = vector.shape_cast %swap3A_864 : vector<1x16xf32> to vector<16xf32>
        %swap3A_866 = vector.shape_cast %add3A_860 : vector<16xf32> to vector<1x16xf32>
        tpu.vector_store %arg8[%swap3A_862, %swap3A_863], %swap3A_866 {strides = array<i32>} : memref<64x128xf32, #tpu.memory_space<vmem>>, vector<1x16xf32>,
        %get3A_867 = arith.index_cast %add3A_669 : i32 to index
        %get3A_868 = arith.constant 32 : index
        %get3A_869 = tpu.vector_load %arg7[%get3A_867, %get3A_868] {strides = array<i32>} : memref<768x128xf32, #tpu.memory_space<vmem>>, vector<1x16xf32>,
        %get3A_870 = vector.shape_cast %get3A_869 : vector<1x16xf32> to vector<16xf32>
        %mul3A_871 = arith.mulf %get3A_870, %get3A_523 : vector<16xf32>
        %add3A_872 = arith.constant 1 : i32
        %add3A_873 = arith.addi %add3A_669, %add3A_872 : i32
        %get3A_874 = arith.index_cast %add3A_873 : i32 to index
        %get3A_875 = arith.constant 32 : index
        %get3A_876 = tpu.vector_load %arg7[%get3A_874, %get3A_875] {strides = array<i32>} : memref<768x128xf32, #tpu.memory_space<vmem>>, vector<1x16xf32>,
        %get3A_877 = vector.shape_cast %get3A_876 : vector<1x16xf32> to vector<16xf32>
        %mul3A_878 = arith.mulf %get3A_877, %get3A_528 : vector<16xf32>
        %add3A_879 = arith.addf %mul3A_871, %mul3A_878 : vector<16xf32>
        %add3A_880 = arith.constant 2 : i32
        %add3A_881 = arith.addi %add3A_669, %add3A_880 : i32
        %get3A_882 = arith.index_cast %add3A_881 : i32 to index
        %get3A_883 = arith.constant 32 : index
        %get3A_884 = tpu.vector_load %arg7[%get3A_882, %get3A_883] {strides = array<i32>} : memref<768x128xf32, #tpu.memory_space<vmem>>, vector<1x16xf32>,
        %get3A_885 = vector.shape_cast %get3A_884 : vector<1x16xf32> to vector<16xf32>
        %mul3A_886 = arith.mulf %get3A_885, %get3A_533 : vector<16xf32>
        %add3A_887 = arith.addf %add3A_879, %mul3A_886 : vector<16xf32>
        %add3A_888 = arith.constant 3 : i32
        %add3A_889 = arith.addi %add3A_669, %add3A_888 : i32
        %get3A_890 = arith.index_cast %add3A_889 : i32 to index
        %get3A_891 = arith.constant 32 : index
        %get3A_892 = tpu.vector_load %arg7[%get3A_890, %get3A_891] {strides = array<i32>} : memref<768x128xf32, #tpu.memory_space<vmem>>, vector<1x16xf32>,
        %get3A_893 = vector.shape_cast %get3A_892 : vector<1x16xf32> to vector<16xf32>
        %mul3A_894 = arith.mulf %get3A_893, %get3A_538 : vector<16xf32>
        %add3A_895 = arith.addf %add3A_887, %mul3A_894 : vector<16xf32>
        %add3A_896 = arith.constant 4 : i32
        %add3A_897 = arith.addi %add3A_669, %add3A_896 : i32
        %get3A_898 = arith.index_cast %add3A_897 : i32 to index
        %get3A_899 = arith.constant 32 : index
        %get3A_900 = tpu.vector_load %arg7[%get3A_898, %get3A_899] {strides = array<i32>} : memref<768x128xf32, #tpu.memory_space<vmem>>, vector<1x16xf32>,
        %get3A_901 = vector.shape_cast %get3A_900 : vector<1x16xf32> to vector<16xf32>
        %mul3A_902 = arith.mulf %get3A_901, %get3A_523 : vector<16xf32>
        %add3A_903 = arith.addf %add3A_895, %mul3A_902 : vector<16xf32>
        %add3A_904 = arith.constant 5 : i32
        %add3A_905 = arith.addi %add3A_669, %add3A_904 : i32
        %get3A_906 = arith.index_cast %add3A_905 : i32 to index
        %get3A_907 = arith.constant 32 : index
        %get3A_908 = tpu.vector_load %arg7[%get3A_906, %get3A_907] {strides = array<i32>} : memref<768x128xf32, #tpu.memory_space<vmem>>, vector<1x16xf32>,
        %get3A_909 = vector.shape_cast %get3A_908 : vector<1x16xf32> to vector<16xf32>
        %mul3A_910 = arith.mulf %get3A_909, %get3A_528 : vector<16xf32>
        %add3A_911 = arith.addf %add3A_903, %mul3A_910 : vector<16xf32>
        %add3A_912 = arith.constant 6 : i32
        %add3A_913 = arith.addi %add3A_669, %add3A_912 : i32
        %get3A_914 = arith.index_cast %add3A_913 : i32 to index
        %get3A_915 = arith.constant 32 : index
        %get3A_916 = tpu.vector_load %arg7[%get3A_914, %get3A_915] {strides = array<i32>} : memref<768x128xf32, #tpu.memory_space<vmem>>, vector<1x16xf32>,
        %get3A_917 = vector.shape_cast %get3A_916 : vector<1x16xf32> to vector<16xf32>
        %mul3A_918 = arith.mulf %get3A_917, %get3A_533 : vector<16xf32>
        %add3A_919 = arith.addf %add3A_911, %mul3A_918 : vector<16xf32>
        %add3A_920 = arith.constant 7 : i32
        %add3A_921 = arith.addi %add3A_669, %add3A_920 : i32
        %get3A_922 = arith.index_cast %add3A_921 : i32 to index
        %get3A_923 = arith.constant 32 : index
        %get3A_924 = tpu.vector_load %arg7[%get3A_922, %get3A_923] {strides = array<i32>} : memref<768x128xf32, #tpu.memory_space<vmem>>, vector<1x16xf32>,
        %get3A_925 = vector.shape_cast %get3A_924 : vector<1x16xf32> to vector<16xf32>
        %mul3A_926 = arith.mulf %get3A_925, %get3A_538 : vector<16xf32>
        %add3A_927 = arith.addf %add3A_919, %mul3A_926 : vector<16xf32>
        %add3A_928 = arith.constant 8 : i32
        %add3A_929 = arith.addi %add3A_669, %add3A_928 : i32
        %get3A_930 = arith.index_cast %add3A_929 : i32 to index
        %get3A_931 = arith.constant 32 : index
        %get3A_932 = tpu.vector_load %arg7[%get3A_930, %get3A_931] {strides = array<i32>} : memref<768x128xf32, #tpu.memory_space<vmem>>, vector<1x16xf32>,
        %get3A_933 = vector.shape_cast %get3A_932 : vector<1x16xf32> to vector<16xf32>
        %mul3A_934 = arith.mulf %get3A_933, %get3A_523 : vector<16xf32>
        %add3A_935 = arith.addf %add3A_927, %mul3A_934 : vector<16xf32>
        %add3A_936 = arith.constant 9 : i32
        %add3A_937 = arith.addi %add3A_669, %add3A_936 : i32
        %get3A_938 = arith.index_cast %add3A_937 : i32 to index
        %get3A_939 = arith.constant 32 : index
        %get3A_940 = tpu.vector_load %arg7[%get3A_938, %get3A_939] {strides = array<i32>} : memref<768x128xf32, #tpu.memory_space<vmem>>, vector<1x16xf32>,
        %get3A_941 = vector.shape_cast %get3A_940 : vector<1x16xf32> to vector<16xf32>
        %mul3A_942 = arith.mulf %get3A_941, %get3A_528 : vector<16xf32>
        %add3A_943 = arith.addf %add3A_935, %mul3A_942 : vector<16xf32>
        %add3A_944 = arith.constant 10 : i32
        %add3A_945 = arith.addi %add3A_669, %add3A_944 : i32
        %get3A_946 = arith.index_cast %add3A_945 : i32 to index
        %get3A_947 = arith.constant 32 : index
        %get3A_948 = tpu.vector_load %arg7[%get3A_946, %get3A_947] {strides = array<i32>} : memref<768x128xf32, #tpu.memory_space<vmem>>, vector<1x16xf32>,
        %get3A_949 = vector.shape_cast %get3A_948 : vector<1x16xf32> to vector<16xf32>
        %mul3A_950 = arith.mulf %get3A_949, %get3A_533 : vector<16xf32>
        %add3A_951 = arith.addf %add3A_943, %mul3A_950 : vector<16xf32>
        %add3A_952 = arith.constant 11 : i32
        %add3A_953 = arith.addi %add3A_669, %add3A_952 : i32
        %get3A_954 = arith.index_cast %add3A_953 : i32 to index
        %get3A_955 = arith.constant 32 : index
        %get3A_956 = tpu.vector_load %arg7[%get3A_954, %get3A_955] {strides = array<i32>} : memref<768x128xf32, #tpu.memory_space<vmem>>, vector<1x16xf32>,
        %get3A_957 = vector.shape_cast %get3A_956 : vector<1x16xf32> to vector<16xf32>
        %mul3A_958 = arith.mulf %get3A_957, %get3A_538 : vector<16xf32>
        %add3A_959 = arith.addf %add3A_951, %mul3A_958 : vector<16xf32>
        %add3A_960 = arith.addi %mul3A_478, %scan3A_666 : i32
        %swap3A_961 = arith.index_cast %add3A_960 : i32 to index
        %swap3A_962 = arith.constant 32 : index
        %swap3A_963 = tpu.vector_load %arg8[%swap3A_961, %swap3A_962] {strides = array<i32>} : memref<64x128xf32, #tpu.memory_space<vmem>>, vector<1x16xf32>,
        %swap3A_964 = vector.shape_cast %swap3A_963 : vector<1x16xf32> to vector<16xf32>
        %swap3A_965 = vector.shape_cast %add3A_959 : vector<16xf32> to vector<1x16xf32>
        tpu.vector_store %arg8[%swap3A_961, %swap3A_962], %swap3A_965 {strides = array<i32>} : memref<64x128xf32, #tpu.memory_space<vmem>>, vector<1x16xf32>,
        %get3A_966 = arith.index_cast %add3A_669 : i32 to index
        %get3A_967 = arith.constant 48 : index
        %get3A_968 = tpu.vector_load %arg7[%get3A_966, %get3A_967] {strides = array<i32>} : memref<768x128xf32, #tpu.memory_space<vmem>>, vector<1x16xf32>,
        %get3A_969 = vector.shape_cast %get3A_968 : vector<1x16xf32> to vector<16xf32>
        %mul3A_970 = arith.mulf %get3A_969, %get3A_543 : vector<16xf32>
        %add3A_971 = arith.constant 1 : i32
        %add3A_972 = arith.addi %add3A_669, %add3A_971 : i32
        %get3A_973 = arith.index_cast %add3A_972 : i32 to index
        %get3A_974 = arith.constant 48 : index
        %get3A_975 = tpu.vector_load %arg7[%get3A_973, %get3A_974] {strides = array<i32>} : memref<768x128xf32, #tpu.memory_space<vmem>>, vector<1x16xf32>,
        %get3A_976 = vector.shape_cast %get3A_975 : vector<1x16xf32> to vector<16xf32>
        %mul3A_977 = arith.mulf %get3A_976, %get3A_548 : vector<16xf32>
        %add3A_978 = arith.addf %mul3A_970, %mul3A_977 : vector<16xf32>
        %add3A_979 = arith.constant 2 : i32
        %add3A_980 = arith.addi %add3A_669, %add3A_979 : i32
        %get3A_981 = arith.index_cast %add3A_980 : i32 to index
        %get3A_982 = arith.constant 48 : index
        %get3A_983 = tpu.vector_load %arg7[%get3A_981, %get3A_982] {strides = array<i32>} : memref<768x128xf32, #tpu.memory_space<vmem>>, vector<1x16xf32>,
        %get3A_984 = vector.shape_cast %get3A_983 : vector<1x16xf32> to vector<16xf32>
        %mul3A_985 = arith.mulf %get3A_984, %get3A_553 : vector<16xf32>
        %add3A_986 = arith.addf %add3A_978, %mul3A_985 : vector<16xf32>
        %add3A_987 = arith.constant 3 : i32
        %add3A_988 = arith.addi %add3A_669, %add3A_987 : i32
        %get3A_989 = arith.index_cast %add3A_988 : i32 to index
        %get3A_990 = arith.constant 48 : index
        %get3A_991 = tpu.vector_load %arg7[%get3A_989, %get3A_990] {strides = array<i32>} : memref<768x128xf32, #tpu.memory_space<vmem>>, vector<1x16xf32>,
        %get3A_992 = vector.shape_cast %get3A_991 : vector<1x16xf32> to vector<16xf32>
        %mul3A_993 = arith.mulf %get3A_992, %get3A_558 : vector<16xf32>
        %add3A_994 = arith.addf %add3A_986, %mul3A_993 : vector<16xf32>
        %add3A_995 = arith.constant 4 : i32
        %add3A_996 = arith.addi %add3A_669, %add3A_995 : i32
        %get3A_997 = arith.index_cast %add3A_996 : i32 to index
        %get3A_998 = arith.constant 48 : index
        %get3A_999 = tpu.vector_load %arg7[%get3A_997, %get3A_998] {strides = array<i32>} : memref<768x128xf32, #tpu.memory_space<vmem>>, vector<1x16xf32>,
        %get3A_1000 = vector.shape_cast %get3A_999 : vector<1x16xf32> to vector<16xf32>
        %mul3A_1001 = arith.mulf %get3A_1000, %get3A_543 : vector<16xf32>
        %add3A_1002 = arith.addf %add3A_994, %mul3A_1001 : vector<16xf32>
        %add3A_1003 = arith.constant 5 : i32
        %add3A_1004 = arith.addi %add3A_669, %add3A_1003 : i32
        %get3A_1005 = arith.index_cast %add3A_1004 : i32 to index
        %get3A_1006 = arith.constant 48 : index
        %get3A_1007 = tpu.vector_load %arg7[%get3A_1005, %get3A_1006] {strides = array<i32>} : memref<768x128xf32, #tpu.memory_space<vmem>>, vector<1x16xf32>,
        %get3A_1008 = vector.shape_cast %get3A_1007 : vector<1x16xf32> to vector<16xf32>
        %mul3A_1009 = arith.mulf %get3A_1008, %get3A_548 : vector<16xf32>
        %add3A_1010 = arith.addf %add3A_1002, %mul3A_1009 : vector<16xf32>
        %add3A_1011 = arith.constant 6 : i32
        %add3A_1012 = arith.addi %add3A_669, %add3A_1011 : i32
        %get3A_1013 = arith.index_cast %add3A_1012 : i32 to index
        %get3A_1014 = arith.constant 48 : index
        %get3A_1015 = tpu.vector_load %arg7[%get3A_1013, %get3A_1014] {strides = array<i32>} : memref<768x128xf32, #tpu.memory_space<vmem>>, vector<1x16xf32>,
        %get3A_1016 = vector.shape_cast %get3A_1015 : vector<1x16xf32> to vector<16xf32>
        %mul3A_1017 = arith.mulf %get3A_1016, %get3A_553 : vector<16xf32>
        %add3A_1018 = arith.addf %add3A_1010, %mul3A_1017 : vector<16xf32>
        %add3A_1019 = arith.constant 7 : i32
        %add3A_1020 = arith.addi %add3A_669, %add3A_1019 : i32
        %get3A_1021 = arith.index_cast %add3A_1020 : i32 to index
        %get3A_1022 = arith.constant 48 : index
        %get3A_1023 = tpu.vector_load %arg7[%get3A_1021, %get3A_1022] {strides = array<i32>} : memref<768x128xf32, #tpu.memory_space<vmem>>, vector<1x16xf32>,
        %get3A_1024 = vector.shape_cast %get3A_1023 : vector<1x16xf32> to vector<16xf32>
        %mul3A_1025 = arith.mulf %get3A_1024, %get3A_558 : vector<16xf32>
        %add3A_1026 = arith.addf %add3A_1018, %mul3A_1025 : vector<16xf32>
        %add3A_1027 = arith.constant 8 : i32
        %add3A_1028 = arith.addi %add3A_669, %add3A_1027 : i32
        %get3A_1029 = arith.index_cast %add3A_1028 : i32 to index
        %get3A_1030 = arith.constant 48 : index
        %get3A_1031 = tpu.vector_load %arg7[%get3A_1029, %get3A_1030] {strides = array<i32>} : memref<768x128xf32, #tpu.memory_space<vmem>>, vector<1x16xf32>,
        %get3A_1032 = vector.shape_cast %get3A_1031 : vector<1x16xf32> to vector<16xf32>
        %mul3A_1033 = arith.mulf %get3A_1032, %get3A_543 : vector<16xf32>
        %add3A_1034 = arith.addf %add3A_1026, %mul3A_1033 : vector<16xf32>
        %add3A_1035 = arith.constant 9 : i32
        %add3A_1036 = arith.addi %add3A_669, %add3A_1035 : i32
        %get3A_1037 = arith.index_cast %add3A_1036 : i32 to index
        %get3A_1038 = arith.constant 48 : index
        %get3A_1039 = tpu.vector_load %arg7[%get3A_1037, %get3A_1038] {strides = array<i32>} : memref<768x128xf32, #tpu.memory_space<vmem>>, vector<1x16xf32>,
        %get3A_1040 = vector.shape_cast %get3A_1039 : vector<1x16xf32> to vector<16xf32>
        %mul3A_1041 = arith.mulf %get3A_1040, %get3A_548 : vector<16xf32>
        %add3A_1042 = arith.addf %add3A_1034, %mul3A_1041 : vector<16xf32>
        %add3A_1043 = arith.constant 10 : i32
        %add3A_1044 = arith.addi %add3A_669, %add3A_1043 : i32
        %get3A_1045 = arith.index_cast %add3A_1044 : i32 to index
        %get3A_1046 = arith.constant 48 : index
        %get3A_1047 = tpu.vector_load %arg7[%get3A_1045, %get3A_1046] {strides = array<i32>} : memref<768x128xf32, #tpu.memory_space<vmem>>, vector<1x16xf32>,
        %get3A_1048 = vector.shape_cast %get3A_1047 : vector<1x16xf32> to vector<16xf32>
        %mul3A_1049 = arith.mulf %get3A_1048, %get3A_553 : vector<16xf32>
        %add3A_1050 = arith.addf %add3A_1042, %mul3A_1049 : vector<16xf32>
        %add3A_1051 = arith.constant 11 : i32
        %add3A_1052 = arith.addi %add3A_669, %add3A_1051 : i32
        %get3A_1053 = arith.index_cast %add3A_1052 : i32 to index
        %get3A_1054 = arith.constant 48 : index
        %get3A_1055 = tpu.vector_load %arg7[%get3A_1053, %get3A_1054] {strides = array<i32>} : memref<768x128xf32, #tpu.memory_space<vmem>>, vector<1x16xf32>,
        %get3A_1056 = vector.shape_cast %get3A_1055 : vector<1x16xf32> to vector<16xf32>
        %mul3A_1057 = arith.mulf %get3A_1056, %get3A_558 : vector<16xf32>
        %add3A_1058 = arith.addf %add3A_1050, %mul3A_1057 : vector<16xf32>
        %add3A_1059 = arith.addi %mul3A_478, %scan3A_666 : i32
        %swap3A_1060 = arith.index_cast %add3A_1059 : i32 to index
        %swap3A_1061 = arith.constant 48 : index
        %swap3A_1062 = tpu.vector_load %arg8[%swap3A_1060, %swap3A_1061] {strides = array<i32>} : memref<64x128xf32, #tpu.memory_space<vmem>>, vector<1x16xf32>,
        %swap3A_1063 = vector.shape_cast %swap3A_1062 : vector<1x16xf32> to vector<16xf32>
        %swap3A_1064 = vector.shape_cast %add3A_1058 : vector<16xf32> to vector<1x16xf32>
        tpu.vector_store %arg8[%swap3A_1060, %swap3A_1061], %swap3A_1064 {strides = array<i32>} : memref<64x128xf32, #tpu.memory_space<vmem>>, vector<1x16xf32>,
      }
      %scan3A_564 = arith.constant 32 : i32
      %get3A_565 = arith.constant 0 : i32
      %get3A_566 = arith.index_cast %get3A_565 : i32 to index
      %get3A_567 = arith.constant 64 : index
      %get3A_568 = tpu.vector_load %arg9[%get3A_566, %get3A_567] {strides = array<i32>} : memref<4x128xf32, #tpu.memory_space<vmem>>, vector<1x16xf32>,
      %get3A_569 = vector.shape_cast %get3A_568 : vector<1x16xf32> to vector<16xf32>
      %get3A_570 = arith.constant 1 : i32
      %get3A_571 = arith.index_cast %get3A_570 : i32 to index
      %get3A_572 = arith.constant 64 : index
      %get3A_573 = tpu.vector_load %arg9[%get3A_571, %get3A_572] {strides = array<i32>} : memref<4x128xf32, #tpu.memory_space<vmem>>, vector<1x16xf32>,
      %get3A_574 = vector.shape_cast %get3A_573 : vector<1x16xf32> to vector<16xf32>
      %get3A_575 = arith.constant 2 : i32
      %get3A_576 = arith.index_cast %get3A_575 : i32 to index
      %get3A_577 = arith.constant 64 : index
      %get3A_578 = tpu.vector_load %arg9[%get3A_576, %get3A_577] {strides = array<i32>} : memref<4x128xf32, #tpu.memory_space<vmem>>, vector<1x16xf32>,
      %get3A_579 = vector.shape_cast %get3A_578 : vector<1x16xf32> to vector<16xf32>
      %get3A_580 = arith.constant 3 : i32
      %get3A_581 = arith.index_cast %get3A_580 : i32 to index
      %get3A_582 = arith.constant 64 : index
      %get3A_583 = tpu.vector_load %arg9[%get3A_581, %get3A_582] {strides = array<i32>} : memref<4x128xf32, #tpu.memory_space<vmem>>, vector<1x16xf32>,
      %get3A_584 = vector.shape_cast %get3A_583 : vector<1x16xf32> to vector<16xf32>
      %get3A_585 = arith.constant 0 : i32
      %get3A_586 = arith.index_cast %get3A_585 : i32 to index
      %get3A_587 = arith.constant 80 : index
      %get3A_588 = tpu.vector_load %arg9[%get3A_586, %get3A_587] {strides = array<i32>} : memref<4x128xf32, #tpu.memory_space<vmem>>, vector<1x16xf32>,
      %get3A_589 = vector.shape_cast %get3A_588 : vector<1x16xf32> to vector<16xf32>
      %get3A_590 = arith.constant 1 : i32
      %get3A_591 = arith.index_cast %get3A_590 : i32 to index
      %get3A_592 = arith.constant 80 : index
      %get3A_593 = tpu.vector_load %arg9[%get3A_591, %get3A_592] {strides = array<i32>} : memref<4x128xf32, #tpu.memory_space<vmem>>, vector<1x16xf32>,
      %get3A_594 = vector.shape_cast %get3A_593 : vector<1x16xf32> to vector<16xf32>
      %get3A_595 = arith.constant 2 : i32
      %get3A_596 = arith.index_cast %get3A_595 : i32 to index
      %get3A_597 = arith.constant 80 : index
      %get3A_598 = tpu.vector_load %arg9[%get3A_596, %get3A_597] {strides = array<i32>} : memref<4x128xf32, #tpu.memory_space<vmem>>, vector<1x16xf32>,
      %get3A_599 = vector.shape_cast %get3A_598 : vector<1x16xf32> to vector<16xf32>
      %get3A_600 = arith.constant 3 : i32
      %get3A_601 = arith.index_cast %get3A_600 : i32 to index
      %get3A_602 = arith.constant 80 : index
      %get3A_603 = tpu.vector_load %arg9[%get3A_601, %get3A_602] {strides = array<i32>} : memref<4x128xf32, #tpu.memory_space<vmem>>, vector<1x16xf32>,
      %get3A_604 = vector.shape_cast %get3A_603 : vector<1x16xf32> to vector<16xf32>
      %get3A_605 = arith.constant 0 : i32
      %get3A_606 = arith.index_cast %get3A_605 : i32 to index
      %get3A_607 = arith.constant 96 : index
      %get3A_608 = tpu.vector_load %arg9[%get3A_606, %get3A_607] {strides = array<i32>} : memref<4x128xf32, #tpu.memory_space<vmem>>, vector<1x16xf32>,
      %get3A_609 = vector.shape_cast %get3A_608 : vector<1x16xf32> to vector<16xf32>
      %get3A_610 = arith.constant 1 : i32
      %get3A_611 = arith.index_cast %get3A_610 : i32 to index
      %get3A_612 = arith.constant 96 : index
      %get3A_613 = tpu.vector_load %arg9[%get3A_611, %get3A_612] {strides = array<i32>} : memref<4x128xf32, #tpu.memory_space<vmem>>, vector<1x16xf32>,
      %get3A_614 = vector.shape_cast %get3A_613 : vector<1x16xf32> to vector<16xf32>
      %get3A_615 = arith.constant 2 : i32
      %get3A_616 = arith.index_cast %get3A_615 : i32 to index
      %get3A_617 = arith.constant 96 : index
      %get3A_618 = tpu.vector_load %arg9[%get3A_616, %get3A_617] {strides = array<i32>} : memref<4x128xf32, #tpu.memory_space<vmem>>, vector<1x16xf32>,
      %get3A_619 = vector.shape_cast %get3A_618 : vector<1x16xf32> to vector<16xf32>
      %get3A_620 = arith.constant 3 : i32
      %get3A_621 = arith.index_cast %get3A_620 : i32 to index
      %get3A_622 = arith.constant 96 : index
      %get3A_623 = tpu.vector_load %arg9[%get3A_621, %get3A_622] {strides = array<i32>} : memref<4x128xf32, #tpu.memory_space<vmem>>, vector<1x16xf32>,
      %get3A_624 = vector.shape_cast %get3A_623 : vector<1x16xf32> to vector<16xf32>
      %get3A_625 = arith.constant 0 : i32
      %get3A_626 = arith.index_cast %get3A_625 : i32 to index
      %get3A_627 = arith.constant 112 : index
      %get3A_628 = tpu.vector_load %arg9[%get3A_626, %get3A_627] {strides = array<i32>} : memref<4x128xf32, #tpu.memory_space<vmem>>, vector<1x16xf32>,
      %get3A_629 = vector.shape_cast %get3A_628 : vector<1x16xf32> to vector<16xf32>
      %get3A_630 = arith.constant 1 : i32
      %get3A_631 = arith.index_cast %get3A_630 : i32 to index
      %get3A_632 = arith.constant 112 : index
      %get3A_633 = tpu.vector_load %arg9[%get3A_631, %get3A_632] {strides = array<i32>} : memref<4x128xf32, #tpu.memory_space<vmem>>, vector<1x16xf32>,
      %get3A_634 = vector.shape_cast %get3A_633 : vector<1x16xf32> to vector<16xf32>
      %get3A_635 = arith.constant 2 : i32
      %get3A_636 = arith.index_cast %get3A_635 : i32 to index
      %get3A_637 = arith.constant 112 : index
      %get3A_638 = tpu.vector_load %arg9[%get3A_636, %get3A_637] {strides = array<i32>} : memref<4x128xf32, #tpu.memory_space<vmem>>, vector<1x16xf32>,
      %get3A_639 = vector.shape_cast %get3A_638 : vector<1x16xf32> to vector<16xf32>
      %get3A_640 = arith.constant 3 : i32
      %get3A_641 = arith.index_cast %get3A_640 : i32 to index
      %get3A_642 = arith.constant 112 : index
      %get3A_643 = tpu.vector_load %arg9[%get3A_641, %get3A_642] {strides = array<i32>} : memref<4x128xf32, #tpu.memory_space<vmem>>, vector<1x16xf32>,
      %get3A_644 = vector.shape_cast %get3A_643 : vector<1x16xf32> to vector<16xf32>
      %scan3A_645 = arith.constant 0 : i32
      %scan3A_646 = arith.constant 0 : i32
      %scan3A_647 = arith.constant 32 : i32
      %scan3A_648 = arith.addi %scan3A_646, %scan3A_647 : i32
      %scan3A_649 = arith.constant 1 : i32
      scf.for %scan3A_666 = %scan3A_646 to %scan3A_648 step %scan3A_649  : i32 {
        %mul3A_667 = arith.constant 12 : i32
        %mul3A_668 = arith.muli %scan3A_666, %mul3A_667 : i32
        %add3A_669 = arith.addi %mul3A_476, %mul3A_668 : i32
        %get3A_670 = arith.index_cast %add3A_669 : i32 to index
        %get3A_671 = arith.constant 64 : index
        %get3A_672 = tpu.vector_load %arg7[%get3A_670, %get3A_671] {strides = array<i32>} : memref<768x128xf32, #tpu.memory_space<vmem>>, vector<1x16xf32>,
        %get3A_673 = vector.shape_cast %get3A_672 : vector<1x16xf32> to vector<16xf32>
        %mul3A_674 = arith.mulf %get3A_673, %get3A_569 : vector<16xf32>
        %add3A_675 = arith.constant 1 : i32
        %add3A_676 = arith.addi %add3A_669, %add3A_675 : i32
        %get3A_677 = arith.index_cast %add3A_676 : i32 to index
        %get3A_678 = arith.constant 64 : index
        %get3A_679 = tpu.vector_load %arg7[%get3A_677, %get3A_678] {strides = array<i32>} : memref<768x128xf32, #tpu.memory_space<vmem>>, vector<1x16xf32>,
        %get3A_680 = vector.shape_cast %get3A_679 : vector<1x16xf32> to vector<16xf32>
        %mul3A_681 = arith.mulf %get3A_680, %get3A_574 : vector<16xf32>
        %add3A_682 = arith.addf %mul3A_674, %mul3A_681 : vector<16xf32>
        %add3A_683 = arith.constant 2 : i32
        %add3A_684 = arith.addi %add3A_669, %add3A_683 : i32
        %get3A_685 = arith.index_cast %add3A_684 : i32 to index
        %get3A_686 = arith.constant 64 : index
        %get3A_687 = tpu.vector_load %arg7[%get3A_685, %get3A_686] {strides = array<i32>} : memref<768x128xf32, #tpu.memory_space<vmem>>, vector<1x16xf32>,
        %get3A_688 = vector.shape_cast %get3A_687 : vector<1x16xf32> to vector<16xf32>
        %mul3A_689 = arith.mulf %get3A_688, %get3A_579 : vector<16xf32>
        %add3A_690 = arith.addf %add3A_682, %mul3A_689 : vector<16xf32>
        %add3A_691 = arith.constant 3 : i32
        %add3A_692 = arith.addi %add3A_669, %add3A_691 : i32
        %get3A_693 = arith.index_cast %add3A_692 : i32 to index
        %get3A_694 = arith.constant 64 : index
        %get3A_695 = tpu.vector_load %arg7[%get3A_693, %get3A_694] {strides = array<i32>} : memref<768x128xf32, #tpu.memory_space<vmem>>, vector<1x16xf32>,
        %get3A_696 = vector.shape_cast %get3A_695 : vector<1x16xf32> to vector<16xf32>
        %mul3A_697 = arith.mulf %get3A_696, %get3A_584 : vector<16xf32>
        %add3A_698 = arith.addf %add3A_690, %mul3A_697 : vector<16xf32>
        %add3A_699 = arith.constant 4 : i32
        %add3A_700 = arith.addi %add3A_669, %add3A_699 : i32
        %get3A_701 = arith.index_cast %add3A_700 : i32 to index
        %get3A_702 = arith.constant 64 : index
        %get3A_703 = tpu.vector_load %arg7[%get3A_701, %get3A_702] {strides = array<i32>} : memref<768x128xf32, #tpu.memory_space<vmem>>, vector<1x16xf32>,
        %get3A_704 = vector.shape_cast %get3A_703 : vector<1x16xf32> to vector<16xf32>
        %mul3A_705 = arith.mulf %get3A_704, %get3A_569 : vector<16xf32>
        %add3A_706 = arith.addf %add3A_698, %mul3A_705 : vector<16xf32>
        %add3A_707 = arith.constant 5 : i32
        %add3A_708 = arith.addi %add3A_669, %add3A_707 : i32
        %get3A_709 = arith.index_cast %add3A_708 : i32 to index
        %get3A_710 = arith.constant 64 : index
        %get3A_711 = tpu.vector_load %arg7[%get3A_709, %get3A_710] {strides = array<i32>} : memref<768x128xf32, #tpu.memory_space<vmem>>, vector<1x16xf32>,
        %get3A_712 = vector.shape_cast %get3A_711 : vector<1x16xf32> to vector<16xf32>
        %mul3A_713 = arith.mulf %get3A_712, %get3A_574 : vector<16xf32>
        %add3A_714 = arith.addf %add3A_706, %mul3A_713 : vector<16xf32>
        %add3A_715 = arith.constant 6 : i32
        %add3A_716 = arith.addi %add3A_669, %add3A_715 : i32
        %get3A_717 = arith.index_cast %add3A_716 : i32 to index
        %get3A_718 = arith.constant 64 : index
        %get3A_719 = tpu.vector_load %arg7[%get3A_717, %get3A_718] {strides = array<i32>} : memref<768x128xf32, #tpu.memory_space<vmem>>, vector<1x16xf32>,
        %get3A_720 = vector.shape_cast %get3A_719 : vector<1x16xf32> to vector<16xf32>
        %mul3A_721 = arith.mulf %get3A_720, %get3A_579 : vector<16xf32>
        %add3A_722 = arith.addf %add3A_714, %mul3A_721 : vector<16xf32>
        %add3A_723 = arith.constant 7 : i32
        %add3A_724 = arith.addi %add3A_669, %add3A_723 : i32
        %get3A_725 = arith.index_cast %add3A_724 : i32 to index
        %get3A_726 = arith.constant 64 : index
        %get3A_727 = tpu.vector_load %arg7[%get3A_725, %get3A_726] {strides = array<i32>} : memref<768x128xf32, #tpu.memory_space<vmem>>, vector<1x16xf32>,
        %get3A_728 = vector.shape_cast %get3A_727 : vector<1x16xf32> to vector<16xf32>
        %mul3A_729 = arith.mulf %get3A_728, %get3A_584 : vector<16xf32>
        %add3A_730 = arith.addf %add3A_722, %mul3A_729 : vector<16xf32>
        %add3A_731 = arith.constant 8 : i32
        %add3A_732 = arith.addi %add3A_669, %add3A_731 : i32
        %get3A_733 = arith.index_cast %add3A_732 : i32 to index
        %get3A_734 = arith.constant 64 : index
        %get3A_735 = tpu.vector_load %arg7[%get3A_733, %get3A_734] {strides = array<i32>} : memref<768x128xf32, #tpu.memory_space<vmem>>, vector<1x16xf32>,
        %get3A_736 = vector.shape_cast %get3A_735 : vector<1x16xf32> to vector<16xf32>
        %mul3A_737 = arith.mulf %get3A_736, %get3A_569 : vector<16xf32>
        %add3A_738 = arith.addf %add3A_730, %mul3A_737 : vector<16xf32>
        %add3A_739 = arith.constant 9 : i32
        %add3A_740 = arith.addi %add3A_669, %add3A_739 : i32
        %get3A_741 = arith.index_cast %add3A_740 : i32 to index
        %get3A_742 = arith.constant 64 : index
        %get3A_743 = tpu.vector_load %arg7[%get3A_741, %get3A_742] {strides = array<i32>} : memref<768x128xf32, #tpu.memory_space<vmem>>, vector<1x16xf32>,
        %get3A_744 = vector.shape_cast %get3A_743 : vector<1x16xf32> to vector<16xf32>
        %mul3A_745 = arith.mulf %get3A_744, %get3A_574 : vector<16xf32>
        %add3A_746 = arith.addf %add3A_738, %mul3A_745 : vector<16xf32>
        %add3A_747 = arith.constant 10 : i32
        %add3A_748 = arith.addi %add3A_669, %add3A_747 : i32
        %get3A_749 = arith.index_cast %add3A_748 : i32 to index
        %get3A_750 = arith.constant 64 : index
        %get3A_751 = tpu.vector_load %arg7[%get3A_749, %get3A_750] {strides = array<i32>} : memref<768x128xf32, #tpu.memory_space<vmem>>, vector<1x16xf32>,
        %get3A_752 = vector.shape_cast %get3A_751 : vector<1x16xf32> to vector<16xf32>
        %mul3A_753 = arith.mulf %get3A_752, %get3A_579 : vector<16xf32>
        %add3A_754 = arith.addf %add3A_746, %mul3A_753 : vector<16xf32>
        %add3A_755 = arith.constant 11 : i32
        %add3A_756 = arith.addi %add3A_669, %add3A_755 : i32
        %get3A_757 = arith.index_cast %add3A_756 : i32 to index
        %get3A_758 = arith.constant 64 : index
        %get3A_759 = tpu.vector_load %arg7[%get3A_757, %get3A_758] {strides = array<i32>} : memref<768x128xf32, #tpu.memory_space<vmem>>, vector<1x16xf32>,
        %get3A_760 = vector.shape_cast %get3A_759 : vector<1x16xf32> to vector<16xf32>
        %mul3A_761 = arith.mulf %get3A_760, %get3A_584 : vector<16xf32>
        %add3A_762 = arith.addf %add3A_754, %mul3A_761 : vector<16xf32>
        %add3A_763 = arith.addi %mul3A_478, %scan3A_666 : i32
        %swap3A = arith.index_cast %add3A_763 : i32 to index
        %swap3A_764 = arith.constant 64 : index
        %swap3A_765 = tpu.vector_load %arg8[%swap3A, %swap3A_764] {strides = array<i32>} : memref<64x128xf32, #tpu.memory_space<vmem>>, vector<1x16xf32>,
        %swap3A_766 = vector.shape_cast %swap3A_765 : vector<1x16xf32> to vector<16xf32>
        %swap3A_767 = vector.shape_cast %add3A_762 : vector<16xf32> to vector<1x16xf32>
        tpu.vector_store %arg8[%swap3A, %swap3A_764], %swap3A_767 {strides = array<i32>} : memref<64x128xf32, #tpu.memory_space<vmem>>, vector<1x16xf32>,
        %get3A_768 = arith.index_cast %add3A_669 : i32 to index
        %get3A_769 = arith.constant 80 : index
        %get3A_770 = tpu.vector_load %arg7[%get3A_768, %get3A_769] {strides = array<i32>} : memref<768x128xf32, #tpu.memory_space<vmem>>, vector<1x16xf32>,
        %get3A_771 = vector.shape_cast %get3A_770 : vector<1x16xf32> to vector<16xf32>
        %mul3A_772 = arith.mulf %get3A_771, %get3A_589 : vector<16xf32>
        %add3A_773 = arith.constant 1 : i32
        %add3A_774 = arith.addi %add3A_669, %add3A_773 : i32
        %get3A_775 = arith.index_cast %add3A_774 : i32 to index
        %get3A_776 = arith.constant 80 : index
        %get3A_777 = tpu.vector_load %arg7[%get3A_775, %get3A_776] {strides = array<i32>} : memref<768x128xf32, #tpu.memory_space<vmem>>, vector<1x16xf32>,
        %get3A_778 = vector.shape_cast %get3A_777 : vector<1x16xf32> to vector<16xf32>
        %mul3A_779 = arith.mulf %get3A_778, %get3A_594 : vector<16xf32>
        %add3A_780 = arith.addf %mul3A_772, %mul3A_779 : vector<16xf32>
        %add3A_781 = arith.constant 2 : i32
        %add3A_782 = arith.addi %add3A_669, %add3A_781 : i32
        %get3A_783 = arith.index_cast %add3A_782 : i32 to index
        %get3A_784 = arith.constant 80 : index
        %get3A_785 = tpu.vector_load %arg7[%get3A_783, %get3A_784] {strides = array<i32>} : memref<768x128xf32, #tpu.memory_space<vmem>>, vector<1x16xf32>,
        %get3A_786 = vector.shape_cast %get3A_785 : vector<1x16xf32> to vector<16xf32>
        %mul3A_787 = arith.mulf %get3A_786, %get3A_599 : vector<16xf32>
        %add3A_788 = arith.addf %add3A_780, %mul3A_787 : vector<16xf32>
        %add3A_789 = arith.constant 3 : i32
        %add3A_790 = arith.addi %add3A_669, %add3A_789 : i32
        %get3A_791 = arith.index_cast %add3A_790 : i32 to index
        %get3A_792 = arith.constant 80 : index
        %get3A_793 = tpu.vector_load %arg7[%get3A_791, %get3A_792] {strides = array<i32>} : memref<768x128xf32, #tpu.memory_space<vmem>>, vector<1x16xf32>,
        %get3A_794 = vector.shape_cast %get3A_793 : vector<1x16xf32> to vector<16xf32>
        %mul3A_795 = arith.mulf %get3A_794, %get3A_604 : vector<16xf32>
        %add3A_796 = arith.addf %add3A_788, %mul3A_795 : vector<16xf32>
        %add3A_797 = arith.constant 4 : i32
        %add3A_798 = arith.addi %add3A_669, %add3A_797 : i32
        %get3A_799 = arith.index_cast %add3A_798 : i32 to index
        %get3A_800 = arith.constant 80 : index
        %get3A_801 = tpu.vector_load %arg7[%get3A_799, %get3A_800] {strides = array<i32>} : memref<768x128xf32, #tpu.memory_space<vmem>>, vector<1x16xf32>,
        %get3A_802 = vector.shape_cast %get3A_801 : vector<1x16xf32> to vector<16xf32>
        %mul3A_803 = arith.mulf %get3A_802, %get3A_589 : vector<16xf32>
        %add3A_804 = arith.addf %add3A_796, %mul3A_803 : vector<16xf32>
        %add3A_805 = arith.constant 5 : i32
        %add3A_806 = arith.addi %add3A_669, %add3A_805 : i32
        %get3A_807 = arith.index_cast %add3A_806 : i32 to index
        %get3A_808 = arith.constant 80 : index
        %get3A_809 = tpu.vector_load %arg7[%get3A_807, %get3A_808] {strides = array<i32>} : memref<768x128xf32, #tpu.memory_space<vmem>>, vector<1x16xf32>,
        %get3A_810 = vector.shape_cast %get3A_809 : vector<1x16xf32> to vector<16xf32>
        %mul3A_811 = arith.mulf %get3A_810, %get3A_594 : vector<16xf32>
        %add3A_812 = arith.addf %add3A_804, %mul3A_811 : vector<16xf32>
        %add3A_813 = arith.constant 6 : i32
        %add3A_814 = arith.addi %add3A_669, %add3A_813 : i32
        %get3A_815 = arith.index_cast %add3A_814 : i32 to index
        %get3A_816 = arith.constant 80 : index
        %get3A_817 = tpu.vector_load %arg7[%get3A_815, %get3A_816] {strides = array<i32>} : memref<768x128xf32, #tpu.memory_space<vmem>>, vector<1x16xf32>,
        %get3A_818 = vector.shape_cast %get3A_817 : vector<1x16xf32> to vector<16xf32>
        %mul3A_819 = arith.mulf %get3A_818, %get3A_599 : vector<16xf32>
        %add3A_820 = arith.addf %add3A_812, %mul3A_819 : vector<16xf32>
        %add3A_821 = arith.constant 7 : i32
        %add3A_822 = arith.addi %add3A_669, %add3A_821 : i32
        %get3A_823 = arith.index_cast %add3A_822 : i32 to index
        %get3A_824 = arith.constant 80 : index
        %get3A_825 = tpu.vector_load %arg7[%get3A_823, %get3A_824] {strides = array<i32>} : memref<768x128xf32, #tpu.memory_space<vmem>>, vector<1x16xf32>,
        %get3A_826 = vector.shape_cast %get3A_825 : vector<1x16xf32> to vector<16xf32>
        %mul3A_827 = arith.mulf %get3A_826, %get3A_604 : vector<16xf32>
        %add3A_828 = arith.addf %add3A_820, %mul3A_827 : vector<16xf32>
        %add3A_829 = arith.constant 8 : i32
        %add3A_830 = arith.addi %add3A_669, %add3A_829 : i32
        %get3A_831 = arith.index_cast %add3A_830 : i32 to index
        %get3A_832 = arith.constant 80 : index
        %get3A_833 = tpu.vector_load %arg7[%get3A_831, %get3A_832] {strides = array<i32>} : memref<768x128xf32, #tpu.memory_space<vmem>>, vector<1x16xf32>,
        %get3A_834 = vector.shape_cast %get3A_833 : vector<1x16xf32> to vector<16xf32>
        %mul3A_835 = arith.mulf %get3A_834, %get3A_589 : vector<16xf32>
        %add3A_836 = arith.addf %add3A_828, %mul3A_835 : vector<16xf32>
        %add3A_837 = arith.constant 9 : i32
        %add3A_838 = arith.addi %add3A_669, %add3A_837 : i32
        %get3A_839 = arith.index_cast %add3A_838 : i32 to index
        %get3A_840 = arith.constant 80 : index
        %get3A_841 = tpu.vector_load %arg7[%get3A_839, %get3A_840] {strides = array<i32>} : memref<768x128xf32, #tpu.memory_space<vmem>>, vector<1x16xf32>,
        %get3A_842 = vector.shape_cast %get3A_841 : vector<1x16xf32> to vector<16xf32>
        %mul3A_843 = arith.mulf %get3A_842, %get3A_594 : vector<16xf32>
        %add3A_844 = arith.addf %add3A_836, %mul3A_843 : vector<16xf32>
        %add3A_845 = arith.constant 10 : i32
        %add3A_846 = arith.addi %add3A_669, %add3A_845 : i32
        %get3A_847 = arith.index_cast %add3A_846 : i32 to index
        %get3A_848 = arith.constant 80 : index
        %get3A_849 = tpu.vector_load %arg7[%get3A_847, %get3A_848] {strides = array<i32>} : memref<768x128xf32, #tpu.memory_space<vmem>>, vector<1x16xf32>,
        %get3A_850 = vector.shape_cast %get3A_849 : vector<1x16xf32> to vector<16xf32>
        %mul3A_851 = arith.mulf %get3A_850, %get3A_599 : vector<16xf32>
        %add3A_852 = arith.addf %add3A_844, %mul3A_851 : vector<16xf32>
        %add3A_853 = arith.constant 11 : i32
        %add3A_854 = arith.addi %add3A_669, %add3A_853 : i32
        %get3A_855 = arith.index_cast %add3A_854 : i32 to index
        %get3A_856 = arith.constant 80 : index
        %get3A_857 = tpu.vector_load %arg7[%get3A_855, %get3A_856] {strides = array<i32>} : memref<768x128xf32, #tpu.memory_space<vmem>>, vector<1x16xf32>,
        %get3A_858 = vector.shape_cast %get3A_857 : vector<1x16xf32> to vector<16xf32>
        %mul3A_859 = arith.mulf %get3A_858, %get3A_604 : vector<16xf32>
        %add3A_860 = arith.addf %add3A_852, %mul3A_859 : vector<16xf32>
        %add3A_861 = arith.addi %mul3A_478, %scan3A_666 : i32
        %swap3A_862 = arith.index_cast %add3A_861 : i32 to index
        %swap3A_863 = arith.constant 80 : index
        %swap3A_864 = tpu.vector_load %arg8[%swap3A_862, %swap3A_863] {strides = array<i32>} : memref<64x128xf32, #tpu.memory_space<vmem>>, vector<1x16xf32>,
        %swap3A_865 = vector.shape_cast %swap3A_864 : vector<1x16xf32> to vector<16xf32>
        %swap3A_866 = vector.shape_cast %add3A_860 : vector<16xf32> to vector<1x16xf32>
        tpu.vector_store %arg8[%swap3A_862, %swap3A_863], %swap3A_866 {strides = array<i32>} : memref<64x128xf32, #tpu.memory_space<vmem>>, vector<1x16xf32>,
        %get3A_867 = arith.index_cast %add3A_669 : i32 to index
        %get3A_868 = arith.constant 96 : index
        %get3A_869 = tpu.vector_load %arg7[%get3A_867, %get3A_868] {strides = array<i32>} : memref<768x128xf32, #tpu.memory_space<vmem>>, vector<1x16xf32>,
        %get3A_870 = vector.shape_cast %get3A_869 : vector<1x16xf32> to vector<16xf32>
        %mul3A_871 = arith.mulf %get3A_870, %get3A_609 : vector<16xf32>
        %add3A_872 = arith.constant 1 : i32
        %add3A_873 = arith.addi %add3A_669, %add3A_872 : i32
        %get3A_874 = arith.index_cast %add3A_873 : i32 to index
        %get3A_875 = arith.constant 96 : index
        %get3A_876 = tpu.vector_load %arg7[%get3A_874, %get3A_875] {strides = array<i32>} : memref<768x128xf32, #tpu.memory_space<vmem>>, vector<1x16xf32>,
        %get3A_877 = vector.shape_cast %get3A_876 : vector<1x16xf32> to vector<16xf32>
        %mul3A_878 = arith.mulf %get3A_877, %get3A_614 : vector<16xf32>
        %add3A_879 = arith.addf %mul3A_871, %mul3A_878 : vector<16xf32>
        %add3A_880 = arith.constant 2 : i32
        %add3A_881 = arith.addi %add3A_669, %add3A_880 : i32
        %get3A_882 = arith.index_cast %add3A_881 : i32 to index
        %get3A_883 = arith.constant 96 : index
        %get3A_884 = tpu.vector_load %arg7[%get3A_882, %get3A_883] {strides = array<i32>} : memref<768x128xf32, #tpu.memory_space<vmem>>, vector<1x16xf32>,
        %get3A_885 = vector.shape_cast %get3A_884 : vector<1x16xf32> to vector<16xf32>
        %mul3A_886 = arith.mulf %get3A_885, %get3A_619 : vector<16xf32>
        %add3A_887 = arith.addf %add3A_879, %mul3A_886 : vector<16xf32>
        %add3A_888 = arith.constant 3 : i32
        %add3A_889 = arith.addi %add3A_669, %add3A_888 : i32
        %get3A_890 = arith.index_cast %add3A_889 : i32 to index
        %get3A_891 = arith.constant 96 : index
        %get3A_892 = tpu.vector_load %arg7[%get3A_890, %get3A_891] {strides = array<i32>} : memref<768x128xf32, #tpu.memory_space<vmem>>, vector<1x16xf32>,
        %get3A_893 = vector.shape_cast %get3A_892 : vector<1x16xf32> to vector<16xf32>
        %mul3A_894 = arith.mulf %get3A_893, %get3A_624 : vector<16xf32>
        %add3A_895 = arith.addf %add3A_887, %mul3A_894 : vector<16xf32>
        %add3A_896 = arith.constant 4 : i32
        %add3A_897 = arith.addi %add3A_669, %add3A_896 : i32
        %get3A_898 = arith.index_cast %add3A_897 : i32 to index
        %get3A_899 = arith.constant 96 : index
        %get3A_900 = tpu.vector_load %arg7[%get3A_898, %get3A_899] {strides = array<i32>} : memref<768x128xf32, #tpu.memory_space<vmem>>, vector<1x16xf32>,
        %get3A_901 = vector.shape_cast %get3A_900 : vector<1x16xf32> to vector<16xf32>
        %mul3A_902 = arith.mulf %get3A_901, %get3A_609 : vector<16xf32>
        %add3A_903 = arith.addf %add3A_895, %mul3A_902 : vector<16xf32>
        %add3A_904 = arith.constant 5 : i32
        %add3A_905 = arith.addi %add3A_669, %add3A_904 : i32
        %get3A_906 = arith.index_cast %add3A_905 : i32 to index
        %get3A_907 = arith.constant 96 : index
        %get3A_908 = tpu.vector_load %arg7[%get3A_906, %get3A_907] {strides = array<i32>} : memref<768x128xf32, #tpu.memory_space<vmem>>, vector<1x16xf32>,
        %get3A_909 = vector.shape_cast %get3A_908 : vector<1x16xf32> to vector<16xf32>
        %mul3A_910 = arith.mulf %get3A_909, %get3A_614 : vector<16xf32>
        %add3A_911 = arith.addf %add3A_903, %mul3A_910 : vector<16xf32>
        %add3A_912 = arith.constant 6 : i32
        %add3A_913 = arith.addi %add3A_669, %add3A_912 : i32
        %get3A_914 = arith.index_cast %add3A_913 : i32 to index
        %get3A_915 = arith.constant 96 : index
        %get3A_916 = tpu.vector_load %arg7[%get3A_914, %get3A_915] {strides = array<i32>} : memref<768x128xf32, #tpu.memory_space<vmem>>, vector<1x16xf32>,
        %get3A_917 = vector.shape_cast %get3A_916 : vector<1x16xf32> to vector<16xf32>
        %mul3A_918 = arith.mulf %get3A_917, %get3A_619 : vector<16xf32>
        %add3A_919 = arith.addf %add3A_911, %mul3A_918 : vector<16xf32>
        %add3A_920 = arith.constant 7 : i32
        %add3A_921 = arith.addi %add3A_669, %add3A_920 : i32
        %get3A_922 = arith.index_cast %add3A_921 : i32 to index
        %get3A_923 = arith.constant 96 : index
        %get3A_924 = tpu.vector_load %arg7[%get3A_922, %get3A_923] {strides = array<i32>} : memref<768x128xf32, #tpu.memory_space<vmem>>, vector<1x16xf32>,
        %get3A_925 = vector.shape_cast %get3A_924 : vector<1x16xf32> to vector<16xf32>
        %mul3A_926 = arith.mulf %get3A_925, %get3A_624 : vector<16xf32>
        %add3A_927 = arith.addf %add3A_919, %mul3A_926 : vector<16xf32>
        %add3A_928 = arith.constant 8 : i32
        %add3A_929 = arith.addi %add3A_669, %add3A_928 : i32
        %get3A_930 = arith.index_cast %add3A_929 : i32 to index
        %get3A_931 = arith.constant 96 : index
        %get3A_932 = tpu.vector_load %arg7[%get3A_930, %get3A_931] {strides = array<i32>} : memref<768x128xf32, #tpu.memory_space<vmem>>, vector<1x16xf32>,
        %get3A_933 = vector.shape_cast %get3A_932 : vector<1x16xf32> to vector<16xf32>
        %mul3A_934 = arith.mulf %get3A_933, %get3A_609 : vector<16xf32>
        %add3A_935 = arith.addf %add3A_927, %mul3A_934 : vector<16xf32>
        %add3A_936 = arith.constant 9 : i32
        %add3A_937 = arith.addi %add3A_669, %add3A_936 : i32
        %get3A_938 = arith.index_cast %add3A_937 : i32 to index
        %get3A_939 = arith.constant 96 : index
        %get3A_940 = tpu.vector_load %arg7[%get3A_938, %get3A_939] {strides = array<i32>} : memref<768x128xf32, #tpu.memory_space<vmem>>, vector<1x16xf32>,
        %get3A_941 = vector.shape_cast %get3A_940 : vector<1x16xf32> to vector<16xf32>
        %mul3A_942 = arith.mulf %get3A_941, %get3A_614 : vector<16xf32>
        %add3A_943 = arith.addf %add3A_935, %mul3A_942 : vector<16xf32>
        %add3A_944 = arith.constant 10 : i32
        %add3A_945 = arith.addi %add3A_669, %add3A_944 : i32
        %get3A_946 = arith.index_cast %add3A_945 : i32 to index
        %get3A_947 = arith.constant 96 : index
        %get3A_948 = tpu.vector_load %arg7[%get3A_946, %get3A_947] {strides = array<i32>} : memref<768x128xf32, #tpu.memory_space<vmem>>, vector<1x16xf32>,
        %get3A_949 = vector.shape_cast %get3A_948 : vector<1x16xf32> to vector<16xf32>
        %mul3A_950 = arith.mulf %get3A_949, %get3A_619 : vector<16xf32>
        %add3A_951 = arith.addf %add3A_943, %mul3A_950 : vector<16xf32>
        %add3A_952 = arith.constant 11 : i32
        %add3A_953 = arith.addi %add3A_669, %add3A_952 : i32
        %get3A_954 = arith.index_cast %add3A_953 : i32 to index
        %get3A_955 = arith.constant 96 : index
        %get3A_956 = tpu.vector_load %arg7[%get3A_954, %get3A_955] {strides = array<i32>} : memref<768x128xf32, #tpu.memory_space<vmem>>, vector<1x16xf32>,
        %get3A_957 = vector.shape_cast %get3A_956 : vector<1x16xf32> to vector<16xf32>
        %mul3A_958 = arith.mulf %get3A_957, %get3A_624 : vector<16xf32>
        %add3A_959 = arith.addf %add3A_951, %mul3A_958 : vector<16xf32>
        %add3A_960 = arith.addi %mul3A_478, %scan3A_666 : i32
        %swap3A_961 = arith.index_cast %add3A_960 : i32 to index
        %swap3A_962 = arith.constant 96 : index
        %swap3A_963 = tpu.vector_load %arg8[%swap3A_961, %swap3A_962] {strides = array<i32>} : memref<64x128xf32, #tpu.memory_space<vmem>>, vector<1x16xf32>,
        %swap3A_964 = vector.shape_cast %swap3A_963 : vector<1x16xf32> to vector<16xf32>
        %swap3A_965 = vector.shape_cast %add3A_959 : vector<16xf32> to vector<1x16xf32>
        tpu.vector_store %arg8[%swap3A_961, %swap3A_962], %swap3A_965 {strides = array<i32>} : memref<64x128xf32, #tpu.memory_space<vmem>>, vector<1x16xf32>,
        %get3A_966 = arith.index_cast %add3A_669 : i32 to index
        %get3A_967 = arith.constant 112 : index
        %get3A_968 = tpu.vector_load %arg7[%get3A_966, %get3A_967] {strides = array<i32>} : memref<768x128xf32, #tpu.memory_space<vmem>>, vector<1x16xf32>,
        %get3A_969 = vector.shape_cast %get3A_968 : vector<1x16xf32> to vector<16xf32>
        %mul3A_970 = arith.mulf %get3A_969, %get3A_629 : vector<16xf32>
        %add3A_971 = arith.constant 1 : i32
        %add3A_972 = arith.addi %add3A_669, %add3A_971 : i32
        %get3A_973 = arith.index_cast %add3A_972 : i32 to index
        %get3A_974 = arith.constant 112 : index
        %get3A_975 = tpu.vector_load %arg7[%get3A_973, %get3A_974] {strides = array<i32>} : memref<768x128xf32, #tpu.memory_space<vmem>>, vector<1x16xf32>,
        %get3A_976 = vector.shape_cast %get3A_975 : vector<1x16xf32> to vector<16xf32>
        %mul3A_977 = arith.mulf %get3A_976, %get3A_634 : vector<16xf32>
        %add3A_978 = arith.addf %mul3A_970, %mul3A_977 : vector<16xf32>
        %add3A_979 = arith.constant 2 : i32
        %add3A_980 = arith.addi %add3A_669, %add3A_979 : i32
        %get3A_981 = arith.index_cast %add3A_980 : i32 to index
        %get3A_982 = arith.constant 112 : index
        %get3A_983 = tpu.vector_load %arg7[%get3A_981, %get3A_982] {strides = array<i32>} : memref<768x128xf32, #tpu.memory_space<vmem>>, vector<1x16xf32>,
        %get3A_984 = vector.shape_cast %get3A_983 : vector<1x16xf32> to vector<16xf32>
        %mul3A_985 = arith.mulf %get3A_984, %get3A_639 : vector<16xf32>
        %add3A_986 = arith.addf %add3A_978, %mul3A_985 : vector<16xf32>
        %add3A_987 = arith.constant 3 : i32
        %add3A_988 = arith.addi %add3A_669, %add3A_987 : i32
        %get3A_989 = arith.index_cast %add3A_988 : i32 to index
        %get3A_990 = arith.constant 112 : index
        %get3A_991 = tpu.vector_load %arg7[%get3A_989, %get3A_990] {strides = array<i32>} : memref<768x128xf32, #tpu.memory_space<vmem>>, vector<1x16xf32>,
        %get3A_992 = vector.shape_cast %get3A_991 : vector<1x16xf32> to vector<16xf32>
        %mul3A_993 = arith.mulf %get3A_992, %get3A_644 : vector<16xf32>
        %add3A_994 = arith.addf %add3A_986, %mul3A_993 : vector<16xf32>
        %add3A_995 = arith.constant 4 : i32
        %add3A_996 = arith.addi %add3A_669, %add3A_995 : i32
        %get3A_997 = arith.index_cast %add3A_996 : i32 to index
        %get3A_998 = arith.constant 112 : index
        %get3A_999 = tpu.vector_load %arg7[%get3A_997, %get3A_998] {strides = array<i32>} : memref<768x128xf32, #tpu.memory_space<vmem>>, vector<1x16xf32>,
        %get3A_1000 = vector.shape_cast %get3A_999 : vector<1x16xf32> to vector<16xf32>
        %mul3A_1001 = arith.mulf %get3A_1000, %get3A_629 : vector<16xf32>
        %add3A_1002 = arith.addf %add3A_994, %mul3A_1001 : vector<16xf32>
        %add3A_1003 = arith.constant 5 : i32
        %add3A_1004 = arith.addi %add3A_669, %add3A_1003 : i32
        %get3A_1005 = arith.index_cast %add3A_1004 : i32 to index
        %get3A_1006 = arith.constant 112 : index
        %get3A_1007 = tpu.vector_load %arg7[%get3A_1005, %get3A_1006] {strides = array<i32>} : memref<768x128xf32, #tpu.memory_space<vmem>>, vector<1x16xf32>,
        %get3A_1008 = vector.shape_cast %get3A_1007 : vector<1x16xf32> to vector<16xf32>
        %mul3A_1009 = arith.mulf %get3A_1008, %get3A_634 : vector<16xf32>
        %add3A_1010 = arith.addf %add3A_1002, %mul3A_1009 : vector<16xf32>
        %add3A_1011 = arith.constant 6 : i32
        %add3A_1012 = arith.addi %add3A_669, %add3A_1011 : i32
        %get3A_1013 = arith.index_cast %add3A_1012 : i32 to index
        %get3A_1014 = arith.constant 112 : index
        %get3A_1015 = tpu.vector_load %arg7[%get3A_1013, %get3A_1014] {strides = array<i32>} : memref<768x128xf32, #tpu.memory_space<vmem>>, vector<1x16xf32>,
        %get3A_1016 = vector.shape_cast %get3A_1015 : vector<1x16xf32> to vector<16xf32>
        %mul3A_1017 = arith.mulf %get3A_1016, %get3A_639 : vector<16xf32>
        %add3A_1018 = arith.addf %add3A_1010, %mul3A_1017 : vector<16xf32>
        %add3A_1019 = arith.constant 7 : i32
        %add3A_1020 = arith.addi %add3A_669, %add3A_1019 : i32
        %get3A_1021 = arith.index_cast %add3A_1020 : i32 to index
        %get3A_1022 = arith.constant 112 : index
        %get3A_1023 = tpu.vector_load %arg7[%get3A_1021, %get3A_1022] {strides = array<i32>} : memref<768x128xf32, #tpu.memory_space<vmem>>, vector<1x16xf32>,
        %get3A_1024 = vector.shape_cast %get3A_1023 : vector<1x16xf32> to vector<16xf32>
        %mul3A_1025 = arith.mulf %get3A_1024, %get3A_644 : vector<16xf32>
        %add3A_1026 = arith.addf %add3A_1018, %mul3A_1025 : vector<16xf32>
        %add3A_1027 = arith.constant 8 : i32
        %add3A_1028 = arith.addi %add3A_669, %add3A_1027 : i32
        %get3A_1029 = arith.index_cast %add3A_1028 : i32 to index
        %get3A_1030 = arith.constant 112 : index
        %get3A_1031 = tpu.vector_load %arg7[%get3A_1029, %get3A_1030] {strides = array<i32>} : memref<768x128xf32, #tpu.memory_space<vmem>>, vector<1x16xf32>,
        %get3A_1032 = vector.shape_cast %get3A_1031 : vector<1x16xf32> to vector<16xf32>
        %mul3A_1033 = arith.mulf %get3A_1032, %get3A_629 : vector<16xf32>
        %add3A_1034 = arith.addf %add3A_1026, %mul3A_1033 : vector<16xf32>
        %add3A_1035 = arith.constant 9 : i32
        %add3A_1036 = arith.addi %add3A_669, %add3A_1035 : i32
        %get3A_1037 = arith.index_cast %add3A_1036 : i32 to index
        %get3A_1038 = arith.constant 112 : index
        %get3A_1039 = tpu.vector_load %arg7[%get3A_1037, %get3A_1038] {strides = array<i32>} : memref<768x128xf32, #tpu.memory_space<vmem>>, vector<1x16xf32>,
        %get3A_1040 = vector.shape_cast %get3A_1039 : vector<1x16xf32> to vector<16xf32>
        %mul3A_1041 = arith.mulf %get3A_1040, %get3A_634 : vector<16xf32>
        %add3A_1042 = arith.addf %add3A_1034, %mul3A_1041 : vector<16xf32>
        %add3A_1043 = arith.constant 10 : i32
        %add3A_1044 = arith.addi %add3A_669, %add3A_1043 : i32
        %get3A_1045 = arith.index_cast %add3A_1044 : i32 to index
        %get3A_1046 = arith.constant 112 : index
        %get3A_1047 = tpu.vector_load %arg7[%get3A_1045, %get3A_1046] {strides = array<i32>} : memref<768x128xf32, #tpu.memory_space<vmem>>, vector<1x16xf32>,
        %get3A_1048 = vector.shape_cast %get3A_1047 : vector<1x16xf32> to vector<16xf32>
        %mul3A_1049 = arith.mulf %get3A_1048, %get3A_639 : vector<16xf32>
        %add3A_1050 = arith.addf %add3A_1042, %mul3A_1049 : vector<16xf32>
        %add3A_1051 = arith.constant 11 : i32
        %add3A_1052 = arith.addi %add3A_669, %add3A_1051 : i32
        %get3A_1053 = arith.index_cast %add3A_1052 : i32 to index
        %get3A_1054 = arith.constant 112 : index
        %get3A_1055 = tpu.vector_load %arg7[%get3A_1053, %get3A_1054] {strides = array<i32>} : memref<768x128xf32, #tpu.memory_space<vmem>>, vector<1x16xf32>,
        %get3A_1056 = vector.shape_cast %get3A_1055 : vector<1x16xf32> to vector<16xf32>
        %mul3A_1057 = arith.mulf %get3A_1056, %get3A_644 : vector<16xf32>
        %add3A_1058 = arith.addf %add3A_1050, %mul3A_1057 : vector<16xf32>
        %add3A_1059 = arith.addi %mul3A_478, %scan3A_666 : i32
        %swap3A_1060 = arith.index_cast %add3A_1059 : i32 to index
        %swap3A_1061 = arith.constant 112 : index
        %swap3A_1062 = tpu.vector_load %arg8[%swap3A_1060, %swap3A_1061] {strides = array<i32>} : memref<64x128xf32, #tpu.memory_space<vmem>>, vector<1x16xf32>,
        %swap3A_1063 = vector.shape_cast %swap3A_1062 : vector<1x16xf32> to vector<16xf32>
        %swap3A_1064 = vector.shape_cast %add3A_1058 : vector<16xf32> to vector<1x16xf32>
        tpu.vector_store %arg8[%swap3A_1060, %swap3A_1061], %swap3A_1064 {strides = array<i32>} : memref<64x128xf32, #tpu.memory_space<vmem>>, vector<1x16xf32>,
      }
      %scan3A_650 = arith.constant 32 : i32
      %mul3A_651 = arith.constant 1568 : i32
      %mul3A_652 = arith.muli %add3A, %mul3A_651 : i32
      %mul3A_653 = arith.constant 32 : i32
      %mul3A_654 = arith.muli %scan3A_343, %mul3A_653 : i32
      %add3A_655 = arith.addi %mul3A_652, %mul3A_654 : i32
      %mul3A_656 = arith.constant 32 : i32
      %mul3A_657 = arith.muli %rem3A_344, %mul3A_656 : i32
      %dma_start3A_658 = arith.constant 0 : i32
      %dma_start3A_659 = tpu.memref_slice %arg8[%mul3A_657, %dma_start3A_658] : memref<64x128xf32, #tpu.memory_space<vmem>> -> memref<32x128xf32, #tpu.memory_space<vmem>>
      %dma_start3A_660 = arith.constant 0 : i32
      %dma_start3A_661 = tpu.memref_slice %arg5[%add3A_655, %dma_start3A_660] : memref<50176x128xf32, #tpu.memory_space<hbm>> -> memref<32x128xf32, #tpu.memory_space<hbm>>
      %dma_start3A_662 = arith.constant 0 : i32
      %dma_start3A_663 = tpu.memref_slice %arg5[%add3A_655, %dma_start3A_662] : memref<50176x128xf32, #tpu.memory_space<hbm>> -> memref<32x128xf32, #tpu.memory_space<hbm>>
      %dma_start3A_664 = arith.constant 0 : i32
      %dma_start3A_665 = tpu.memref_slice %arg8[%mul3A_657, %dma_start3A_664] : memref<64x128xf32, #tpu.memory_space<vmem>> -> memref<32x128xf32, #tpu.memory_space<vmem>>
      tpu.enqueue_dma source(%dma_start3A_665 : memref<32x128xf32, #tpu.memory_space<vmem>>) target(%dma_start3A_663 : memref<32x128xf32, #tpu.memory_space<hbm>>) target_semaphore(%arg12 : memref<!tpu.dma_semaphore, #tpu.memory_space<semaphore_mem>>)
    }
    %scan3A_91 = arith.constant 48 : i32
    %dma_wait3A_92 = arith.constant 0 : i32
    %dma_wait3A_93 = arith.constant 0 : i32
    %dma_wait3A_94 = tpu.memref_slice %arg7[%dma_wait3A_92, %dma_wait3A_93] : memref<768x128xf32, #tpu.memory_space<vmem>> -> memref<128x128xf32, #tpu.memory_space<vmem>>
    %dma_wait3A_95 = arith.constant 0 : i32
    %dma_wait3A_96 = tpu.memref_slice %arg6[%dma_wait3A_95] : memref<768xi32, #tpu.memory_space<vmem>> -> memref<128xi32, #tpu.memory_space<vmem>>
    %dma_wait3A_97 = arith.constant 0 : i32
    %dma_wait3A_98 = arith.constant 0 : i32
    %dma_wait3A_99 = tpu.memref_slice %arg2[%dma_wait3A_97, %dma_wait3A_98] : memref<50000x128xf32, #tpu.memory_space<hbm>> -> memref<50000x128xf32, #tpu.memory_space<hbm>>
    tpu.wait_indirect_dma semaphore(%arg11 : memref<!tpu.dma_semaphore, #tpu.memory_space<semaphore_mem>>) src(%dma_wait3A_99 : memref<50000x128xf32, #tpu.memory_space<hbm>>) dst(%dma_wait3A_94 : memref<128x128xf32, #tpu.memory_space<vmem>>)
    %dma_wait3A_100 = arith.constant 128 : i32
    %dma_wait3A_101 = arith.constant 0 : i32
    %dma_wait3A_102 = tpu.memref_slice %arg7[%dma_wait3A_100, %dma_wait3A_101] : memref<768x128xf32, #tpu.memory_space<vmem>> -> memref<128x128xf32, #tpu.memory_space<vmem>>
    %dma_wait3A_103 = arith.constant 128 : i32
    %dma_wait3A_104 = tpu.memref_slice %arg6[%dma_wait3A_103] : memref<768xi32, #tpu.memory_space<vmem>> -> memref<128xi32, #tpu.memory_space<vmem>>
    %dma_wait3A_105 = arith.constant 0 : i32
    %dma_wait3A_106 = arith.constant 0 : i32
    %dma_wait3A_107 = tpu.memref_slice %arg2[%dma_wait3A_105, %dma_wait3A_106] : memref<50000x128xf32, #tpu.memory_space<hbm>> -> memref<50000x128xf32, #tpu.memory_space<hbm>>
    tpu.wait_indirect_dma semaphore(%arg11 : memref<!tpu.dma_semaphore, #tpu.memory_space<semaphore_mem>>) src(%dma_wait3A_107 : memref<50000x128xf32, #tpu.memory_space<hbm>>) dst(%dma_wait3A_102 : memref<128x128xf32, #tpu.memory_space<vmem>>)
    %dma_wait3A_108 = arith.constant 256 : i32
    %dma_wait3A_109 = arith.constant 0 : i32
    %dma_wait3A_110 = tpu.memref_slice %arg7[%dma_wait3A_108, %dma_wait3A_109] : memref<768x128xf32, #tpu.memory_space<vmem>> -> memref<128x128xf32, #tpu.memory_space<vmem>>
    %dma_wait3A_111 = arith.constant 256 : i32
    %dma_wait3A_112 = tpu.memref_slice %arg6[%dma_wait3A_111] : memref<768xi32, #tpu.memory_space<vmem>> -> memref<128xi32, #tpu.memory_space<vmem>>
    %dma_wait3A_113 = arith.constant 0 : i32
    %dma_wait3A_114 = arith.constant 0 : i32
    %dma_wait3A_115 = tpu.memref_slice %arg2[%dma_wait3A_113, %dma_wait3A_114] : memref<50000x128xf32, #tpu.memory_space<hbm>> -> memref<50000x128xf32, #tpu.memory_space<hbm>>
    tpu.wait_indirect_dma semaphore(%arg11 : memref<!tpu.dma_semaphore, #tpu.memory_space<semaphore_mem>>) src(%dma_wait3A_115 : memref<50000x128xf32, #tpu.memory_space<hbm>>) dst(%dma_wait3A_110 : memref<128x128xf32, #tpu.memory_space<vmem>>)
    %mul3A_116 = arith.constant 1568 : i32
    %mul3A_117 = arith.muli %add3A, %mul3A_116 : i32
    %add3A_118 = arith.constant 1536 : i32
    %add3A_119 = arith.addi %mul3A_117, %add3A_118 : i32
    %dma_wait3A_120 = arith.constant 0 : i32
    %dma_wait3A_121 = arith.constant 0 : i32
    %dma_wait3A_122 = tpu.memref_slice %arg8[%dma_wait3A_120, %dma_wait3A_121] : memref<64x128xf32, #tpu.memory_space<vmem>> -> memref<32x128xf32, #tpu.memory_space<vmem>>
    %dma_wait3A_123 = arith.constant 0 : i32
    %dma_wait3A_124 = tpu.memref_slice %arg5[%add3A_119, %dma_wait3A_123] : memref<50176x128xf32, #tpu.memory_space<hbm>> -> memref<32x128xf32, #tpu.memory_space<hbm>>
    %dma_wait3A_125 = arith.constant 0 : i32
    %dma_wait3A_126 = tpu.memref_slice %arg5[%add3A_119, %dma_wait3A_125] : memref<50176x128xf32, #tpu.memory_space<hbm>> -> memref<32x128xf32, #tpu.memory_space<hbm>>
    %dma_wait3A_127 = arith.constant 0 : i32
    %dma_wait3A_128 = arith.constant 0 : i32
    %dma_wait3A_129 = tpu.memref_slice %arg8[%dma_wait3A_127, %dma_wait3A_128] : memref<64x128xf32, #tpu.memory_space<vmem>> -> memref<32x128xf32, #tpu.memory_space<vmem>>
    tpu.wait_dma2 semaphore(%arg12 : memref<!tpu.dma_semaphore, #tpu.memory_space<semaphore_mem>>) src(%dma_wait3A_129 : memref<32x128xf32, #tpu.memory_space<vmem>>) dst(%dma_wait3A_126 : memref<32x128xf32, #tpu.memory_space<hbm>>)
    %get3A = arith.constant 0 : i32
    %get3A_130 = arith.index_cast %get3A : i32 to index
    %get3A_131 = arith.constant 0 : index
    %get3A_132 = tpu.vector_load %arg9[%get3A_130, %get3A_131] {strides = array<i32>} : memref<4x128xf32, #tpu.memory_space<vmem>>, vector<1x16xf32>,
    %get3A_133 = vector.shape_cast %get3A_132 : vector<1x16xf32> to vector<16xf32>
    %get3A_134 = arith.constant 1 : i32
    %get3A_135 = arith.index_cast %get3A_134 : i32 to index
    %get3A_136 = arith.constant 0 : index
    %get3A_137 = tpu.vector_load %arg9[%get3A_135, %get3A_136] {strides = array<i32>} : memref<4x128xf32, #tpu.memory_space<vmem>>, vector<1x16xf32>,
    %get3A_138 = vector.shape_cast %get3A_137 : vector<1x16xf32> to vector<16xf32>
    %get3A_139 = arith.constant 2 : i32
    %get3A_140 = arith.index_cast %get3A_139 : i32 to index
    %get3A_141 = arith.constant 0 : index
    %get3A_142 = tpu.vector_load %arg9[%get3A_140, %get3A_141] {strides = array<i32>} : memref<4x128xf32, #tpu.memory_space<vmem>>, vector<1x16xf32>,
    %get3A_143 = vector.shape_cast %get3A_142 : vector<1x16xf32> to vector<16xf32>
    %get3A_144 = arith.constant 3 : i32
    %get3A_145 = arith.index_cast %get3A_144 : i32 to index
    %get3A_146 = arith.constant 0 : index
    %get3A_147 = tpu.vector_load %arg9[%get3A_145, %get3A_146] {strides = array<i32>} : memref<4x128xf32, #tpu.memory_space<vmem>>, vector<1x16xf32>,
    %get3A_148 = vector.shape_cast %get3A_147 : vector<1x16xf32> to vector<16xf32>
    %get3A_149 = arith.constant 0 : i32
    %get3A_150 = arith.index_cast %get3A_149 : i32 to index
    %get3A_151 = arith.constant 16 : index
    %get3A_152 = tpu.vector_load %arg9[%get3A_150, %get3A_151] {strides = array<i32>} : memref<4x128xf32, #tpu.memory_space<vmem>>, vector<1x16xf32>,
    %get3A_153 = vector.shape_cast %get3A_152 : vector<1x16xf32> to vector<16xf32>
    %get3A_154 = arith.constant 1 : i32
    %get3A_155 = arith.index_cast %get3A_154 : i32 to index
    %get3A_156 = arith.constant 16 : index
    %get3A_157 = tpu.vector_load %arg9[%get3A_155, %get3A_156] {strides = array<i32>} : memref<4x128xf32, #tpu.memory_space<vmem>>, vector<1x16xf32>,
    %get3A_158 = vector.shape_cast %get3A_157 : vector<1x16xf32> to vector<16xf32>
    %get3A_159 = arith.constant 2 : i32
    %get3A_160 = arith.index_cast %get3A_159 : i32 to index
    %get3A_161 = arith.constant 16 : index
    %get3A_162 = tpu.vector_load %arg9[%get3A_160, %get3A_161] {strides = array<i32>} : memref<4x128xf32, #tpu.memory_space<vmem>>, vector<1x16xf32>,
    %get3A_163 = vector.shape_cast %get3A_162 : vector<1x16xf32> to vector<16xf32>
    %get3A_164 = arith.constant 3 : i32
    %get3A_165 = arith.index_cast %get3A_164 : i32 to index
    %get3A_166 = arith.constant 16 : index
    %get3A_167 = tpu.vector_load %arg9[%get3A_165, %get3A_166] {strides = array<i32>} : memref<4x128xf32, #tpu.memory_space<vmem>>, vector<1x16xf32>,
    %get3A_168 = vector.shape_cast %get3A_167 : vector<1x16xf32> to vector<16xf32>
    %get3A_169 = arith.constant 0 : i32
    %get3A_170 = arith.index_cast %get3A_169 : i32 to index
    %get3A_171 = arith.constant 32 : index
    %get3A_172 = tpu.vector_load %arg9[%get3A_170, %get3A_171] {strides = array<i32>} : memref<4x128xf32, #tpu.memory_space<vmem>>, vector<1x16xf32>,
    %get3A_173 = vector.shape_cast %get3A_172 : vector<1x16xf32> to vector<16xf32>
    %get3A_174 = arith.constant 1 : i32
    %get3A_175 = arith.index_cast %get3A_174 : i32 to index
    %get3A_176 = arith.constant 32 : index
    %get3A_177 = tpu.vector_load %arg9[%get3A_175, %get3A_176] {strides = array<i32>} : memref<4x128xf32, #tpu.memory_space<vmem>>, vector<1x16xf32>,
    %get3A_178 = vector.shape_cast %get3A_177 : vector<1x16xf32> to vector<16xf32>
    %get3A_179 = arith.constant 2 : i32
    %get3A_180 = arith.index_cast %get3A_179 : i32 to index
    %get3A_181 = arith.constant 32 : index
    %get3A_182 = tpu.vector_load %arg9[%get3A_180, %get3A_181] {strides = array<i32>} : memref<4x128xf32, #tpu.memory_space<vmem>>, vector<1x16xf32>,
    %get3A_183 = vector.shape_cast %get3A_182 : vector<1x16xf32> to vector<16xf32>
    %get3A_184 = arith.constant 3 : i32
    %get3A_185 = arith.index_cast %get3A_184 : i32 to index
    %get3A_186 = arith.constant 32 : index
    %get3A_187 = tpu.vector_load %arg9[%get3A_185, %get3A_186] {strides = array<i32>} : memref<4x128xf32, #tpu.memory_space<vmem>>, vector<1x16xf32>,
    %get3A_188 = vector.shape_cast %get3A_187 : vector<1x16xf32> to vector<16xf32>
    %get3A_189 = arith.constant 0 : i32
    %get3A_190 = arith.index_cast %get3A_189 : i32 to index
    %get3A_191 = arith.constant 48 : index
    %get3A_192 = tpu.vector_load %arg9[%get3A_190, %get3A_191] {strides = array<i32>} : memref<4x128xf32, #tpu.memory_space<vmem>>, vector<1x16xf32>,
    %get3A_193 = vector.shape_cast %get3A_192 : vector<1x16xf32> to vector<16xf32>
    %get3A_194 = arith.constant 1 : i32
    %get3A_195 = arith.index_cast %get3A_194 : i32 to index
    %get3A_196 = arith.constant 48 : index
    %get3A_197 = tpu.vector_load %arg9[%get3A_195, %get3A_196] {strides = array<i32>} : memref<4x128xf32, #tpu.memory_space<vmem>>, vector<1x16xf32>,
    %get3A_198 = vector.shape_cast %get3A_197 : vector<1x16xf32> to vector<16xf32>
    %get3A_199 = arith.constant 2 : i32
    %get3A_200 = arith.index_cast %get3A_199 : i32 to index
    %get3A_201 = arith.constant 48 : index
    %get3A_202 = tpu.vector_load %arg9[%get3A_200, %get3A_201] {strides = array<i32>} : memref<4x128xf32, #tpu.memory_space<vmem>>, vector<1x16xf32>,
    %get3A_203 = vector.shape_cast %get3A_202 : vector<1x16xf32> to vector<16xf32>
    %get3A_204 = arith.constant 3 : i32
    %get3A_205 = arith.index_cast %get3A_204 : i32 to index
    %get3A_206 = arith.constant 48 : index
    %get3A_207 = tpu.vector_load %arg9[%get3A_205, %get3A_206] {strides = array<i32>} : memref<4x128xf32, #tpu.memory_space<vmem>>, vector<1x16xf32>,
    %get3A_208 = vector.shape_cast %get3A_207 : vector<1x16xf32> to vector<16xf32>
    %scan3A_209 = arith.constant 0 : i32
    %scan3A_210 = arith.constant 0 : i32
    %scan3A_211 = arith.constant 32 : i32
    %scan3A_212 = arith.addi %scan3A_210, %scan3A_211 : i32
    %scan3A_213 = arith.constant 1 : i32
    scf.for %scan3A_343 = %scan3A_210 to %scan3A_212 step %scan3A_213  : i32 {
      %mul3A_344 = arith.constant 12 : i32
      %mul3A_345 = arith.muli %scan3A_343, %mul3A_344 : i32
      %add3A_346 = arith.constant 0 : i32
      %add3A_347 = arith.addi %add3A_346, %mul3A_345 : i32
      %get3A_348 = arith.index_cast %add3A_347 : i32 to index
      %get3A_349 = arith.constant 0 : index
      %get3A_350 = tpu.vector_load %arg7[%get3A_348, %get3A_349] {strides = array<i32>} : memref<768x128xf32, #tpu.memory_space<vmem>>, vector<1x16xf32>,
      %get3A_351 = vector.shape_cast %get3A_350 : vector<1x16xf32> to vector<16xf32>
      %mul3A_352 = arith.mulf %get3A_351, %get3A_133 : vector<16xf32>
      %add3A_353 = arith.constant 1 : i32
      %add3A_354 = arith.addi %add3A_347, %add3A_353 : i32
      %get3A_355 = arith.index_cast %add3A_354 : i32 to index
      %get3A_356 = arith.constant 0 : index
      %get3A_357 = tpu.vector_load %arg7[%get3A_355, %get3A_356] {strides = array<i32>} : memref<768x128xf32, #tpu.memory_space<vmem>>, vector<1x16xf32>,
      %get3A_358 = vector.shape_cast %get3A_357 : vector<1x16xf32> to vector<16xf32>
      %mul3A_359 = arith.mulf %get3A_358, %get3A_138 : vector<16xf32>
      %add3A_360 = arith.addf %mul3A_352, %mul3A_359 : vector<16xf32>
      %add3A_361 = arith.constant 2 : i32
      %add3A_362 = arith.addi %add3A_347, %add3A_361 : i32
      %get3A_363 = arith.index_cast %add3A_362 : i32 to index
      %get3A_364 = arith.constant 0 : index
      %get3A_365 = tpu.vector_load %arg7[%get3A_363, %get3A_364] {strides = array<i32>} : memref<768x128xf32, #tpu.memory_space<vmem>>, vector<1x16xf32>,
      %get3A_366 = vector.shape_cast %get3A_365 : vector<1x16xf32> to vector<16xf32>
      %mul3A_367 = arith.mulf %get3A_366, %get3A_143 : vector<16xf32>
      %add3A_368 = arith.addf %add3A_360, %mul3A_367 : vector<16xf32>
      %add3A_369 = arith.constant 3 : i32
      %add3A_370 = arith.addi %add3A_347, %add3A_369 : i32
      %get3A_371 = arith.index_cast %add3A_370 : i32 to index
      %get3A_372 = arith.constant 0 : index
      %get3A_373 = tpu.vector_load %arg7[%get3A_371, %get3A_372] {strides = array<i32>} : memref<768x128xf32, #tpu.memory_space<vmem>>, vector<1x16xf32>,
      %get3A_374 = vector.shape_cast %get3A_373 : vector<1x16xf32> to vector<16xf32>
      %mul3A_375 = arith.mulf %get3A_374, %get3A_148 : vector<16xf32>
      %add3A_376 = arith.addf %add3A_368, %mul3A_375 : vector<16xf32>
      %add3A_377 = arith.constant 4 : i32
      %add3A_378 = arith.addi %add3A_347, %add3A_377 : i32
      %get3A_379 = arith.index_cast %add3A_378 : i32 to index
      %get3A_380 = arith.constant 0 : index
      %get3A_381 = tpu.vector_load %arg7[%get3A_379, %get3A_380] {strides = array<i32>} : memref<768x128xf32, #tpu.memory_space<vmem>>, vector<1x16xf32>,
      %get3A_382 = vector.shape_cast %get3A_381 : vector<1x16xf32> to vector<16xf32>
      %mul3A_383 = arith.mulf %get3A_382, %get3A_133 : vector<16xf32>
      %add3A_384 = arith.addf %add3A_376, %mul3A_383 : vector<16xf32>
      %add3A_385 = arith.constant 5 : i32
      %add3A_386 = arith.addi %add3A_347, %add3A_385 : i32
      %get3A_387 = arith.index_cast %add3A_386 : i32 to index
      %get3A_388 = arith.constant 0 : index
      %get3A_389 = tpu.vector_load %arg7[%get3A_387, %get3A_388] {strides = array<i32>} : memref<768x128xf32, #tpu.memory_space<vmem>>, vector<1x16xf32>,
      %get3A_390 = vector.shape_cast %get3A_389 : vector<1x16xf32> to vector<16xf32>
      %mul3A_391 = arith.mulf %get3A_390, %get3A_138 : vector<16xf32>
      %add3A_392 = arith.addf %add3A_384, %mul3A_391 : vector<16xf32>
      %add3A_393 = arith.constant 6 : i32
      %add3A_394 = arith.addi %add3A_347, %add3A_393 : i32
      %get3A_395 = arith.index_cast %add3A_394 : i32 to index
      %get3A_396 = arith.constant 0 : index
      %get3A_397 = tpu.vector_load %arg7[%get3A_395, %get3A_396] {strides = array<i32>} : memref<768x128xf32, #tpu.memory_space<vmem>>, vector<1x16xf32>,
      %get3A_398 = vector.shape_cast %get3A_397 : vector<1x16xf32> to vector<16xf32>
      %mul3A_399 = arith.mulf %get3A_398, %get3A_143 : vector<16xf32>
      %add3A_400 = arith.addf %add3A_392, %mul3A_399 : vector<16xf32>
      %add3A_401 = arith.constant 7 : i32
      %add3A_402 = arith.addi %add3A_347, %add3A_401 : i32
      %get3A_403 = arith.index_cast %add3A_402 : i32 to index
      %get3A_404 = arith.constant 0 : index
      %get3A_405 = tpu.vector_load %arg7[%get3A_403, %get3A_404] {strides = array<i32>} : memref<768x128xf32, #tpu.memory_space<vmem>>, vector<1x16xf32>,
      %get3A_406 = vector.shape_cast %get3A_405 : vector<1x16xf32> to vector<16xf32>
      %mul3A_407 = arith.mulf %get3A_406, %get3A_148 : vector<16xf32>
      %add3A_408 = arith.addf %add3A_400, %mul3A_407 : vector<16xf32>
      %add3A_409 = arith.constant 8 : i32
      %add3A_410 = arith.addi %add3A_347, %add3A_409 : i32
      %get3A_411 = arith.index_cast %add3A_410 : i32 to index
      %get3A_412 = arith.constant 0 : index
      %get3A_413 = tpu.vector_load %arg7[%get3A_411, %get3A_412] {strides = array<i32>} : memref<768x128xf32, #tpu.memory_space<vmem>>, vector<1x16xf32>,
      %get3A_414 = vector.shape_cast %get3A_413 : vector<1x16xf32> to vector<16xf32>
      %mul3A_415 = arith.mulf %get3A_414, %get3A_133 : vector<16xf32>
      %add3A_416 = arith.addf %add3A_408, %mul3A_415 : vector<16xf32>
      %add3A_417 = arith.constant 9 : i32
      %add3A_418 = arith.addi %add3A_347, %add3A_417 : i32
      %get3A_419 = arith.index_cast %add3A_418 : i32 to index
      %get3A_420 = arith.constant 0 : index
      %get3A_421 = tpu.vector_load %arg7[%get3A_419, %get3A_420] {strides = array<i32>} : memref<768x128xf32, #tpu.memory_space<vmem>>, vector<1x16xf32>,
      %get3A_422 = vector.shape_cast %get3A_421 : vector<1x16xf32> to vector<16xf32>
      %mul3A_423 = arith.mulf %get3A_422, %get3A_138 : vector<16xf32>
      %add3A_424 = arith.addf %add3A_416, %mul3A_423 : vector<16xf32>
      %add3A_425 = arith.constant 10 : i32
      %add3A_426 = arith.addi %add3A_347, %add3A_425 : i32
      %get3A_427 = arith.index_cast %add3A_426 : i32 to index
      %get3A_428 = arith.constant 0 : index
      %get3A_429 = tpu.vector_load %arg7[%get3A_427, %get3A_428] {strides = array<i32>} : memref<768x128xf32, #tpu.memory_space<vmem>>, vector<1x16xf32>,
      %get3A_430 = vector.shape_cast %get3A_429 : vector<1x16xf32> to vector<16xf32>
      %mul3A_431 = arith.mulf %get3A_430, %get3A_143 : vector<16xf32>
      %add3A_432 = arith.addf %add3A_424, %mul3A_431 : vector<16xf32>
      %add3A_433 = arith.constant 11 : i32
      %add3A_434 = arith.addi %add3A_347, %add3A_433 : i32
      %get3A_435 = arith.index_cast %add3A_434 : i32 to index
      %get3A_436 = arith.constant 0 : index
      %get3A_437 = tpu.vector_load %arg7[%get3A_435, %get3A_436] {strides = array<i32>} : memref<768x128xf32, #tpu.memory_space<vmem>>, vector<1x16xf32>,
      %get3A_438 = vector.shape_cast %get3A_437 : vector<1x16xf32> to vector<16xf32>
      %mul3A_439 = arith.mulf %get3A_438, %get3A_148 : vector<16xf32>
      %add3A_440 = arith.addf %add3A_432, %mul3A_439 : vector<16xf32>
      %add3A_441 = arith.constant 0 : i32
      %add3A_442 = arith.addi %add3A_441, %scan3A_343 : i32
      %swap3A = arith.index_cast %add3A_442 : i32 to index
      %swap3A_443 = arith.constant 0 : index
      %swap3A_444 = tpu.vector_load %arg8[%swap3A, %swap3A_443] {strides = array<i32>} : memref<64x128xf32, #tpu.memory_space<vmem>>, vector<1x16xf32>,
      %swap3A_445 = vector.shape_cast %swap3A_444 : vector<1x16xf32> to vector<16xf32>
      %swap3A_446 = vector.shape_cast %add3A_440 : vector<16xf32> to vector<1x16xf32>
      tpu.vector_store %arg8[%swap3A, %swap3A_443], %swap3A_446 {strides = array<i32>} : memref<64x128xf32, #tpu.memory_space<vmem>>, vector<1x16xf32>,
      %get3A_447 = arith.index_cast %add3A_347 : i32 to index
      %get3A_448 = arith.constant 16 : index
      %get3A_449 = tpu.vector_load %arg7[%get3A_447, %get3A_448] {strides = array<i32>} : memref<768x128xf32, #tpu.memory_space<vmem>>, vector<1x16xf32>,
      %get3A_450 = vector.shape_cast %get3A_449 : vector<1x16xf32> to vector<16xf32>
      %mul3A_451 = arith.mulf %get3A_450, %get3A_153 : vector<16xf32>
      %add3A_452 = arith.constant 1 : i32
      %add3A_453 = arith.addi %add3A_347, %add3A_452 : i32
      %get3A_454 = arith.index_cast %add3A_453 : i32 to index
      %get3A_455 = arith.constant 16 : index
      %get3A_456 = tpu.vector_load %arg7[%get3A_454, %get3A_455] {strides = array<i32>} : memref<768x128xf32, #tpu.memory_space<vmem>>, vector<1x16xf32>,
      %get3A_457 = vector.shape_cast %get3A_456 : vector<1x16xf32> to vector<16xf32>
      %mul3A_458 = arith.mulf %get3A_457, %get3A_158 : vector<16xf32>
      %add3A_459 = arith.addf %mul3A_451, %mul3A_458 : vector<16xf32>
      %add3A_460 = arith.constant 2 : i32
      %add3A_461 = arith.addi %add3A_347, %add3A_460 : i32
      %get3A_462 = arith.index_cast %add3A_461 : i32 to index
      %get3A_463 = arith.constant 16 : index
      %get3A_464 = tpu.vector_load %arg7[%get3A_462, %get3A_463] {strides = array<i32>} : memref<768x128xf32, #tpu.memory_space<vmem>>, vector<1x16xf32>,
      %get3A_465 = vector.shape_cast %get3A_464 : vector<1x16xf32> to vector<16xf32>
      %mul3A_466 = arith.mulf %get3A_465, %get3A_163 : vector<16xf32>
      %add3A_467 = arith.addf %add3A_459, %mul3A_466 : vector<16xf32>
      %add3A_468 = arith.constant 3 : i32
      %add3A_469 = arith.addi %add3A_347, %add3A_468 : i32
      %get3A_470 = arith.index_cast %add3A_469 : i32 to index
      %get3A_471 = arith.constant 16 : index
      %get3A_472 = tpu.vector_load %arg7[%get3A_470, %get3A_471] {strides = array<i32>} : memref<768x128xf32, #tpu.memory_space<vmem>>, vector<1x16xf32>,
      %get3A_473 = vector.shape_cast %get3A_472 : vector<1x16xf32> to vector<16xf32>
      %mul3A_474 = arith.mulf %get3A_473, %get3A_168 : vector<16xf32>
      %add3A_475 = arith.addf %add3A_467, %mul3A_474 : vector<16xf32>
      %add3A_476 = arith.constant 4 : i32
      %add3A_477 = arith.addi %add3A_347, %add3A_476 : i32
      %get3A_478 = arith.index_cast %add3A_477 : i32 to index
      %get3A_479 = arith.constant 16 : index
      %get3A_480 = tpu.vector_load %arg7[%get3A_478, %get3A_479] {strides = array<i32>} : memref<768x128xf32, #tpu.memory_space<vmem>>, vector<1x16xf32>,
      %get3A_481 = vector.shape_cast %get3A_480 : vector<1x16xf32> to vector<16xf32>
      %mul3A_482 = arith.mulf %get3A_481, %get3A_153 : vector<16xf32>
      %add3A_483 = arith.addf %add3A_475, %mul3A_482 : vector<16xf32>
      %add3A_484 = arith.constant 5 : i32
      %add3A_485 = arith.addi %add3A_347, %add3A_484 : i32
      %get3A_486 = arith.index_cast %add3A_485 : i32 to index
      %get3A_487 = arith.constant 16 : index
      %get3A_488 = tpu.vector_load %arg7[%get3A_486, %get3A_487] {strides = array<i32>} : memref<768x128xf32, #tpu.memory_space<vmem>>, vector<1x16xf32>,
      %get3A_489 = vector.shape_cast %get3A_488 : vector<1x16xf32> to vector<16xf32>
      %mul3A_490 = arith.mulf %get3A_489, %get3A_158 : vector<16xf32>
      %add3A_491 = arith.addf %add3A_483, %mul3A_490 : vector<16xf32>
      %add3A_492 = arith.constant 6 : i32
      %add3A_493 = arith.addi %add3A_347, %add3A_492 : i32
      %get3A_494 = arith.index_cast %add3A_493 : i32 to index
      %get3A_495 = arith.constant 16 : index
      %get3A_496 = tpu.vector_load %arg7[%get3A_494, %get3A_495] {strides = array<i32>} : memref<768x128xf32, #tpu.memory_space<vmem>>, vector<1x16xf32>,
      %get3A_497 = vector.shape_cast %get3A_496 : vector<1x16xf32> to vector<16xf32>
      %mul3A_498 = arith.mulf %get3A_497, %get3A_163 : vector<16xf32>
      %add3A_499 = arith.addf %add3A_491, %mul3A_498 : vector<16xf32>
      %add3A_500 = arith.constant 7 : i32
      %add3A_501 = arith.addi %add3A_347, %add3A_500 : i32
      %get3A_502 = arith.index_cast %add3A_501 : i32 to index
      %get3A_503 = arith.constant 16 : index
      %get3A_504 = tpu.vector_load %arg7[%get3A_502, %get3A_503] {strides = array<i32>} : memref<768x128xf32, #tpu.memory_space<vmem>>, vector<1x16xf32>,
      %get3A_505 = vector.shape_cast %get3A_504 : vector<1x16xf32> to vector<16xf32>
      %mul3A_506 = arith.mulf %get3A_505, %get3A_168 : vector<16xf32>
      %add3A_507 = arith.addf %add3A_499, %mul3A_506 : vector<16xf32>
      %add3A_508 = arith.constant 8 : i32
      %add3A_509 = arith.addi %add3A_347, %add3A_508 : i32
      %get3A_510 = arith.index_cast %add3A_509 : i32 to index
      %get3A_511 = arith.constant 16 : index
      %get3A_512 = tpu.vector_load %arg7[%get3A_510, %get3A_511] {strides = array<i32>} : memref<768x128xf32, #tpu.memory_space<vmem>>, vector<1x16xf32>,
      %get3A_513 = vector.shape_cast %get3A_512 : vector<1x16xf32> to vector<16xf32>
      %mul3A_514 = arith.mulf %get3A_513, %get3A_153 : vector<16xf32>
      %add3A_515 = arith.addf %add3A_507, %mul3A_514 : vector<16xf32>
      %add3A_516 = arith.constant 9 : i32
      %add3A_517 = arith.addi %add3A_347, %add3A_516 : i32
      %get3A_518 = arith.index_cast %add3A_517 : i32 to index
      %get3A_519 = arith.constant 16 : index
      %get3A_520 = tpu.vector_load %arg7[%get3A_518, %get3A_519] {strides = array<i32>} : memref<768x128xf32, #tpu.memory_space<vmem>>, vector<1x16xf32>,
      %get3A_521 = vector.shape_cast %get3A_520 : vector<1x16xf32> to vector<16xf32>
      %mul3A_522 = arith.mulf %get3A_521, %get3A_158 : vector<16xf32>
      %add3A_523 = arith.addf %add3A_515, %mul3A_522 : vector<16xf32>
      %add3A_524 = arith.constant 10 : i32
      %add3A_525 = arith.addi %add3A_347, %add3A_524 : i32
      %get3A_526 = arith.index_cast %add3A_525 : i32 to index
      %get3A_527 = arith.constant 16 : index
      %get3A_528 = tpu.vector_load %arg7[%get3A_526, %get3A_527] {strides = array<i32>} : memref<768x128xf32, #tpu.memory_space<vmem>>, vector<1x16xf32>,
      %get3A_529 = vector.shape_cast %get3A_528 : vector<1x16xf32> to vector<16xf32>
      %mul3A_530 = arith.mulf %get3A_529, %get3A_163 : vector<16xf32>
      %add3A_531 = arith.addf %add3A_523, %mul3A_530 : vector<16xf32>
      %add3A_532 = arith.constant 11 : i32
      %add3A_533 = arith.addi %add3A_347, %add3A_532 : i32
      %get3A_534 = arith.index_cast %add3A_533 : i32 to index
      %get3A_535 = arith.constant 16 : index
      %get3A_536 = tpu.vector_load %arg7[%get3A_534, %get3A_535] {strides = array<i32>} : memref<768x128xf32, #tpu.memory_space<vmem>>, vector<1x16xf32>,
      %get3A_537 = vector.shape_cast %get3A_536 : vector<1x16xf32> to vector<16xf32>
      %mul3A_538 = arith.mulf %get3A_537, %get3A_168 : vector<16xf32>
      %add3A_539 = arith.addf %add3A_531, %mul3A_538 : vector<16xf32>
      %add3A_540 = arith.constant 0 : i32
      %add3A_541 = arith.addi %add3A_540, %scan3A_343 : i32
      %swap3A_542 = arith.index_cast %add3A_541 : i32 to index
      %swap3A_543 = arith.constant 16 : index
      %swap3A_544 = tpu.vector_load %arg8[%swap3A_542, %swap3A_543] {strides = array<i32>} : memref<64x128xf32, #tpu.memory_space<vmem>>, vector<1x16xf32>,
      %swap3A_545 = vector.shape_cast %swap3A_544 : vector<1x16xf32> to vector<16xf32>
      %swap3A_546 = vector.shape_cast %add3A_539 : vector<16xf32> to vector<1x16xf32>
      tpu.vector_store %arg8[%swap3A_542, %swap3A_543], %swap3A_546 {strides = array<i32>} : memref<64x128xf32, #tpu.memory_space<vmem>>, vector<1x16xf32>,
      %get3A_547 = arith.index_cast %add3A_347 : i32 to index
      %get3A_548 = arith.constant 32 : index
      %get3A_549 = tpu.vector_load %arg7[%get3A_547, %get3A_548] {strides = array<i32>} : memref<768x128xf32, #tpu.memory_space<vmem>>, vector<1x16xf32>,
      %get3A_550 = vector.shape_cast %get3A_549 : vector<1x16xf32> to vector<16xf32>
      %mul3A_551 = arith.mulf %get3A_550, %get3A_173 : vector<16xf32>
      %add3A_552 = arith.constant 1 : i32
      %add3A_553 = arith.addi %add3A_347, %add3A_552 : i32
      %get3A_554 = arith.index_cast %add3A_553 : i32 to index
      %get3A_555 = arith.constant 32 : index
      %get3A_556 = tpu.vector_load %arg7[%get3A_554, %get3A_555] {strides = array<i32>} : memref<768x128xf32, #tpu.memory_space<vmem>>, vector<1x16xf32>,
      %get3A_557 = vector.shape_cast %get3A_556 : vector<1x16xf32> to vector<16xf32>
      %mul3A_558 = arith.mulf %get3A_557, %get3A_178 : vector<16xf32>
      %add3A_559 = arith.addf %mul3A_551, %mul3A_558 : vector<16xf32>
      %add3A_560 = arith.constant 2 : i32
      %add3A_561 = arith.addi %add3A_347, %add3A_560 : i32
      %get3A_562 = arith.index_cast %add3A_561 : i32 to index
      %get3A_563 = arith.constant 32 : index
      %get3A_564 = tpu.vector_load %arg7[%get3A_562, %get3A_563] {strides = array<i32>} : memref<768x128xf32, #tpu.memory_space<vmem>>, vector<1x16xf32>,
      %get3A_565 = vector.shape_cast %get3A_564 : vector<1x16xf32> to vector<16xf32>
      %mul3A_566 = arith.mulf %get3A_565, %get3A_183 : vector<16xf32>
      %add3A_567 = arith.addf %add3A_559, %mul3A_566 : vector<16xf32>
      %add3A_568 = arith.constant 3 : i32
      %add3A_569 = arith.addi %add3A_347, %add3A_568 : i32
      %get3A_570 = arith.index_cast %add3A_569 : i32 to index
      %get3A_571 = arith.constant 32 : index
      %get3A_572 = tpu.vector_load %arg7[%get3A_570, %get3A_571] {strides = array<i32>} : memref<768x128xf32, #tpu.memory_space<vmem>>, vector<1x16xf32>,
      %get3A_573 = vector.shape_cast %get3A_572 : vector<1x16xf32> to vector<16xf32>
      %mul3A_574 = arith.mulf %get3A_573, %get3A_188 : vector<16xf32>
      %add3A_575 = arith.addf %add3A_567, %mul3A_574 : vector<16xf32>
      %add3A_576 = arith.constant 4 : i32
      %add3A_577 = arith.addi %add3A_347, %add3A_576 : i32
      %get3A_578 = arith.index_cast %add3A_577 : i32 to index
      %get3A_579 = arith.constant 32 : index
      %get3A_580 = tpu.vector_load %arg7[%get3A_578, %get3A_579] {strides = array<i32>} : memref<768x128xf32, #tpu.memory_space<vmem>>, vector<1x16xf32>,
      %get3A_581 = vector.shape_cast %get3A_580 : vector<1x16xf32> to vector<16xf32>
      %mul3A_582 = arith.mulf %get3A_581, %get3A_173 : vector<16xf32>
      %add3A_583 = arith.addf %add3A_575, %mul3A_582 : vector<16xf32>
      %add3A_584 = arith.constant 5 : i32
      %add3A_585 = arith.addi %add3A_347, %add3A_584 : i32
      %get3A_586 = arith.index_cast %add3A_585 : i32 to index
      %get3A_587 = arith.constant 32 : index
      %get3A_588 = tpu.vector_load %arg7[%get3A_586, %get3A_587] {strides = array<i32>} : memref<768x128xf32, #tpu.memory_space<vmem>>, vector<1x16xf32>,
      %get3A_589 = vector.shape_cast %get3A_588 : vector<1x16xf32> to vector<16xf32>
      %mul3A_590 = arith.mulf %get3A_589, %get3A_178 : vector<16xf32>
      %add3A_591 = arith.addf %add3A_583, %mul3A_590 : vector<16xf32>
      %add3A_592 = arith.constant 6 : i32
      %add3A_593 = arith.addi %add3A_347, %add3A_592 : i32
      %get3A_594 = arith.index_cast %add3A_593 : i32 to index
      %get3A_595 = arith.constant 32 : index
      %get3A_596 = tpu.vector_load %arg7[%get3A_594, %get3A_595] {strides = array<i32>} : memref<768x128xf32, #tpu.memory_space<vmem>>, vector<1x16xf32>,
      %get3A_597 = vector.shape_cast %get3A_596 : vector<1x16xf32> to vector<16xf32>
      %mul3A_598 = arith.mulf %get3A_597, %get3A_183 : vector<16xf32>
      %add3A_599 = arith.addf %add3A_591, %mul3A_598 : vector<16xf32>
      %add3A_600 = arith.constant 7 : i32
      %add3A_601 = arith.addi %add3A_347, %add3A_600 : i32
      %get3A_602 = arith.index_cast %add3A_601 : i32 to index
      %get3A_603 = arith.constant 32 : index
      %get3A_604 = tpu.vector_load %arg7[%get3A_602, %get3A_603] {strides = array<i32>} : memref<768x128xf32, #tpu.memory_space<vmem>>, vector<1x16xf32>,
      %get3A_605 = vector.shape_cast %get3A_604 : vector<1x16xf32> to vector<16xf32>
      %mul3A_606 = arith.mulf %get3A_605, %get3A_188 : vector<16xf32>
      %add3A_607 = arith.addf %add3A_599, %mul3A_606 : vector<16xf32>
      %add3A_608 = arith.constant 8 : i32
      %add3A_609 = arith.addi %add3A_347, %add3A_608 : i32
      %get3A_610 = arith.index_cast %add3A_609 : i32 to index
      %get3A_611 = arith.constant 32 : index
      %get3A_612 = tpu.vector_load %arg7[%get3A_610, %get3A_611] {strides = array<i32>} : memref<768x128xf32, #tpu.memory_space<vmem>>, vector<1x16xf32>,
      %get3A_613 = vector.shape_cast %get3A_612 : vector<1x16xf32> to vector<16xf32>
      %mul3A_614 = arith.mulf %get3A_613, %get3A_173 : vector<16xf32>
      %add3A_615 = arith.addf %add3A_607, %mul3A_614 : vector<16xf32>
      %add3A_616 = arith.constant 9 : i32
      %add3A_617 = arith.addi %add3A_347, %add3A_616 : i32
      %get3A_618 = arith.index_cast %add3A_617 : i32 to index
      %get3A_619 = arith.constant 32 : index
      %get3A_620 = tpu.vector_load %arg7[%get3A_618, %get3A_619] {strides = array<i32>} : memref<768x128xf32, #tpu.memory_space<vmem>>, vector<1x16xf32>,
      %get3A_621 = vector.shape_cast %get3A_620 : vector<1x16xf32> to vector<16xf32>
      %mul3A_622 = arith.mulf %get3A_621, %get3A_178 : vector<16xf32>
      %add3A_623 = arith.addf %add3A_615, %mul3A_622 : vector<16xf32>
      %add3A_624 = arith.constant 10 : i32
      %add3A_625 = arith.addi %add3A_347, %add3A_624 : i32
      %get3A_626 = arith.index_cast %add3A_625 : i32 to index
      %get3A_627 = arith.constant 32 : index
      %get3A_628 = tpu.vector_load %arg7[%get3A_626, %get3A_627] {strides = array<i32>} : memref<768x128xf32, #tpu.memory_space<vmem>>, vector<1x16xf32>,
      %get3A_629 = vector.shape_cast %get3A_628 : vector<1x16xf32> to vector<16xf32>
      %mul3A_630 = arith.mulf %get3A_629, %get3A_183 : vector<16xf32>
      %add3A_631 = arith.addf %add3A_623, %mul3A_630 : vector<16xf32>
      %add3A_632 = arith.constant 11 : i32
      %add3A_633 = arith.addi %add3A_347, %add3A_632 : i32
      %get3A_634 = arith.index_cast %add3A_633 : i32 to index
      %get3A_635 = arith.constant 32 : index
      %get3A_636 = tpu.vector_load %arg7[%get3A_634, %get3A_635] {strides = array<i32>} : memref<768x128xf32, #tpu.memory_space<vmem>>, vector<1x16xf32>,
      %get3A_637 = vector.shape_cast %get3A_636 : vector<1x16xf32> to vector<16xf32>
      %mul3A_638 = arith.mulf %get3A_637, %get3A_188 : vector<16xf32>
      %add3A_639 = arith.addf %add3A_631, %mul3A_638 : vector<16xf32>
      %add3A_640 = arith.constant 0 : i32
      %add3A_641 = arith.addi %add3A_640, %scan3A_343 : i32
      %swap3A_642 = arith.index_cast %add3A_641 : i32 to index
      %swap3A_643 = arith.constant 32 : index
      %swap3A_644 = tpu.vector_load %arg8[%swap3A_642, %swap3A_643] {strides = array<i32>} : memref<64x128xf32, #tpu.memory_space<vmem>>, vector<1x16xf32>,
      %swap3A_645 = vector.shape_cast %swap3A_644 : vector<1x16xf32> to vector<16xf32>
      %swap3A_646 = vector.shape_cast %add3A_639 : vector<16xf32> to vector<1x16xf32>
      tpu.vector_store %arg8[%swap3A_642, %swap3A_643], %swap3A_646 {strides = array<i32>} : memref<64x128xf32, #tpu.memory_space<vmem>>, vector<1x16xf32>,
      %get3A_647 = arith.index_cast %add3A_347 : i32 to index
      %get3A_648 = arith.constant 48 : index
      %get3A_649 = tpu.vector_load %arg7[%get3A_647, %get3A_648] {strides = array<i32>} : memref<768x128xf32, #tpu.memory_space<vmem>>, vector<1x16xf32>,
      %get3A_650 = vector.shape_cast %get3A_649 : vector<1x16xf32> to vector<16xf32>
      %mul3A_651 = arith.mulf %get3A_650, %get3A_193 : vector<16xf32>
      %add3A_652 = arith.constant 1 : i32
      %add3A_653 = arith.addi %add3A_347, %add3A_652 : i32
      %get3A_654 = arith.index_cast %add3A_653 : i32 to index
      %get3A_655 = arith.constant 48 : index
      %get3A_656 = tpu.vector_load %arg7[%get3A_654, %get3A_655] {strides = array<i32>} : memref<768x128xf32, #tpu.memory_space<vmem>>, vector<1x16xf32>,
      %get3A_657 = vector.shape_cast %get3A_656 : vector<1x16xf32> to vector<16xf32>
      %mul3A_658 = arith.mulf %get3A_657, %get3A_198 : vector<16xf32>
      %add3A_659 = arith.addf %mul3A_651, %mul3A_658 : vector<16xf32>
      %add3A_660 = arith.constant 2 : i32
      %add3A_661 = arith.addi %add3A_347, %add3A_660 : i32
      %get3A_662 = arith.index_cast %add3A_661 : i32 to index
      %get3A_663 = arith.constant 48 : index
      %get3A_664 = tpu.vector_load %arg7[%get3A_662, %get3A_663] {strides = array<i32>} : memref<768x128xf32, #tpu.memory_space<vmem>>, vector<1x16xf32>,
      %get3A_665 = vector.shape_cast %get3A_664 : vector<1x16xf32> to vector<16xf32>
      %mul3A_666 = arith.mulf %get3A_665, %get3A_203 : vector<16xf32>
      %add3A_667 = arith.addf %add3A_659, %mul3A_666 : vector<16xf32>
      %add3A_668 = arith.constant 3 : i32
      %add3A_669 = arith.addi %add3A_347, %add3A_668 : i32
      %get3A_670 = arith.index_cast %add3A_669 : i32 to index
      %get3A_671 = arith.constant 48 : index
      %get3A_672 = tpu.vector_load %arg7[%get3A_670, %get3A_671] {strides = array<i32>} : memref<768x128xf32, #tpu.memory_space<vmem>>, vector<1x16xf32>,
      %get3A_673 = vector.shape_cast %get3A_672 : vector<1x16xf32> to vector<16xf32>
      %mul3A_674 = arith.mulf %get3A_673, %get3A_208 : vector<16xf32>
      %add3A_675 = arith.addf %add3A_667, %mul3A_674 : vector<16xf32>
      %add3A_676 = arith.constant 4 : i32
      %add3A_677 = arith.addi %add3A_347, %add3A_676 : i32
      %get3A_678 = arith.index_cast %add3A_677 : i32 to index
      %get3A_679 = arith.constant 48 : index
      %get3A_680 = tpu.vector_load %arg7[%get3A_678, %get3A_679] {strides = array<i32>} : memref<768x128xf32, #tpu.memory_space<vmem>>, vector<1x16xf32>,
      %get3A_681 = vector.shape_cast %get3A_680 : vector<1x16xf32> to vector<16xf32>
      %mul3A_682 = arith.mulf %get3A_681, %get3A_193 : vector<16xf32>
      %add3A_683 = arith.addf %add3A_675, %mul3A_682 : vector<16xf32>
      %add3A_684 = arith.constant 5 : i32
      %add3A_685 = arith.addi %add3A_347, %add3A_684 : i32
      %get3A_686 = arith.index_cast %add3A_685 : i32 to index
      %get3A_687 = arith.constant 48 : index
      %get3A_688 = tpu.vector_load %arg7[%get3A_686, %get3A_687] {strides = array<i32>} : memref<768x128xf32, #tpu.memory_space<vmem>>, vector<1x16xf32>,
      %get3A_689 = vector.shape_cast %get3A_688 : vector<1x16xf32> to vector<16xf32>
      %mul3A_690 = arith.mulf %get3A_689, %get3A_198 : vector<16xf32>
      %add3A_691 = arith.addf %add3A_683, %mul3A_690 : vector<16xf32>
      %add3A_692 = arith.constant 6 : i32
      %add3A_693 = arith.addi %add3A_347, %add3A_692 : i32
      %get3A_694 = arith.index_cast %add3A_693 : i32 to index
      %get3A_695 = arith.constant 48 : index
      %get3A_696 = tpu.vector_load %arg7[%get3A_694, %get3A_695] {strides = array<i32>} : memref<768x128xf32, #tpu.memory_space<vmem>>, vector<1x16xf32>,
      %get3A_697 = vector.shape_cast %get3A_696 : vector<1x16xf32> to vector<16xf32>
      %mul3A_698 = arith.mulf %get3A_697, %get3A_203 : vector<16xf32>
      %add3A_699 = arith.addf %add3A_691, %mul3A_698 : vector<16xf32>
      %add3A_700 = arith.constant 7 : i32
      %add3A_701 = arith.addi %add3A_347, %add3A_700 : i32
      %get3A_702 = arith.index_cast %add3A_701 : i32 to index
      %get3A_703 = arith.constant 48 : index
      %get3A_704 = tpu.vector_load %arg7[%get3A_702, %get3A_703] {strides = array<i32>} : memref<768x128xf32, #tpu.memory_space<vmem>>, vector<1x16xf32>,
      %get3A_705 = vector.shape_cast %get3A_704 : vector<1x16xf32> to vector<16xf32>
      %mul3A_706 = arith.mulf %get3A_705, %get3A_208 : vector<16xf32>
      %add3A_707 = arith.addf %add3A_699, %mul3A_706 : vector<16xf32>
      %add3A_708 = arith.constant 8 : i32
      %add3A_709 = arith.addi %add3A_347, %add3A_708 : i32
      %get3A_710 = arith.index_cast %add3A_709 : i32 to index
      %get3A_711 = arith.constant 48 : index
      %get3A_712 = tpu.vector_load %arg7[%get3A_710, %get3A_711] {strides = array<i32>} : memref<768x128xf32, #tpu.memory_space<vmem>>, vector<1x16xf32>,
      %get3A_713 = vector.shape_cast %get3A_712 : vector<1x16xf32> to vector<16xf32>
      %mul3A_714 = arith.mulf %get3A_713, %get3A_193 : vector<16xf32>
      %add3A_715 = arith.addf %add3A_707, %mul3A_714 : vector<16xf32>
      %add3A_716 = arith.constant 9 : i32
      %add3A_717 = arith.addi %add3A_347, %add3A_716 : i32
      %get3A_718 = arith.index_cast %add3A_717 : i32 to index
      %get3A_719 = arith.constant 48 : index
      %get3A_720 = tpu.vector_load %arg7[%get3A_718, %get3A_719] {strides = array<i32>} : memref<768x128xf32, #tpu.memory_space<vmem>>, vector<1x16xf32>,
      %get3A_721 = vector.shape_cast %get3A_720 : vector<1x16xf32> to vector<16xf32>
      %mul3A_722 = arith.mulf %get3A_721, %get3A_198 : vector<16xf32>
      %add3A_723 = arith.addf %add3A_715, %mul3A_722 : vector<16xf32>
      %add3A_724 = arith.constant 10 : i32
      %add3A_725 = arith.addi %add3A_347, %add3A_724 : i32
      %get3A_726 = arith.index_cast %add3A_725 : i32 to index
      %get3A_727 = arith.constant 48 : index
      %get3A_728 = tpu.vector_load %arg7[%get3A_726, %get3A_727] {strides = array<i32>} : memref<768x128xf32, #tpu.memory_space<vmem>>, vector<1x16xf32>,
      %get3A_729 = vector.shape_cast %get3A_728 : vector<1x16xf32> to vector<16xf32>
      %mul3A_730 = arith.mulf %get3A_729, %get3A_203 : vector<16xf32>
      %add3A_731 = arith.addf %add3A_723, %mul3A_730 : vector<16xf32>
      %add3A_732 = arith.constant 11 : i32
      %add3A_733 = arith.addi %add3A_347, %add3A_732 : i32
      %get3A_734 = arith.index_cast %add3A_733 : i32 to index
      %get3A_735 = arith.constant 48 : index
      %get3A_736 = tpu.vector_load %arg7[%get3A_734, %get3A_735] {strides = array<i32>} : memref<768x128xf32, #tpu.memory_space<vmem>>, vector<1x16xf32>,
      %get3A_737 = vector.shape_cast %get3A_736 : vector<1x16xf32> to vector<16xf32>
      %mul3A_738 = arith.mulf %get3A_737, %get3A_208 : vector<16xf32>
      %add3A_739 = arith.addf %add3A_731, %mul3A_738 : vector<16xf32>
      %add3A_740 = arith.constant 0 : i32
      %add3A_741 = arith.addi %add3A_740, %scan3A_343 : i32
      %swap3A_742 = arith.index_cast %add3A_741 : i32 to index
      %swap3A_743 = arith.constant 48 : index
      %swap3A_744 = tpu.vector_load %arg8[%swap3A_742, %swap3A_743] {strides = array<i32>} : memref<64x128xf32, #tpu.memory_space<vmem>>, vector<1x16xf32>,
      %swap3A_745 = vector.shape_cast %swap3A_744 : vector<1x16xf32> to vector<16xf32>
      %swap3A_746 = vector.shape_cast %add3A_739 : vector<16xf32> to vector<1x16xf32>
      tpu.vector_store %arg8[%swap3A_742, %swap3A_743], %swap3A_746 {strides = array<i32>} : memref<64x128xf32, #tpu.memory_space<vmem>>, vector<1x16xf32>,
    }
    %scan3A_214 = arith.constant 32 : i32
    %get3A_215 = arith.constant 0 : i32
    %get3A_216 = arith.index_cast %get3A_215 : i32 to index
    %get3A_217 = arith.constant 64 : index
    %get3A_218 = tpu.vector_load %arg9[%get3A_216, %get3A_217] {strides = array<i32>} : memref<4x128xf32, #tpu.memory_space<vmem>>, vector<1x16xf32>,
    %get3A_219 = vector.shape_cast %get3A_218 : vector<1x16xf32> to vector<16xf32>
    %get3A_220 = arith.constant 1 : i32
    %get3A_221 = arith.index_cast %get3A_220 : i32 to index
    %get3A_222 = arith.constant 64 : index
    %get3A_223 = tpu.vector_load %arg9[%get3A_221, %get3A_222] {strides = array<i32>} : memref<4x128xf32, #tpu.memory_space<vmem>>, vector<1x16xf32>,
    %get3A_224 = vector.shape_cast %get3A_223 : vector<1x16xf32> to vector<16xf32>
    %get3A_225 = arith.constant 2 : i32
    %get3A_226 = arith.index_cast %get3A_225 : i32 to index
    %get3A_227 = arith.constant 64 : index
    %get3A_228 = tpu.vector_load %arg9[%get3A_226, %get3A_227] {strides = array<i32>} : memref<4x128xf32, #tpu.memory_space<vmem>>, vector<1x16xf32>,
    %get3A_229 = vector.shape_cast %get3A_228 : vector<1x16xf32> to vector<16xf32>
    %get3A_230 = arith.constant 3 : i32
    %get3A_231 = arith.index_cast %get3A_230 : i32 to index
    %get3A_232 = arith.constant 64 : index
    %get3A_233 = tpu.vector_load %arg9[%get3A_231, %get3A_232] {strides = array<i32>} : memref<4x128xf32, #tpu.memory_space<vmem>>, vector<1x16xf32>,
    %get3A_234 = vector.shape_cast %get3A_233 : vector<1x16xf32> to vector<16xf32>
    %get3A_235 = arith.constant 0 : i32
    %get3A_236 = arith.index_cast %get3A_235 : i32 to index
    %get3A_237 = arith.constant 80 : index
    %get3A_238 = tpu.vector_load %arg9[%get3A_236, %get3A_237] {strides = array<i32>} : memref<4x128xf32, #tpu.memory_space<vmem>>, vector<1x16xf32>,
    %get3A_239 = vector.shape_cast %get3A_238 : vector<1x16xf32> to vector<16xf32>
    %get3A_240 = arith.constant 1 : i32
    %get3A_241 = arith.index_cast %get3A_240 : i32 to index
    %get3A_242 = arith.constant 80 : index
    %get3A_243 = tpu.vector_load %arg9[%get3A_241, %get3A_242] {strides = array<i32>} : memref<4x128xf32, #tpu.memory_space<vmem>>, vector<1x16xf32>,
    %get3A_244 = vector.shape_cast %get3A_243 : vector<1x16xf32> to vector<16xf32>
    %get3A_245 = arith.constant 2 : i32
    %get3A_246 = arith.index_cast %get3A_245 : i32 to index
    %get3A_247 = arith.constant 80 : index
    %get3A_248 = tpu.vector_load %arg9[%get3A_246, %get3A_247] {strides = array<i32>} : memref<4x128xf32, #tpu.memory_space<vmem>>, vector<1x16xf32>,
    %get3A_249 = vector.shape_cast %get3A_248 : vector<1x16xf32> to vector<16xf32>
    %get3A_250 = arith.constant 3 : i32
    %get3A_251 = arith.index_cast %get3A_250 : i32 to index
    %get3A_252 = arith.constant 80 : index
    %get3A_253 = tpu.vector_load %arg9[%get3A_251, %get3A_252] {strides = array<i32>} : memref<4x128xf32, #tpu.memory_space<vmem>>, vector<1x16xf32>,
    %get3A_254 = vector.shape_cast %get3A_253 : vector<1x16xf32> to vector<16xf32>
    %get3A_255 = arith.constant 0 : i32
    %get3A_256 = arith.index_cast %get3A_255 : i32 to index
    %get3A_257 = arith.constant 96 : index
    %get3A_258 = tpu.vector_load %arg9[%get3A_256, %get3A_257] {strides = array<i32>} : memref<4x128xf32, #tpu.memory_space<vmem>>, vector<1x16xf32>,
    %get3A_259 = vector.shape_cast %get3A_258 : vector<1x16xf32> to vector<16xf32>
    %get3A_260 = arith.constant 1 : i32
    %get3A_261 = arith.index_cast %get3A_260 : i32 to index
    %get3A_262 = arith.constant 96 : index
    %get3A_263 = tpu.vector_load %arg9[%get3A_261, %get3A_262] {strides = array<i32>} : memref<4x128xf32, #tpu.memory_space<vmem>>, vector<1x16xf32>,
    %get3A_264 = vector.shape_cast %get3A_263 : vector<1x16xf32> to vector<16xf32>
    %get3A_265 = arith.constant 2 : i32
    %get3A_266 = arith.index_cast %get3A_265 : i32 to index
    %get3A_267 = arith.constant 96 : index
    %get3A_268 = tpu.vector_load %arg9[%get3A_266, %get3A_267] {strides = array<i32>} : memref<4x128xf32, #tpu.memory_space<vmem>>, vector<1x16xf32>,
    %get3A_269 = vector.shape_cast %get3A_268 : vector<1x16xf32> to vector<16xf32>
    %get3A_270 = arith.constant 3 : i32
    %get3A_271 = arith.index_cast %get3A_270 : i32 to index
    %get3A_272 = arith.constant 96 : index
    %get3A_273 = tpu.vector_load %arg9[%get3A_271, %get3A_272] {strides = array<i32>} : memref<4x128xf32, #tpu.memory_space<vmem>>, vector<1x16xf32>,
    %get3A_274 = vector.shape_cast %get3A_273 : vector<1x16xf32> to vector<16xf32>
    %get3A_275 = arith.constant 0 : i32
    %get3A_276 = arith.index_cast %get3A_275 : i32 to index
    %get3A_277 = arith.constant 112 : index
    %get3A_278 = tpu.vector_load %arg9[%get3A_276, %get3A_277] {strides = array<i32>} : memref<4x128xf32, #tpu.memory_space<vmem>>, vector<1x16xf32>,
    %get3A_279 = vector.shape_cast %get3A_278 : vector<1x16xf32> to vector<16xf32>
    %get3A_280 = arith.constant 1 : i32
    %get3A_281 = arith.index_cast %get3A_280 : i32 to index
    %get3A_282 = arith.constant 112 : index
    %get3A_283 = tpu.vector_load %arg9[%get3A_281, %get3A_282] {strides = array<i32>} : memref<4x128xf32, #tpu.memory_space<vmem>>, vector<1x16xf32>,
    %get3A_284 = vector.shape_cast %get3A_283 : vector<1x16xf32> to vector<16xf32>
    %get3A_285 = arith.constant 2 : i32
    %get3A_286 = arith.index_cast %get3A_285 : i32 to index
    %get3A_287 = arith.constant 112 : index
    %get3A_288 = tpu.vector_load %arg9[%get3A_286, %get3A_287] {strides = array<i32>} : memref<4x128xf32, #tpu.memory_space<vmem>>, vector<1x16xf32>,
    %get3A_289 = vector.shape_cast %get3A_288 : vector<1x16xf32> to vector<16xf32>
    %get3A_290 = arith.constant 3 : i32
    %get3A_291 = arith.index_cast %get3A_290 : i32 to index
    %get3A_292 = arith.constant 112 : index
    %get3A_293 = tpu.vector_load %arg9[%get3A_291, %get3A_292] {strides = array<i32>} : memref<4x128xf32, #tpu.memory_space<vmem>>, vector<1x16xf32>,
    %get3A_294 = vector.shape_cast %get3A_293 : vector<1x16xf32> to vector<16xf32>
    %scan3A_295 = arith.constant 0 : i32
    %scan3A_296 = arith.constant 0 : i32
    %scan3A_297 = arith.constant 32 : i32
    %scan3A_298 = arith.addi %scan3A_296, %scan3A_297 : i32
    %scan3A_299 = arith.constant 1 : i32
    scf.for %scan3A_343 = %scan3A_296 to %scan3A_298 step %scan3A_299  : i32 {
      %mul3A_344 = arith.constant 12 : i32
      %mul3A_345 = arith.muli %scan3A_343, %mul3A_344 : i32
      %add3A_346 = arith.constant 0 : i32
      %add3A_347 = arith.addi %add3A_346, %mul3A_345 : i32
      %get3A_348 = arith.index_cast %add3A_347 : i32 to index
      %get3A_349 = arith.constant 64 : index
      %get3A_350 = tpu.vector_load %arg7[%get3A_348, %get3A_349] {strides = array<i32>} : memref<768x128xf32, #tpu.memory_space<vmem>>, vector<1x16xf32>,
      %get3A_351 = vector.shape_cast %get3A_350 : vector<1x16xf32> to vector<16xf32>
      %mul3A_352 = arith.mulf %get3A_351, %get3A_219 : vector<16xf32>
      %add3A_353 = arith.constant 1 : i32
      %add3A_354 = arith.addi %add3A_347, %add3A_353 : i32
      %get3A_355 = arith.index_cast %add3A_354 : i32 to index
      %get3A_356 = arith.constant 64 : index
      %get3A_357 = tpu.vector_load %arg7[%get3A_355, %get3A_356] {strides = array<i32>} : memref<768x128xf32, #tpu.memory_space<vmem>>, vector<1x16xf32>,
      %get3A_358 = vector.shape_cast %get3A_357 : vector<1x16xf32> to vector<16xf32>
      %mul3A_359 = arith.mulf %get3A_358, %get3A_224 : vector<16xf32>
      %add3A_360 = arith.addf %mul3A_352, %mul3A_359 : vector<16xf32>
      %add3A_361 = arith.constant 2 : i32
      %add3A_362 = arith.addi %add3A_347, %add3A_361 : i32
      %get3A_363 = arith.index_cast %add3A_362 : i32 to index
      %get3A_364 = arith.constant 64 : index
      %get3A_365 = tpu.vector_load %arg7[%get3A_363, %get3A_364] {strides = array<i32>} : memref<768x128xf32, #tpu.memory_space<vmem>>, vector<1x16xf32>,
      %get3A_366 = vector.shape_cast %get3A_365 : vector<1x16xf32> to vector<16xf32>
      %mul3A_367 = arith.mulf %get3A_366, %get3A_229 : vector<16xf32>
      %add3A_368 = arith.addf %add3A_360, %mul3A_367 : vector<16xf32>
      %add3A_369 = arith.constant 3 : i32
      %add3A_370 = arith.addi %add3A_347, %add3A_369 : i32
      %get3A_371 = arith.index_cast %add3A_370 : i32 to index
      %get3A_372 = arith.constant 64 : index
      %get3A_373 = tpu.vector_load %arg7[%get3A_371, %get3A_372] {strides = array<i32>} : memref<768x128xf32, #tpu.memory_space<vmem>>, vector<1x16xf32>,
      %get3A_374 = vector.shape_cast %get3A_373 : vector<1x16xf32> to vector<16xf32>
      %mul3A_375 = arith.mulf %get3A_374, %get3A_234 : vector<16xf32>
      %add3A_376 = arith.addf %add3A_368, %mul3A_375 : vector<16xf32>
      %add3A_377 = arith.constant 4 : i32
      %add3A_378 = arith.addi %add3A_347, %add3A_377 : i32
      %get3A_379 = arith.index_cast %add3A_378 : i32 to index
      %get3A_380 = arith.constant 64 : index
      %get3A_381 = tpu.vector_load %arg7[%get3A_379, %get3A_380] {strides = array<i32>} : memref<768x128xf32, #tpu.memory_space<vmem>>, vector<1x16xf32>,
      %get3A_382 = vector.shape_cast %get3A_381 : vector<1x16xf32> to vector<16xf32>
      %mul3A_383 = arith.mulf %get3A_382, %get3A_219 : vector<16xf32>
      %add3A_384 = arith.addf %add3A_376, %mul3A_383 : vector<16xf32>
      %add3A_385 = arith.constant 5 : i32
      %add3A_386 = arith.addi %add3A_347, %add3A_385 : i32
      %get3A_387 = arith.index_cast %add3A_386 : i32 to index
      %get3A_388 = arith.constant 64 : index
      %get3A_389 = tpu.vector_load %arg7[%get3A_387, %get3A_388] {strides = array<i32>} : memref<768x128xf32, #tpu.memory_space<vmem>>, vector<1x16xf32>,
      %get3A_390 = vector.shape_cast %get3A_389 : vector<1x16xf32> to vector<16xf32>
      %mul3A_391 = arith.mulf %get3A_390, %get3A_224 : vector<16xf32>
      %add3A_392 = arith.addf %add3A_384, %mul3A_391 : vector<16xf32>
      %add3A_393 = arith.constant 6 : i32
      %add3A_394 = arith.addi %add3A_347, %add3A_393 : i32
      %get3A_395 = arith.index_cast %add3A_394 : i32 to index
      %get3A_396 = arith.constant 64 : index
      %get3A_397 = tpu.vector_load %arg7[%get3A_395, %get3A_396] {strides = array<i32>} : memref<768x128xf32, #tpu.memory_space<vmem>>, vector<1x16xf32>,
      %get3A_398 = vector.shape_cast %get3A_397 : vector<1x16xf32> to vector<16xf32>
      %mul3A_399 = arith.mulf %get3A_398, %get3A_229 : vector<16xf32>
      %add3A_400 = arith.addf %add3A_392, %mul3A_399 : vector<16xf32>
      %add3A_401 = arith.constant 7 : i32
      %add3A_402 = arith.addi %add3A_347, %add3A_401 : i32
      %get3A_403 = arith.index_cast %add3A_402 : i32 to index
      %get3A_404 = arith.constant 64 : index
      %get3A_405 = tpu.vector_load %arg7[%get3A_403, %get3A_404] {strides = array<i32>} : memref<768x128xf32, #tpu.memory_space<vmem>>, vector<1x16xf32>,
      %get3A_406 = vector.shape_cast %get3A_405 : vector<1x16xf32> to vector<16xf32>
      %mul3A_407 = arith.mulf %get3A_406, %get3A_234 : vector<16xf32>
      %add3A_408 = arith.addf %add3A_400, %mul3A_407 : vector<16xf32>
      %add3A_409 = arith.constant 8 : i32
      %add3A_410 = arith.addi %add3A_347, %add3A_409 : i32
      %get3A_411 = arith.index_cast %add3A_410 : i32 to index
      %get3A_412 = arith.constant 64 : index
      %get3A_413 = tpu.vector_load %arg7[%get3A_411, %get3A_412] {strides = array<i32>} : memref<768x128xf32, #tpu.memory_space<vmem>>, vector<1x16xf32>,
      %get3A_414 = vector.shape_cast %get3A_413 : vector<1x16xf32> to vector<16xf32>
      %mul3A_415 = arith.mulf %get3A_414, %get3A_219 : vector<16xf32>
      %add3A_416 = arith.addf %add3A_408, %mul3A_415 : vector<16xf32>
      %add3A_417 = arith.constant 9 : i32
      %add3A_418 = arith.addi %add3A_347, %add3A_417 : i32
      %get3A_419 = arith.index_cast %add3A_418 : i32 to index
      %get3A_420 = arith.constant 64 : index
      %get3A_421 = tpu.vector_load %arg7[%get3A_419, %get3A_420] {strides = array<i32>} : memref<768x128xf32, #tpu.memory_space<vmem>>, vector<1x16xf32>,
      %get3A_422 = vector.shape_cast %get3A_421 : vector<1x16xf32> to vector<16xf32>
      %mul3A_423 = arith.mulf %get3A_422, %get3A_224 : vector<16xf32>
      %add3A_424 = arith.addf %add3A_416, %mul3A_423 : vector<16xf32>
      %add3A_425 = arith.constant 10 : i32
      %add3A_426 = arith.addi %add3A_347, %add3A_425 : i32
      %get3A_427 = arith.index_cast %add3A_426 : i32 to index
      %get3A_428 = arith.constant 64 : index
      %get3A_429 = tpu.vector_load %arg7[%get3A_427, %get3A_428] {strides = array<i32>} : memref<768x128xf32, #tpu.memory_space<vmem>>, vector<1x16xf32>,
      %get3A_430 = vector.shape_cast %get3A_429 : vector<1x16xf32> to vector<16xf32>
      %mul3A_431 = arith.mulf %get3A_430, %get3A_229 : vector<16xf32>
      %add3A_432 = arith.addf %add3A_424, %mul3A_431 : vector<16xf32>
      %add3A_433 = arith.constant 11 : i32
      %add3A_434 = arith.addi %add3A_347, %add3A_433 : i32
      %get3A_435 = arith.index_cast %add3A_434 : i32 to index
      %get3A_436 = arith.constant 64 : index
      %get3A_437 = tpu.vector_load %arg7[%get3A_435, %get3A_436] {strides = array<i32>} : memref<768x128xf32, #tpu.memory_space<vmem>>, vector<1x16xf32>,
      %get3A_438 = vector.shape_cast %get3A_437 : vector<1x16xf32> to vector<16xf32>
      %mul3A_439 = arith.mulf %get3A_438, %get3A_234 : vector<16xf32>
      %add3A_440 = arith.addf %add3A_432, %mul3A_439 : vector<16xf32>
      %add3A_441 = arith.constant 0 : i32
      %add3A_442 = arith.addi %add3A_441, %scan3A_343 : i32
      %swap3A = arith.index_cast %add3A_442 : i32 to index
      %swap3A_443 = arith.constant 64 : index
      %swap3A_444 = tpu.vector_load %arg8[%swap3A, %swap3A_443] {strides = array<i32>} : memref<64x128xf32, #tpu.memory_space<vmem>>, vector<1x16xf32>,
      %swap3A_445 = vector.shape_cast %swap3A_444 : vector<1x16xf32> to vector<16xf32>
      %swap3A_446 = vector.shape_cast %add3A_440 : vector<16xf32> to vector<1x16xf32>
      tpu.vector_store %arg8[%swap3A, %swap3A_443], %swap3A_446 {strides = array<i32>} : memref<64x128xf32, #tpu.memory_space<vmem>>, vector<1x16xf32>,
      %get3A_447 = arith.index_cast %add3A_347 : i32 to index
      %get3A_448 = arith.constant 80 : index
      %get3A_449 = tpu.vector_load %arg7[%get3A_447, %get3A_448] {strides = array<i32>} : memref<768x128xf32, #tpu.memory_space<vmem>>, vector<1x16xf32>,
      %get3A_450 = vector.shape_cast %get3A_449 : vector<1x16xf32> to vector<16xf32>
      %mul3A_451 = arith.mulf %get3A_450, %get3A_239 : vector<16xf32>
      %add3A_452 = arith.constant 1 : i32
      %add3A_453 = arith.addi %add3A_347, %add3A_452 : i32
      %get3A_454 = arith.index_cast %add3A_453 : i32 to index
      %get3A_455 = arith.constant 80 : index
      %get3A_456 = tpu.vector_load %arg7[%get3A_454, %get3A_455] {strides = array<i32>} : memref<768x128xf32, #tpu.memory_space<vmem>>, vector<1x16xf32>,
      %get3A_457 = vector.shape_cast %get3A_456 : vector<1x16xf32> to vector<16xf32>
      %mul3A_458 = arith.mulf %get3A_457, %get3A_244 : vector<16xf32>
      %add3A_459 = arith.addf %mul3A_451, %mul3A_458 : vector<16xf32>
      %add3A_460 = arith.constant 2 : i32
      %add3A_461 = arith.addi %add3A_347, %add3A_460 : i32
      %get3A_462 = arith.index_cast %add3A_461 : i32 to index
      %get3A_463 = arith.constant 80 : index
      %get3A_464 = tpu.vector_load %arg7[%get3A_462, %get3A_463] {strides = array<i32>} : memref<768x128xf32, #tpu.memory_space<vmem>>, vector<1x16xf32>,
      %get3A_465 = vector.shape_cast %get3A_464 : vector<1x16xf32> to vector<16xf32>
      %mul3A_466 = arith.mulf %get3A_465, %get3A_249 : vector<16xf32>
      %add3A_467 = arith.addf %add3A_459, %mul3A_466 : vector<16xf32>
      %add3A_468 = arith.constant 3 : i32
      %add3A_469 = arith.addi %add3A_347, %add3A_468 : i32
      %get3A_470 = arith.index_cast %add3A_469 : i32 to index
      %get3A_471 = arith.constant 80 : index
      %get3A_472 = tpu.vector_load %arg7[%get3A_470, %get3A_471] {strides = array<i32>} : memref<768x128xf32, #tpu.memory_space<vmem>>, vector<1x16xf32>,
      %get3A_473 = vector.shape_cast %get3A_472 : vector<1x16xf32> to vector<16xf32>
      %mul3A_474 = arith.mulf %get3A_473, %get3A_254 : vector<16xf32>
      %add3A_475 = arith.addf %add3A_467, %mul3A_474 : vector<16xf32>
      %add3A_476 = arith.constant 4 : i32
      %add3A_477 = arith.addi %add3A_347, %add3A_476 : i32
      %get3A_478 = arith.index_cast %add3A_477 : i32 to index
      %get3A_479 = arith.constant 80 : index
      %get3A_480 = tpu.vector_load %arg7[%get3A_478, %get3A_479] {strides = array<i32>} : memref<768x128xf32, #tpu.memory_space<vmem>>, vector<1x16xf32>,
      %get3A_481 = vector.shape_cast %get3A_480 : vector<1x16xf32> to vector<16xf32>
      %mul3A_482 = arith.mulf %get3A_481, %get3A_239 : vector<16xf32>
      %add3A_483 = arith.addf %add3A_475, %mul3A_482 : vector<16xf32>
      %add3A_484 = arith.constant 5 : i32
      %add3A_485 = arith.addi %add3A_347, %add3A_484 : i32
      %get3A_486 = arith.index_cast %add3A_485 : i32 to index
      %get3A_487 = arith.constant 80 : index
      %get3A_488 = tpu.vector_load %arg7[%get3A_486, %get3A_487] {strides = array<i32>} : memref<768x128xf32, #tpu.memory_space<vmem>>, vector<1x16xf32>,
      %get3A_489 = vector.shape_cast %get3A_488 : vector<1x16xf32> to vector<16xf32>
      %mul3A_490 = arith.mulf %get3A_489, %get3A_244 : vector<16xf32>
      %add3A_491 = arith.addf %add3A_483, %mul3A_490 : vector<16xf32>
      %add3A_492 = arith.constant 6 : i32
      %add3A_493 = arith.addi %add3A_347, %add3A_492 : i32
      %get3A_494 = arith.index_cast %add3A_493 : i32 to index
      %get3A_495 = arith.constant 80 : index
      %get3A_496 = tpu.vector_load %arg7[%get3A_494, %get3A_495] {strides = array<i32>} : memref<768x128xf32, #tpu.memory_space<vmem>>, vector<1x16xf32>,
      %get3A_497 = vector.shape_cast %get3A_496 : vector<1x16xf32> to vector<16xf32>
      %mul3A_498 = arith.mulf %get3A_497, %get3A_249 : vector<16xf32>
      %add3A_499 = arith.addf %add3A_491, %mul3A_498 : vector<16xf32>
      %add3A_500 = arith.constant 7 : i32
      %add3A_501 = arith.addi %add3A_347, %add3A_500 : i32
      %get3A_502 = arith.index_cast %add3A_501 : i32 to index
      %get3A_503 = arith.constant 80 : index
      %get3A_504 = tpu.vector_load %arg7[%get3A_502, %get3A_503] {strides = array<i32>} : memref<768x128xf32, #tpu.memory_space<vmem>>, vector<1x16xf32>,
      %get3A_505 = vector.shape_cast %get3A_504 : vector<1x16xf32> to vector<16xf32>
      %mul3A_506 = arith.mulf %get3A_505, %get3A_254 : vector<16xf32>
      %add3A_507 = arith.addf %add3A_499, %mul3A_506 : vector<16xf32>
      %add3A_508 = arith.constant 8 : i32
      %add3A_509 = arith.addi %add3A_347, %add3A_508 : i32
      %get3A_510 = arith.index_cast %add3A_509 : i32 to index
      %get3A_511 = arith.constant 80 : index
      %get3A_512 = tpu.vector_load %arg7[%get3A_510, %get3A_511] {strides = array<i32>} : memref<768x128xf32, #tpu.memory_space<vmem>>, vector<1x16xf32>,
      %get3A_513 = vector.shape_cast %get3A_512 : vector<1x16xf32> to vector<16xf32>
      %mul3A_514 = arith.mulf %get3A_513, %get3A_239 : vector<16xf32>
      %add3A_515 = arith.addf %add3A_507, %mul3A_514 : vector<16xf32>
      %add3A_516 = arith.constant 9 : i32
      %add3A_517 = arith.addi %add3A_347, %add3A_516 : i32
      %get3A_518 = arith.index_cast %add3A_517 : i32 to index
      %get3A_519 = arith.constant 80 : index
      %get3A_520 = tpu.vector_load %arg7[%get3A_518, %get3A_519] {strides = array<i32>} : memref<768x128xf32, #tpu.memory_space<vmem>>, vector<1x16xf32>,
      %get3A_521 = vector.shape_cast %get3A_520 : vector<1x16xf32> to vector<16xf32>
      %mul3A_522 = arith.mulf %get3A_521, %get3A_244 : vector<16xf32>
      %add3A_523 = arith.addf %add3A_515, %mul3A_522 : vector<16xf32>
      %add3A_524 = arith.constant 10 : i32
      %add3A_525 = arith.addi %add3A_347, %add3A_524 : i32
      %get3A_526 = arith.index_cast %add3A_525 : i32 to index
      %get3A_527 = arith.constant 80 : index
      %get3A_528 = tpu.vector_load %arg7[%get3A_526, %get3A_527] {strides = array<i32>} : memref<768x128xf32, #tpu.memory_space<vmem>>, vector<1x16xf32>,
      %get3A_529 = vector.shape_cast %get3A_528 : vector<1x16xf32> to vector<16xf32>
      %mul3A_530 = arith.mulf %get3A_529, %get3A_249 : vector<16xf32>
      %add3A_531 = arith.addf %add3A_523, %mul3A_530 : vector<16xf32>
      %add3A_532 = arith.constant 11 : i32
      %add3A_533 = arith.addi %add3A_347, %add3A_532 : i32
      %get3A_534 = arith.index_cast %add3A_533 : i32 to index
      %get3A_535 = arith.constant 80 : index
      %get3A_536 = tpu.vector_load %arg7[%get3A_534, %get3A_535] {strides = array<i32>} : memref<768x128xf32, #tpu.memory_space<vmem>>, vector<1x16xf32>,
      %get3A_537 = vector.shape_cast %get3A_536 : vector<1x16xf32> to vector<16xf32>
      %mul3A_538 = arith.mulf %get3A_537, %get3A_254 : vector<16xf32>
      %add3A_539 = arith.addf %add3A_531, %mul3A_538 : vector<16xf32>
      %add3A_540 = arith.constant 0 : i32
      %add3A_541 = arith.addi %add3A_540, %scan3A_343 : i32
      %swap3A_542 = arith.index_cast %add3A_541 : i32 to index
      %swap3A_543 = arith.constant 80 : index
      %swap3A_544 = tpu.vector_load %arg8[%swap3A_542, %swap3A_543] {strides = array<i32>} : memref<64x128xf32, #tpu.memory_space<vmem>>, vector<1x16xf32>,
      %swap3A_545 = vector.shape_cast %swap3A_544 : vector<1x16xf32> to vector<16xf32>
      %swap3A_546 = vector.shape_cast %add3A_539 : vector<16xf32> to vector<1x16xf32>
      tpu.vector_store %arg8[%swap3A_542, %swap3A_543], %swap3A_546 {strides = array<i32>} : memref<64x128xf32, #tpu.memory_space<vmem>>, vector<1x16xf32>,
      %get3A_547 = arith.index_cast %add3A_347 : i32 to index
      %get3A_548 = arith.constant 96 : index
      %get3A_549 = tpu.vector_load %arg7[%get3A_547, %get3A_548] {strides = array<i32>} : memref<768x128xf32, #tpu.memory_space<vmem>>, vector<1x16xf32>,
      %get3A_550 = vector.shape_cast %get3A_549 : vector<1x16xf32> to vector<16xf32>
      %mul3A_551 = arith.mulf %get3A_550, %get3A_259 : vector<16xf32>
      %add3A_552 = arith.constant 1 : i32
      %add3A_553 = arith.addi %add3A_347, %add3A_552 : i32
      %get3A_554 = arith.index_cast %add3A_553 : i32 to index
      %get3A_555 = arith.constant 96 : index
      %get3A_556 = tpu.vector_load %arg7[%get3A_554, %get3A_555] {strides = array<i32>} : memref<768x128xf32, #tpu.memory_space<vmem>>, vector<1x16xf32>,
      %get3A_557 = vector.shape_cast %get3A_556 : vector<1x16xf32> to vector<16xf32>
      %mul3A_558 = arith.mulf %get3A_557, %get3A_264 : vector<16xf32>
      %add3A_559 = arith.addf %mul3A_551, %mul3A_558 : vector<16xf32>
      %add3A_560 = arith.constant 2 : i32
      %add3A_561 = arith.addi %add3A_347, %add3A_560 : i32
      %get3A_562 = arith.index_cast %add3A_561 : i32 to index
      %get3A_563 = arith.constant 96 : index
      %get3A_564 = tpu.vector_load %arg7[%get3A_562, %get3A_563] {strides = array<i32>} : memref<768x128xf32, #tpu.memory_space<vmem>>, vector<1x16xf32>,
      %get3A_565 = vector.shape_cast %get3A_564 : vector<1x16xf32> to vector<16xf32>
      %mul3A_566 = arith.mulf %get3A_565, %get3A_269 : vector<16xf32>
      %add3A_567 = arith.addf %add3A_559, %mul3A_566 : vector<16xf32>
      %add3A_568 = arith.constant 3 : i32
      %add3A_569 = arith.addi %add3A_347, %add3A_568 : i32
      %get3A_570 = arith.index_cast %add3A_569 : i32 to index
      %get3A_571 = arith.constant 96 : index
      %get3A_572 = tpu.vector_load %arg7[%get3A_570, %get3A_571] {strides = array<i32>} : memref<768x128xf32, #tpu.memory_space<vmem>>, vector<1x16xf32>,
      %get3A_573 = vector.shape_cast %get3A_572 : vector<1x16xf32> to vector<16xf32>
      %mul3A_574 = arith.mulf %get3A_573, %get3A_274 : vector<16xf32>
      %add3A_575 = arith.addf %add3A_567, %mul3A_574 : vector<16xf32>
      %add3A_576 = arith.constant 4 : i32
      %add3A_577 = arith.addi %add3A_347, %add3A_576 : i32
      %get3A_578 = arith.index_cast %add3A_577 : i32 to index
      %get3A_579 = arith.constant 96 : index
      %get3A_580 = tpu.vector_load %arg7[%get3A_578, %get3A_579] {strides = array<i32>} : memref<768x128xf32, #tpu.memory_space<vmem>>, vector<1x16xf32>,
      %get3A_581 = vector.shape_cast %get3A_580 : vector<1x16xf32> to vector<16xf32>
      %mul3A_582 = arith.mulf %get3A_581, %get3A_259 : vector<16xf32>
      %add3A_583 = arith.addf %add3A_575, %mul3A_582 : vector<16xf32>
      %add3A_584 = arith.constant 5 : i32
      %add3A_585 = arith.addi %add3A_347, %add3A_584 : i32
      %get3A_586 = arith.index_cast %add3A_585 : i32 to index
      %get3A_587 = arith.constant 96 : index
      %get3A_588 = tpu.vector_load %arg7[%get3A_586, %get3A_587] {strides = array<i32>} : memref<768x128xf32, #tpu.memory_space<vmem>>, vector<1x16xf32>,
      %get3A_589 = vector.shape_cast %get3A_588 : vector<1x16xf32> to vector<16xf32>
      %mul3A_590 = arith.mulf %get3A_589, %get3A_264 : vector<16xf32>
      %add3A_591 = arith.addf %add3A_583, %mul3A_590 : vector<16xf32>
      %add3A_592 = arith.constant 6 : i32
      %add3A_593 = arith.addi %add3A_347, %add3A_592 : i32
      %get3A_594 = arith.index_cast %add3A_593 : i32 to index
      %get3A_595 = arith.constant 96 : index
      %get3A_596 = tpu.vector_load %arg7[%get3A_594, %get3A_595] {strides = array<i32>} : memref<768x128xf32, #tpu.memory_space<vmem>>, vector<1x16xf32>,
      %get3A_597 = vector.shape_cast %get3A_596 : vector<1x16xf32> to vector<16xf32>
      %mul3A_598 = arith.mulf %get3A_597, %get3A_269 : vector<16xf32>
      %add3A_599 = arith.addf %add3A_591, %mul3A_598 : vector<16xf32>
      %add3A_600 = arith.constant 7 : i32
      %add3A_601 = arith.addi %add3A_347, %add3A_600 : i32
      %get3A_602 = arith.index_cast %add3A_601 : i32 to index
      %get3A_603 = arith.constant 96 : index
      %get3A_604 = tpu.vector_load %arg7[%get3A_602, %get3A_603] {strides = array<i32>} : memref<768x128xf32, #tpu.memory_space<vmem>>, vector<1x16xf32>,
      %get3A_605 = vector.shape_cast %get3A_604 : vector<1x16xf32> to vector<16xf32>
      %mul3A_606 = arith.mulf %get3A_605, %get3A_274 : vector<16xf32>
      %add3A_607 = arith.addf %add3A_599, %mul3A_606 : vector<16xf32>
      %add3A_608 = arith.constant 8 : i32
      %add3A_609 = arith.addi %add3A_347, %add3A_608 : i32
      %get3A_610 = arith.index_cast %add3A_609 : i32 to index
      %get3A_611 = arith.constant 96 : index
      %get3A_612 = tpu.vector_load %arg7[%get3A_610, %get3A_611] {strides = array<i32>} : memref<768x128xf32, #tpu.memory_space<vmem>>, vector<1x16xf32>,
      %get3A_613 = vector.shape_cast %get3A_612 : vector<1x16xf32> to vector<16xf32>
      %mul3A_614 = arith.mulf %get3A_613, %get3A_259 : vector<16xf32>
      %add3A_615 = arith.addf %add3A_607, %mul3A_614 : vector<16xf32>
      %add3A_616 = arith.constant 9 : i32
      %add3A_617 = arith.addi %add3A_347, %add3A_616 : i32
      %get3A_618 = arith.index_cast %add3A_617 : i32 to index
      %get3A_619 = arith.constant 96 : index
      %get3A_620 = tpu.vector_load %arg7[%get3A_618, %get3A_619] {strides = array<i32>} : memref<768x128xf32, #tpu.memory_space<vmem>>, vector<1x16xf32>,
      %get3A_621 = vector.shape_cast %get3A_620 : vector<1x16xf32> to vector<16xf32>
      %mul3A_622 = arith.mulf %get3A_621, %get3A_264 : vector<16xf32>
      %add3A_623 = arith.addf %add3A_615, %mul3A_622 : vector<16xf32>
      %add3A_624 = arith.constant 10 : i32
      %add3A_625 = arith.addi %add3A_347, %add3A_624 : i32
      %get3A_626 = arith.index_cast %add3A_625 : i32 to index
      %get3A_627 = arith.constant 96 : index
      %get3A_628 = tpu.vector_load %arg7[%get3A_626, %get3A_627] {strides = array<i32>} : memref<768x128xf32, #tpu.memory_space<vmem>>, vector<1x16xf32>,
      %get3A_629 = vector.shape_cast %get3A_628 : vector<1x16xf32> to vector<16xf32>
      %mul3A_630 = arith.mulf %get3A_629, %get3A_269 : vector<16xf32>
      %add3A_631 = arith.addf %add3A_623, %mul3A_630 : vector<16xf32>
      %add3A_632 = arith.constant 11 : i32
      %add3A_633 = arith.addi %add3A_347, %add3A_632 : i32
      %get3A_634 = arith.index_cast %add3A_633 : i32 to index
      %get3A_635 = arith.constant 96 : index
      %get3A_636 = tpu.vector_load %arg7[%get3A_634, %get3A_635] {strides = array<i32>} : memref<768x128xf32, #tpu.memory_space<vmem>>, vector<1x16xf32>,
      %get3A_637 = vector.shape_cast %get3A_636 : vector<1x16xf32> to vector<16xf32>
      %mul3A_638 = arith.mulf %get3A_637, %get3A_274 : vector<16xf32>
      %add3A_639 = arith.addf %add3A_631, %mul3A_638 : vector<16xf32>
      %add3A_640 = arith.constant 0 : i32
      %add3A_641 = arith.addi %add3A_640, %scan3A_343 : i32
      %swap3A_642 = arith.index_cast %add3A_641 : i32 to index
      %swap3A_643 = arith.constant 96 : index
      %swap3A_644 = tpu.vector_load %arg8[%swap3A_642, %swap3A_643] {strides = array<i32>} : memref<64x128xf32, #tpu.memory_space<vmem>>, vector<1x16xf32>,
      %swap3A_645 = vector.shape_cast %swap3A_644 : vector<1x16xf32> to vector<16xf32>
      %swap3A_646 = vector.shape_cast %add3A_639 : vector<16xf32> to vector<1x16xf32>
      tpu.vector_store %arg8[%swap3A_642, %swap3A_643], %swap3A_646 {strides = array<i32>} : memref<64x128xf32, #tpu.memory_space<vmem>>, vector<1x16xf32>,
      %get3A_647 = arith.index_cast %add3A_347 : i32 to index
      %get3A_648 = arith.constant 112 : index
      %get3A_649 = tpu.vector_load %arg7[%get3A_647, %get3A_648] {strides = array<i32>} : memref<768x128xf32, #tpu.memory_space<vmem>>, vector<1x16xf32>,
      %get3A_650 = vector.shape_cast %get3A_649 : vector<1x16xf32> to vector<16xf32>
      %mul3A_651 = arith.mulf %get3A_650, %get3A_279 : vector<16xf32>
      %add3A_652 = arith.constant 1 : i32
      %add3A_653 = arith.addi %add3A_347, %add3A_652 : i32
      %get3A_654 = arith.index_cast %add3A_653 : i32 to index
      %get3A_655 = arith.constant 112 : index
      %get3A_656 = tpu.vector_load %arg7[%get3A_654, %get3A_655] {strides = array<i32>} : memref<768x128xf32, #tpu.memory_space<vmem>>, vector<1x16xf32>,
      %get3A_657 = vector.shape_cast %get3A_656 : vector<1x16xf32> to vector<16xf32>
      %mul3A_658 = arith.mulf %get3A_657, %get3A_284 : vector<16xf32>
      %add3A_659 = arith.addf %mul3A_651, %mul3A_658 : vector<16xf32>
      %add3A_660 = arith.constant 2 : i32
      %add3A_661 = arith.addi %add3A_347, %add3A_660 : i32
      %get3A_662 = arith.index_cast %add3A_661 : i32 to index
      %get3A_663 = arith.constant 112 : index
      %get3A_664 = tpu.vector_load %arg7[%get3A_662, %get3A_663] {strides = array<i32>} : memref<768x128xf32, #tpu.memory_space<vmem>>, vector<1x16xf32>,
      %get3A_665 = vector.shape_cast %get3A_664 : vector<1x16xf32> to vector<16xf32>
      %mul3A_666 = arith.mulf %get3A_665, %get3A_289 : vector<16xf32>
      %add3A_667 = arith.addf %add3A_659, %mul3A_666 : vector<16xf32>
      %add3A_668 = arith.constant 3 : i32
      %add3A_669 = arith.addi %add3A_347, %add3A_668 : i32
      %get3A_670 = arith.index_cast %add3A_669 : i32 to index
      %get3A_671 = arith.constant 112 : index
      %get3A_672 = tpu.vector_load %arg7[%get3A_670, %get3A_671] {strides = array<i32>} : memref<768x128xf32, #tpu.memory_space<vmem>>, vector<1x16xf32>,
      %get3A_673 = vector.shape_cast %get3A_672 : vector<1x16xf32> to vector<16xf32>
      %mul3A_674 = arith.mulf %get3A_673, %get3A_294 : vector<16xf32>
      %add3A_675 = arith.addf %add3A_667, %mul3A_674 : vector<16xf32>
      %add3A_676 = arith.constant 4 : i32
      %add3A_677 = arith.addi %add3A_347, %add3A_676 : i32
      %get3A_678 = arith.index_cast %add3A_677 : i32 to index
      %get3A_679 = arith.constant 112 : index
      %get3A_680 = tpu.vector_load %arg7[%get3A_678, %get3A_679] {strides = array<i32>} : memref<768x128xf32, #tpu.memory_space<vmem>>, vector<1x16xf32>,
      %get3A_681 = vector.shape_cast %get3A_680 : vector<1x16xf32> to vector<16xf32>
      %mul3A_682 = arith.mulf %get3A_681, %get3A_279 : vector<16xf32>
      %add3A_683 = arith.addf %add3A_675, %mul3A_682 : vector<16xf32>
      %add3A_684 = arith.constant 5 : i32
      %add3A_685 = arith.addi %add3A_347, %add3A_684 : i32
      %get3A_686 = arith.index_cast %add3A_685 : i32 to index
      %get3A_687 = arith.constant 112 : index
      %get3A_688 = tpu.vector_load %arg7[%get3A_686, %get3A_687] {strides = array<i32>} : memref<768x128xf32, #tpu.memory_space<vmem>>, vector<1x16xf32>,
      %get3A_689 = vector.shape_cast %get3A_688 : vector<1x16xf32> to vector<16xf32>
      %mul3A_690 = arith.mulf %get3A_689, %get3A_284 : vector<16xf32>
      %add3A_691 = arith.addf %add3A_683, %mul3A_690 : vector<16xf32>
      %add3A_692 = arith.constant 6 : i32
      %add3A_693 = arith.addi %add3A_347, %add3A_692 : i32
      %get3A_694 = arith.index_cast %add3A_693 : i32 to index
      %get3A_695 = arith.constant 112 : index
      %get3A_696 = tpu.vector_load %arg7[%get3A_694, %get3A_695] {strides = array<i32>} : memref<768x128xf32, #tpu.memory_space<vmem>>, vector<1x16xf32>,
      %get3A_697 = vector.shape_cast %get3A_696 : vector<1x16xf32> to vector<16xf32>
      %mul3A_698 = arith.mulf %get3A_697, %get3A_289 : vector<16xf32>
      %add3A_699 = arith.addf %add3A_691, %mul3A_698 : vector<16xf32>
      %add3A_700 = arith.constant 7 : i32
      %add3A_701 = arith.addi %add3A_347, %add3A_700 : i32
      %get3A_702 = arith.index_cast %add3A_701 : i32 to index
      %get3A_703 = arith.constant 112 : index
      %get3A_704 = tpu.vector_load %arg7[%get3A_702, %get3A_703] {strides = array<i32>} : memref<768x128xf32, #tpu.memory_space<vmem>>, vector<1x16xf32>,
      %get3A_705 = vector.shape_cast %get3A_704 : vector<1x16xf32> to vector<16xf32>
      %mul3A_706 = arith.mulf %get3A_705, %get3A_294 : vector<16xf32>
      %add3A_707 = arith.addf %add3A_699, %mul3A_706 : vector<16xf32>
      %add3A_708 = arith.constant 8 : i32
      %add3A_709 = arith.addi %add3A_347, %add3A_708 : i32
      %get3A_710 = arith.index_cast %add3A_709 : i32 to index
      %get3A_711 = arith.constant 112 : index
      %get3A_712 = tpu.vector_load %arg7[%get3A_710, %get3A_711] {strides = array<i32>} : memref<768x128xf32, #tpu.memory_space<vmem>>, vector<1x16xf32>,
      %get3A_713 = vector.shape_cast %get3A_712 : vector<1x16xf32> to vector<16xf32>
      %mul3A_714 = arith.mulf %get3A_713, %get3A_279 : vector<16xf32>
      %add3A_715 = arith.addf %add3A_707, %mul3A_714 : vector<16xf32>
      %add3A_716 = arith.constant 9 : i32
      %add3A_717 = arith.addi %add3A_347, %add3A_716 : i32
      %get3A_718 = arith.index_cast %add3A_717 : i32 to index
      %get3A_719 = arith.constant 112 : index
      %get3A_720 = tpu.vector_load %arg7[%get3A_718, %get3A_719] {strides = array<i32>} : memref<768x128xf32, #tpu.memory_space<vmem>>, vector<1x16xf32>,
      %get3A_721 = vector.shape_cast %get3A_720 : vector<1x16xf32> to vector<16xf32>
      %mul3A_722 = arith.mulf %get3A_721, %get3A_284 : vector<16xf32>
      %add3A_723 = arith.addf %add3A_715, %mul3A_722 : vector<16xf32>
      %add3A_724 = arith.constant 10 : i32
      %add3A_725 = arith.addi %add3A_347, %add3A_724 : i32
      %get3A_726 = arith.index_cast %add3A_725 : i32 to index
      %get3A_727 = arith.constant 112 : index
      %get3A_728 = tpu.vector_load %arg7[%get3A_726, %get3A_727] {strides = array<i32>} : memref<768x128xf32, #tpu.memory_space<vmem>>, vector<1x16xf32>,
      %get3A_729 = vector.shape_cast %get3A_728 : vector<1x16xf32> to vector<16xf32>
      %mul3A_730 = arith.mulf %get3A_729, %get3A_289 : vector<16xf32>
      %add3A_731 = arith.addf %add3A_723, %mul3A_730 : vector<16xf32>
      %add3A_732 = arith.constant 11 : i32
      %add3A_733 = arith.addi %add3A_347, %add3A_732 : i32
      %get3A_734 = arith.index_cast %add3A_733 : i32 to index
      %get3A_735 = arith.constant 112 : index
      %get3A_736 = tpu.vector_load %arg7[%get3A_734, %get3A_735] {strides = array<i32>} : memref<768x128xf32, #tpu.memory_space<vmem>>, vector<1x16xf32>,
      %get3A_737 = vector.shape_cast %get3A_736 : vector<1x16xf32> to vector<16xf32>
      %mul3A_738 = arith.mulf %get3A_737, %get3A_294 : vector<16xf32>
      %add3A_739 = arith.addf %add3A_731, %mul3A_738 : vector<16xf32>
      %add3A_740 = arith.constant 0 : i32
      %add3A_741 = arith.addi %add3A_740, %scan3A_343 : i32
      %swap3A_742 = arith.index_cast %add3A_741 : i32 to index
      %swap3A_743 = arith.constant 112 : index
      %swap3A_744 = tpu.vector_load %arg8[%swap3A_742, %swap3A_743] {strides = array<i32>} : memref<64x128xf32, #tpu.memory_space<vmem>>, vector<1x16xf32>,
      %swap3A_745 = vector.shape_cast %swap3A_744 : vector<1x16xf32> to vector<16xf32>
      %swap3A_746 = vector.shape_cast %add3A_739 : vector<16xf32> to vector<1x16xf32>
      tpu.vector_store %arg8[%swap3A_742, %swap3A_743], %swap3A_746 {strides = array<i32>} : memref<64x128xf32, #tpu.memory_space<vmem>>, vector<1x16xf32>,
    }
    %scan3A_300 = arith.constant 32 : i32
    %mul3A_301 = arith.constant 1568 : i32
    %mul3A_302 = arith.muli %add3A, %mul3A_301 : i32
    %add3A_303 = arith.constant 1536 : i32
    %add3A_304 = arith.addi %mul3A_302, %add3A_303 : i32
    %dma_start3A_305 = arith.constant 0 : i32
    %dma_start3A_306 = arith.constant 0 : i32
    %dma_start3A_307 = tpu.memref_slice %arg8[%dma_start3A_305, %dma_start3A_306] : memref<64x128xf32, #tpu.memory_space<vmem>> -> memref<32x128xf32, #tpu.memory_space<vmem>>
    %dma_start3A_308 = arith.constant 0 : i32
    %dma_start3A_309 = tpu.memref_slice %arg5[%add3A_304, %dma_start3A_308] : memref<50176x128xf32, #tpu.memory_space<hbm>> -> memref<32x128xf32, #tpu.memory_space<hbm>>
    %dma_start3A_310 = arith.constant 0 : i32
    %dma_start3A_311 = tpu.memref_slice %arg5[%add3A_304, %dma_start3A_310] : memref<50176x128xf32, #tpu.memory_space<hbm>> -> memref<32x128xf32, #tpu.memory_space<hbm>>
    %dma_start3A_312 = arith.constant 0 : i32
    %dma_start3A_313 = arith.constant 0 : i32
    %dma_start3A_314 = tpu.memref_slice %arg8[%dma_start3A_312, %dma_start3A_313] : memref<64x128xf32, #tpu.memory_space<vmem>> -> memref<32x128xf32, #tpu.memory_space<vmem>>
    tpu.enqueue_dma source(%dma_start3A_314 : memref<32x128xf32, #tpu.memory_space<vmem>>) target(%dma_start3A_311 : memref<32x128xf32, #tpu.memory_space<hbm>>) target_semaphore(%arg12 : memref<!tpu.dma_semaphore, #tpu.memory_space<semaphore_mem>>)
    %mul3A_315 = arith.constant 1568 : i32
    %mul3A_316 = arith.muli %add3A, %mul3A_315 : i32
    %add3A_317 = arith.constant 1504 : i32
    %add3A_318 = arith.addi %mul3A_316, %add3A_317 : i32
    %dma_wait3A_319 = arith.constant 32 : i32
    %dma_wait3A_320 = arith.constant 0 : i32
    %dma_wait3A_321 = tpu.memref_slice %arg8[%dma_wait3A_319, %dma_wait3A_320] : memref<64x128xf32, #tpu.memory_space<vmem>> -> memref<32x128xf32, #tpu.memory_space<vmem>>
    %dma_wait3A_322 = arith.constant 0 : i32
    %dma_wait3A_323 = tpu.memref_slice %arg5[%add3A_318, %dma_wait3A_322] : memref<50176x128xf32, #tpu.memory_space<hbm>> -> memref<32x128xf32, #tpu.memory_space<hbm>>
    %dma_wait3A_324 = arith.constant 0 : i32
    %dma_wait3A_325 = tpu.memref_slice %arg5[%add3A_318, %dma_wait3A_324] : memref<50176x128xf32, #tpu.memory_space<hbm>> -> memref<32x128xf32, #tpu.memory_space<hbm>>
    %dma_wait3A_326 = arith.constant 32 : i32
    %dma_wait3A_327 = arith.constant 0 : i32
    %dma_wait3A_328 = tpu.memref_slice %arg8[%dma_wait3A_326, %dma_wait3A_327] : memref<64x128xf32, #tpu.memory_space<vmem>> -> memref<32x128xf32, #tpu.memory_space<vmem>>
    tpu.wait_dma2 semaphore(%arg12 : memref<!tpu.dma_semaphore, #tpu.memory_space<semaphore_mem>>) src(%dma_wait3A_328 : memref<32x128xf32, #tpu.memory_space<vmem>>) dst(%dma_wait3A_325 : memref<32x128xf32, #tpu.memory_space<hbm>>)
    %mul3A_329 = arith.constant 1568 : i32
    %mul3A_330 = arith.muli %add3A, %mul3A_329 : i32
    %add3A_331 = arith.constant 1536 : i32
    %add3A_332 = arith.addi %mul3A_330, %add3A_331 : i32
    %dma_wait3A_333 = arith.constant 0 : i32
    %dma_wait3A_334 = arith.constant 0 : i32
    %dma_wait3A_335 = tpu.memref_slice %arg8[%dma_wait3A_333, %dma_wait3A_334] : memref<64x128xf32, #tpu.memory_space<vmem>> -> memref<32x128xf32, #tpu.memory_space<vmem>>
    %dma_wait3A_336 = arith.constant 0 : i32
    %dma_wait3A_337 = tpu.memref_slice %arg5[%add3A_332, %dma_wait3A_336] : memref<50176x128xf32, #tpu.memory_space<hbm>> -> memref<32x128xf32, #tpu.memory_space<hbm>>
    %dma_wait3A_338 = arith.constant 0 : i32
    %dma_wait3A_339 = tpu.memref_slice %arg5[%add3A_332, %dma_wait3A_338] : memref<50176x128xf32, #tpu.memory_space<hbm>> -> memref<32x128xf32, #tpu.memory_space<hbm>>
    %dma_wait3A_340 = arith.constant 0 : i32
    %dma_wait3A_341 = arith.constant 0 : i32
    %dma_wait3A_342 = tpu.memref_slice %arg8[%dma_wait3A_340, %dma_wait3A_341] : memref<64x128xf32, #tpu.memory_space<vmem>> -> memref<32x128xf32, #tpu.memory_space<vmem>>
    tpu.wait_dma2 semaphore(%arg12 : memref<!tpu.dma_semaphore, #tpu.memory_space<semaphore_mem>>) src(%dma_wait3A_342 : memref<32x128xf32, #tpu.memory_space<vmem>>) dst(%dma_wait3A_339 : memref<32x128xf32, #tpu.memory_space<hbm>>)
    return
  }
}

module attributes {stable_mosaic.version = 14 : i64} {
  func.func @_mm_body(%arg0: i32, %arg1: memref<2000x128xf32, #tpu.memory_space<vmem>>, %arg2: memref<128x128xf32, #tpu.memory_space<vmem>>, %arg3: memref<2000x128xf32, #tpu.memory_space<vmem>>) attributes {dimension_semantics = [#tpu.dimension_semantics<arbitrary>], iteration_bounds = array<i64: 25>, scalar_prefetch = 0 : i64, scratch_operands = 0 : i64, tpu.core_type = #tpu.core_type<tc>, window_params = [{transform_indices = @transform_0, window_bounds = array<i64: 2000, 128>}, {pipeline_mode = #tpu.pipeline_mode<synchronous>, transform_indices = @transform_1, window_bounds = array<i64: 128, 128>}, {transform_indices = @transform_2, window_bounds = array<i64: 2000, 128>}]} {
    %get3A = arith.constant 0 : index
    %get3A_0 = arith.constant 0 : index
    %get3A_1 = vector.load %arg1[%get3A, %get3A_0] : memref<2000x128xf32, #tpu.memory_space<vmem>>, vector<2000x128xf32>
    %get3A_2 = arith.constant 0 : index
    %get3A_3 = arith.constant 0 : index
    %get3A_4 = vector.load %arg2[%get3A_2, %get3A_3] : memref<128x128xf32, #tpu.memory_space<vmem>>, vector<128x128xf32>
    %dot_general3A = arith.constant dense<0.000000e+00> : vector<2000x128xf32>
    %dot_general3A_5 = tpu.matmul %get3A_1, %get3A_4, %dot_general3A {dimension_numbers = #tpu.dot_dimension_numbers<[1], [1], [0], [0], [0, 0, 1, 0], [], []>, transpose_lhs_hint = false} : vector<2000x128xf32>, vector<128x128xf32>, vector<2000x128xf32> -> vector<2000x128xf32>
    %max3A = arith.constant 0.000000e+00 : f32
    %max3A_6 = vector.broadcast %max3A : f32 to vector<2000x128xf32>
    %max3A_7 = arith.maximumf %dot_general3A_5, %max3A_6 : vector<2000x128xf32>
    %swap3A = arith.constant 0 : index
    %swap3A_8 = arith.constant 0 : index
    %swap3A_9 = vector.load %arg3[%swap3A, %swap3A_8] : memref<2000x128xf32, #tpu.memory_space<vmem>>, vector<2000x128xf32>
    tpu.vector_store %arg3[%swap3A, %swap3A_8], %max3A_7 {strides = array<i32>} : memref<2000x128xf32, #tpu.memory_space<vmem>>, vector<2000x128xf32>,
    return
  }
  func.func @transform_0(%arg0: i32) -> (i32, i32) {
    %c0_i32 = arith.constant 0 : i32
    %c0_i32_0 = arith.constant 0 : i32
    return %arg0, %c0_i32 : i32, i32
  }
  func.func @transform_1(%arg0: i32) -> (i32, i32) {
    %c0_i32 = arith.constant 0 : i32
    %c0_i32_0 = arith.constant 0 : i32
    %c0_i32_1 = arith.constant 0 : i32
    return %c0_i32, %c0_i32_0 : i32, i32
  }
  func.func @transform_2(%arg0: i32) -> (i32, i32) {
    %c0_i32 = arith.constant 0 : i32
    %c0_i32_0 = arith.constant 0 : i32
    return %arg0, %c0_i32 : i32, i32
  }
}

</mosaic_0001>

<sc_bundles>
// kernel: kernel.4.cloned.1.call-start
scs
__scs_entry_jumppad:
0x0: {  	(pc) =	sbr.rel $0x88, $3  }
0x1: {  	(tag) =	ssettag $0x0;
	lr =	simm.s32 $0x1  }
0x2: {  	[smem:$0x3F9D] =	sst lr;
	_ =	strace $0xD0000000  }
0x3: {  	_ = 	snop  }
0x4: {  	_ = 	snop  }
0x5: {  	_ = 	snop  }
0x6: {  	_ = 	snop  }
0x7: {  	_ = 	snop  }
__scs_overlays_trampoline_lowered:
0x8: {  	[smem:$0x3FAC] =	sst s0  }
0x9: {  	[smem:$0x3FAD] =	sst s1  }
0xa: {  	[smem:$0x3FAE] =	sst s2  }
0xb: {  	[smem:$0x3FAF] =	sst s3  }
0xc: {  	[smem:$0x3FB0] =	sst s4  }
0xd: {  	[smem:$0x3FB1] =	sst s5  }
0xe: {  	[smem:$0x3FB2] =	sst s6  }
0xf: {  	[smem:$0x3FB3] =	sst s7  }
0x10: {  	[smem:$0x3FB4] =	sst s8  }
0x11: {  	[smem:$0x3FB5] =	sst s9;
	s0 =	simm.s32 @!p0 $0x0  }
0x12: {  	s1 =	sld [smem:$0x3F9B];
	s0 =	simm.s32 @p0 $0x1  }
0x13: {  	[smem:$0x3FB6] =	sst s0;
	s0 =	simm.s32 @!p1 $0x0  }
0x14: {  	s2 =	sld [smem:$0x3F9A];
	s0 =	simm.s32 @p1 $0x1  }
0x15: {  	[smem:$0x3FB7] =	sst s0;
	s0 =	simm.s32 @!p2 $0x0  }
0x16: {  	s3 =	sld [smem:$0x3FDB];
	s0 =	simm.s32 @p2 $0x1  }
0x17: {  	s4 =	simm.s32 $0x1BF5;
	[smem:$0x3FB9] =	sst s0  }
0x18: {  	s0 =	sld [smem:$0x3F9C];
	_ =	swait.ge [sflag:s4], $0x0  }
0x19: {  	s7 =	sld [smem:$0x3F9D]  }
0x1a: {  	s8 =	sadd.s32 $0xFFFFE003, lr  }
0x1b: {  	s9 =	sadd.s32 $0xFFFFFEF7, lr;
	s5 =	simm.s32 $0xFFFFFFFF;
	p2 =	slt.u32 s8, $0xFFFFF086  }
0x1c: {  	p1 =	slt.u32 s9, $0xF7A;
	s5 =	simm.s32 @!p2 $0x0  }
0x1d: {  	s5 =	simm.s32 @p1 $0x1;
	p0 =	seq.s32 s7, s2  }
0x1e: {  	s7 =	smul.u32 @!p0 $0xF7A, s2;
	p2 =	seq.s32 @!p0 s5, $0x0  }
0x1f: {  	s9 =	smul.u32 $0xF7A, s1;
	s8 =	simm.s32 @!p0 $0x1BF5;
	p2 =	por !p2, p0  }
0x20: {  	[sflag:s8] =	ssyncset.s32 @!p0 $0xFFFFF086;
	s6 =	sadd.s32 @!p0 s3, s7;
	s7 =	simm.s32 @!p0 $0x108  }
0x21: {  	s3 =	sadd.s32 s3, s9;
	s6 =	sadd.s32 @!p0 $0x88, s6;
	s7 =	simm.s32 @p2 $0x1082  }
0x22: {  	[simem:s7], [sflag:s8] =	dma.local @!p0 [hbm:s6], $0xF7A  }
0x23: {  	s9 =	sor.u32 $0xD0000000, s2;
	s6 =	simm.s32 $0x108;
	_ =	swait.ge @!p0 [sflag:s8], $0x0  }
0x24: {  	s3 =	sadd.s32 $0x88, s3;
	s6 =	simm.s32 @!p1 $0x1082;
	[sflag:s4] =	ssyncset.s32 $0xFFFFF086  }
0x25: {  	[simem:s6], [sflag:s4] =	dma.local [hbm:s3], $0xF7A  }
0x26: {  	[smem:$0x3F9D] =	sst s1;
	(tag) =	ssettag s2;
	_ =	strace s9  }
0x27: {  	s1 =	sld [smem:$0x3FAD]  }
0x28: {  	s2 =	sld [smem:$0x3FAE]  }
0x29: {  	s4 =	sld [smem:$0x3FB0]  }
0x2a: {  	p0 =	seq.s32 s5, $0x0;
	s5 =	sld [smem:$0x3FB1]  }
0x2b: {  	s6 =	sld [smem:$0x3FB2]  }
0x2c: {  	s7 =	sld [smem:$0x3FB3]  }
0x2d: {  	s3 =	simm.s32 $0x108;
	s8 =	sld [smem:$0x3FB4]  }
0x2e: {  	s3 =	simm.s32 @!p0 $0x1082;
	s9 =	sld [smem:$0x3FB5]  }
0x2f: {  	lr =	sadd.s32 s0, s3;
	s0 =	sld [smem:$0x3FAC]  }
0x30: {  	s3 =	sld [smem:$0x3FAF]  }
0x31: {  	[smem:$0x3FB8] =	sst s10  }
0x32: {  	s10 =	sld [smem:$0x3FB6];
	_ =	sdelay $0x3  }
0x33: {  	p0 =	seq.s32 s10, $0x1;
	s10 =	sld [smem:$0x3FB8];
	_ =	sdelay $0x3  }
0x34: {  	[smem:$0x3FB8] =	sst s10  }
0x35: {  	s10 =	sld [smem:$0x3FB7];
	_ =	sdelay $0x3  }
0x36: {  	p1 =	seq.s32 s10, $0x1;
	s10 =	sld [smem:$0x3FB8];
	_ =	sdelay $0x3  }
0x37: {  	[smem:$0x3FB8] =	sst s10  }
0x38: {  	s10 =	sld [smem:$0x3FB9]  }
0x39: {  	_ = 	snop;
	(pc) =	sbr.ind lr, $3  }
0x3a: {  	_ = 	snop  }
0x3b: {  	_ = 	snop  }
0x3c: {  	p2 =	seq.s32 s10, $0x1;
	s10 =	sld [smem:$0x3FB8]  }
0x3d: {  	_ =	shalt  }
0x3e: {  	_ =	shalt  }
0x3f: {  	_ =	shalt  }
0x40: {  	_ =	shalt  }
0x41: {  	_ =	shalt  }
0x42: {  	_ =	shalt  }
0x43: {  	_ =	shalt  }
0x44: {  	_ =	shalt  }
0x45: {  	_ =	shalt  }
0x46: {  	_ =	shalt  }
0x47: {  	_ =	shalt  }
0x48: {  	_ =	shalt  }
0x49: {  	_ =	shalt  }
0x4a: {  	_ =	shalt  }
0x4b: {  	_ =	shalt  }
0x4c: {  	_ =	shalt  }
0x4d: {  	_ =	shalt  }
0x4e: {  	_ =	shalt  }
0x4f: {  	_ =	shalt  }
0x50: {  	_ =	shalt  }
0x51: {  	_ =	shalt  }
0x52: {  	_ =	shalt  }
0x53: {  	_ =	shalt  }
0x54: {  	_ =	shalt  }
0x55: {  	_ =	shalt  }
0x56: {  	_ =	shalt  }
0x57: {  	_ =	shalt  }
0x58: {  	_ =	shalt  }
0x59: {  	_ =	shalt  }
0x5a: {  	_ =	shalt  }
0x5b: {  	_ =	shalt  }
0x5c: {  	_ =	shalt  }
0x5d: {  	_ =	shalt  }
0x5e: {  	_ =	shalt  }
0x5f: {  	_ =	shalt  }
0x60: {  	_ =	shalt  }
0x61: {  	_ =	shalt  }
0x62: {  	_ =	shalt  }
0x63: {  	_ =	shalt  }
0x64: {  	_ =	shalt  }
0x65: {  	_ =	shalt  }
0x66: {  	_ =	shalt  }
0x67: {  	_ =	shalt  }
0x68: {  	_ =	shalt  }
0x69: {  	_ =	shalt  }
0x6a: {  	_ =	shalt  }
0x6b: {  	_ =	shalt  }
0x6c: {  	_ =	shalt  }
0x6d: {  	_ =	shalt  }
0x6e: {  	_ =	shalt  }
0x6f: {  	_ =	shalt  }
0x70: {  	_ =	shalt  }
0x71: {  	_ =	shalt  }
0x72: {  	_ =	shalt  }
0x73: {  	_ =	shalt  }
0x74: {  	_ =	shalt  }
0x75: {  	_ =	shalt  }
0x76: {  	_ =	shalt  }
0x77: {  	_ =	shalt  }
0x78: {  	_ =	shalt  }
0x79: {  	_ =	shalt  }
0x7a: {  	_ =	shalt  }
0x7b: {  	_ =	shalt  }
0x7c: {  	_ =	shalt  }
0x7d: {  	_ =	shalt  }
0x7e: {  	_ =	shalt  }
0x7f: {  	_ =	shalt  }
0x80: {  	_ =	shalt  }
0x81: {  	_ =	shalt  }
0x82: {  	_ =	shalt  }
0x83: {  	_ =	shalt  }
0x84: {  	_ =	shalt  }
0x85: {  	_ =	shalt  }
0x86: {  	_ =	shalt  }
0x87: {  	_ =	shalt  }
.Lfunc_end0:
.L_simem_size_0:
called_computation_lowered:
.L_overlay_start_0:
0x88: {  	s2 =	sld [smem:$0x3FD9]  }
0x89: {  	s3 =	sld [smem:$0x3FFE];
	_ =	sdelay $0x1  }
0x8a: {  	s1 =	srdreg.scid  }
0x8b: {  	s0 =	sand.u32 $0x1, s1  }
0x8c: {  	s17 =	sshll.u32 s0, $0xA;
	s2 =	sadd.s32 s3, s2  }
0x8d: {  	s2 =	sadd.s32 s2, s17  }
0x8e: {  	[smem:$0x3FC4] =	sst s2  }
0x8f: {  	_ = 	snop  }
0x90: {  	s2 =	sld [smem:$0x3FC9]  }
0x91: {  	s18 =	sld [smem:$0x3FD0];
	(tm) =	ssettm $0x1  }
0x92: {  	s4 =	sld [smem:$0x3FFB];
	_ =	sdelay $0x3  }
0x93: {  	_ =	strace s4  }
0x94: {  	s4 =	sld [smem:$0x3FFC];
	_ =	sdelay $0x3  }
0x95: {  	_ =	strace s4  }
0x96: {  	s4 =	sld [smem:$0x3FFD];
	_ =	sdelay $0x3  }
0x97: {  	_ =	strace s4  }
0x98: {  	_ =	strace $0x8FFFFFFF  }
0x99: {  	s19 =	sld [smem:$0x3FDB];
	_ =	sdelay $0x1  }
0x9a: {  	s5 =	simm.s32 $_scs_section_size  }
0x9b: {  	s6 =	simm.s32 $_size__tile_overlayer_lowered;
	s7 =	simm.s32 $_tile_overlayer_lowered  }
0x9c: {  	s22 =	simm.s32 $0x1BFF;
	s21 =	sshll.u32 s7, $0x1;
	s4 =	sadd.s32 s5, s19  }
0x9d: {  	s8 =	simm.s32 $0x0;
	s20 =	sshll.u32 s6, $0x1;
	s6 =	sadd.s32 s21, s4  }
0x9e: {  	[timem:s8], [sflag:s22] =	dma.local [hbm:s6], s20  }
0x9f: {  	_ =	swait.ge [sflag:s22], s20  }
0xa0: {  	s5 =	ssub.s32 $0x0, s20;
	[sflag:s22] =	ssyncset.done $0x0  }
0xa1: {  	[sflag:s22] =	ssyncadd.s32 s5;
	_ =	sdelay $0x1  }
0xa2: {  	s23 =	simm.s32 $0x1B8B  }
0xa3: {  	_ =	swait.ge [sflag:s23], $0x1  }
0xa4: {  	[sflag:s23] =	ssyncset.done $0x0  }
0xa5: {  	s25 =	simm.s32 $0x1B8E;
	s24 =	sld [smem:$0x3FFE];
	[sflag:s23] =	ssyncadd.s32 $0xFFFFFFFF  }
0xa6: {  	s26 =	simm.s32 $execute0_lowered;
	[smem:$0x3FD2] =	sst s25  }
0xa7: {  	s6 =	sshll.u32 s26, $0x1;
	_ =	strace $0x80000046;
	[dreg:$0x1] =	wrdreg $0xFFFFFFFF  }
0xa8: {  	s28 =	simm.s32 $_size_execute0_lowered;
	s4 =	sadd.s32 s4, s6;
	[dreg:$0x0] =	wrdreg $0x0  }
0xa9: {  	s6 =	sshll.u32 s28, $0x1;
	[dreg:$0x2] =	wrdreg s4  }
0xaa: {  	[dreg:$0x3] =	wrdreg s6  }
0xab: {  	[dreg:$0x4] =	wrdreg $0xC0  }
0xac: {  	_ =	task [dreg:s8], $0x5FFFF  }
0xad: {  	[dreg:$0x1] =	wrdreg $0xFFFFFFFF  }
0xae: {  	[dreg:$0x0] =	wrdreg $0x60  }
0xaf: {  	[dreg:$0x2] =	wrdreg s2  }
0xb0: {  	[dreg:$0x3] =	wrdreg s18  }
0xb1: {  	[dreg:$0x4] =	wrdreg s24  }
0xb2: {  	[dreg:$0x5] =	wrdreg $0x9  }
0xb3: {  	_ =	task.clear_ibuf [dreg:s8], $0x6FFFF;
	_ =	strace $0x90000046  }
0xb4: {  	s29 =	simm.s32 $0x9;
	_ =	strace $0x80000048  }
0xb5: {  	_ =	swait.ge [sflag:s29], $0x1  }
0xb6: {  	[sflag:s29] =	ssyncadd.s32 $0xFFFFFFFF  }
0xb7: {  	_ =	strace $0x90000048  }
0xb8: {  	_ =	sfence  }
0xb9: {  	s30 =	sld [smem:$0x0];
	_ =	sdelay $0x2  }
0xba: {  	s31 =	sshll.u32 s1, $0xD;
	s1 =	sshrl.u32 s1, $0x2  }
0xbb: {  	s3 =	sand.u32 $0x4000, s31;
	s1 =	sadd.s32 s1, s30  }
0xbc: {  	s0 =	sor.u32 s3, s0;
	s1 =	sshll.u32 s1, $0x11  }
0xbd: {  	s0 =	sor.u32 s1, s0  }
0xbe: {  	s0 =	sadd.s32 $0x8F2B, s0  }
0xbf: {  	[sflag:s0] =	ssyncadd.remote.s32 $0x1  }
0xc0: {  	_ =	sfence.sel $0xFFFF  }
0xc1: {  	[dreg:$0x0] =	wrdreg $0xFFFFFFFF;
	(pc) =	sbr.abs _section_cstart, $3  }
0xc2: {  	[dreg:$0x1] =	wrdreg $0xFFFFFFFF  }
0xc3: {  	_ =	task.clear_ibuf [dreg:s8], $0x2FFFF;
	_ =	strace $0x9FFFFFFF  }
0xc4: {  	(tm) =	ssettm $0x7FFFFFFF  }
0xc5: {  	_ =	shalt  }
tec
execute0_lowered:
.L_overlay_start_1:
0x0: {  	(tag) =	ssettag $0x1  }
0x1: {  	s0 =	srdreg.scid;
	s1 =	rddreg [dreg:$0x0]  }
0x2: {  	s3 =	rddreg [dreg:$0x1];
	s4 =	stileid.u32  }
0x3: {  	s6 =	rddreg [dreg:$0x2];
	s16 =	simm.s32 $0x4;
	s18 =	simm.s32 $0x1  }
0x4: {  	s19 =	simm.s32 $0x80;
	s22 =	simm.s32 $0x100;
	s23 =	simm.s32 $0x8300  }
0x5: {  	s24 =	simm.s32 $0x18300;
	s25 =	simm.s32 $0x19300;
	s0 =	sand.u32 $0x1, s0  }
0x6: {  	s26 =	simm.s32 $0x2;
	s28 =	simm.s32 $0x3;
	s2 =	sshll.u32 s0, $0x4  }
0x7: {  	s29 =	simm.s32 $0x0;
	s5 =	sadd.s32 $0x800, s6;
	s2 =	sor.u32 s4, s2  }
0x8: {  	s6 =	sadd.s32 $0xA00, s6;
	s0 =	ssub.s32 $0x2, s0;
	s12 =	smul.u32 $0x620, s2  }
0x9: {  	s4 =	simm.s32 $0x0;
	s10 =	sshrl.u32 s0, $0x1;
	s8 =	smul.u32 $0x930, s2  }
0xa: {  	[smem:$0x7FF] =	sst s4;
	s7 =	smul.u32 $0x31000, s2;
	s0 =	ssub.s32 s0, s10  }
0xb: {  	s2 =	smul.u32 $0x6200, s2;
	_ =	strace $0x80000047;
	s11 =	sadd.s32 $0x20, s12  }
0xc: {  	s14 =	smax.u32 s0, $0x1;
	s8 =	sadd.s32 s3, s8;
	s9 =	smul.u32 $0xC, s11  }
0xd: {  	s13 =	sshrl.u32 s7, $0x3;
	s10 =	sadd.s32 s6, s2;
	s12 =	sadd.s32 $0x40, s12  }
0xe: {  	s31 =	sshll.u32 s11, $0x4;
	s13 =	sadd.s32 s6, s13;
	s9 =	sshrl.u32 s9, $0x3  }
0xf: {  	s11 =	sadd.s32 s6, s31;
	s13 =	sadd.s32 $0x6000, s13;
	s9 =	sadd.s32 s3, s9  }
.LBB2_1:
0x10: {  	s0 =	simm.s32 $0x1A300  }
0x11: {  	[tilespmem:s0], [sflag:$0x4] =	stream.linear.gather [hbm4b:s5+s4], $0x200, $0x38;
	[tilespmem:$0x1A500] =	vst v63  }
0x12: {  	_ =	swait.ge [sflag:s16], $0x200  }
0x13: {  	[sflag:s16] =	ssyncset.done $0x0  }
0x14: {  	[sflag:s16] =	ssyncadd.s32 $0xFFFFFE00  }
0x15: {  	[tilespmem:s4], [sflag:$0x1] =	stream.linear.gather [hbm4b:s8+s4], $0x180, $0x38;
	[tilespmem:$0x1A500] =	vst v63  }
0x16: {  	s20 =	simm.s32 $0x180  }
0x17: {  	[tilespmem:s20], [sflag:$0x1] =	stream.linear.gather [hbm4b:s9+s4], $0x180, $0x38;
	[tilespmem:$0x1A500] =	vst v63  }
0x18: {  	_ =	swait.ge [sflag:s18], $0x180  }
0x19: {  	[sflag:s18] =	ssyncset.done $0x0  }
0x1a: {  	s21 =	simm.s32 $0x300;
	[sflag:s18] =	ssyncadd.s32 $0xFFFFFE80  }
0x1b: {  	[tilespmem:s21], [sflag:$0x2] =	stream.indirect.gather [hbm4b:s1+s19], $0x80, s4, s19, $0xb8;
	[tilespmem:$0x1A500] =	vst v63  }
0x1c: {  	s31 =	simm.s32 $0x4300  }
0x1d: {  	[tilespmem:s31], [sflag:$0x2] =	stream.indirect.gather [hbm4b:s1+s19], $0x80, s19, s19, $0xb8;
	[tilespmem:$0x1A500] =	vst v63  }
0x1e: {  	_ = 	snop  }
0x1f: {  	[tilespmem:s23], [sflag:$0x2] =	stream.indirect.gather [hbm4b:s1+s19], $0x80, s22, s19, $0xb8;
	[tilespmem:$0x1A500] =	vst v63  }
0x20: {  	_ = 	snop  }
0x21: {  	[hbm4b:s10+s4] =	stream.linear.scatter [tilespmem:s24], [sflag:$0x3], $0x1000, $0x38;
	[tilespmem:$0x1A500] =	vst v63  }
0x22: {  	p0 =	por $0x0, $0x0;
	s30 =	simm.s32 $0x0  }
0x23: {  	[hbm4b:s11+s4] =	stream.linear.scatter [tilespmem:s25], [sflag:$0x3], $0x1000, $0x38;
	[tilespmem:$0x1A500] =	vst v63  }
.LBB2_2:
0x24: {  	s31 =	sand.u32 $0x1, s30  }
0x25: {  	s0 =	sxor.u32 $0x1, s31  }
0x26: {  	s2 =	smul.u32 $0x30000, s0  }
0x27: {  	_ =	swait.ge [sflag:s18], $0x180;
	s0 =	smul.u32 $0x180, s0  }
0x28: {  	[sflag:s18] =	ssyncset.done $0x0;
	s2 =	sshrl.u32 s2, $0x2  }
0x29: {  	[sflag:s18] =	ssyncadd.s32 $0xFFFFFE80;
	s15 =	sadd.s32 $0x80, s0;
	s2 =	sor.u32 $0x300, s2  }
0x2a: {  	[tilespmem:s2], [sflag:$0x2] =	stream.indirect.gather [hbm4b:s1+s19], $0x80, s0, s19, $0xb8;
	[tilespmem:$0x1A500] =	vst v63  }
0x2b: {  	s21 =	sshll.u32 s15, $0x7;
	s0 =	sadd.s32 $0x100, s0  }
0x2c: {  	s2 =	sor.u32 $0x300, s21;
	s17 =	sshll.u32 s0, $0x7  }
0x2d: {  	[tilespmem:s2], [sflag:$0x2] =	stream.indirect.gather [hbm4b:s1+s19], $0x80, s15, s19, $0xb8;
	[tilespmem:$0x1A500] =	vst v63  }
0x2e: {  	s2 =	sor.u32 $0x300, s17  }
0x2f: {  	[tilespmem:s2], [sflag:$0x2] =	stream.indirect.gather [hbm4b:s1+s19], $0x80, s0, s19, $0xb8;
	[tilespmem:$0x1A500] =	vst v63  }
0x30: {  	_ =	swait.ge [sflag:s26], $0x4000  }
0x31: {  	[sflag:s26] =	ssyncset.done $0x0  }
0x32: {  	[sflag:s26] =	ssyncadd.s32 $0xFFFFC000  }
0x33: {  	s20 =	sshll.u32 s30, $0x5;
	_ =	swait.ge [sflag:s26], $0x4000  }
0x34: {  	s0 =	sadd.s32 s20, s12;
	[sflag:s26] =	ssyncset.done $0x0  }
0x35: {  	s0 =	smul.u32 $0xC, s0;
	[sflag:s26] =	ssyncadd.s32 $0xFFFFC000  }
0x36: {  	s21 =	smul.u32 $0x180, s31;
	_ =	swait.ge [sflag:s26], $0x4000  }
0x37: {  	s15 =	simm.s32 $0x1;
	s0 =	sshrl.u32 s0, $0x3;
	[sflag:s26] =	ssyncset.done $0x0  }
0x38: {  	s17 =	simm.s32 $0x0;
	s0 =	sadd.s32 s3, s0;
	[sflag:s26] =	ssyncadd.s32 $0xFFFFC000  }
0x39: {  	[tilespmem:s21], [sflag:$0x1] =	stream.linear.gather [hbm4b:s0+s17], $0x180, $0x38;
	[tilespmem:$0x1A500] =	vst v63  }
0x3a: {  	s15 =	simm.s32 @!p0 $0x0;
	_ =	swait.ge [sflag:s28], $0x1000  }
0x3b: {  	s17 =	smul.u32 $0x30000, s15;
	[sflag:s28] =	ssyncset.done $0x0  }
0x3c: {  	[sflag:s28] =	ssyncadd.s32 $0xFFFFF000  }
0x3d: {  	s20 =	sshrl.u32 s17, $0x2;
	v0 =	vld [tilespmem:$0x1A300]  }
0x3e: {  	s0 =	sor.u32 $0x600, s20;
	v1 =	vld [tilespmem:$0x1A380]  }
0x3f: {  	v4 =	vld [tilespmem:s0+$0xFFFFFD80]  }
0x40: {  	v5 =	vld [tilespmem:s0+$0xFFFFFD00]  }
0x41: {  	v2 =	vld [tilespmem:$0x1A400]  }
0x42: {  	v6 =	vld [tilespmem:s0+$0xFFFFFE00]  }
0x43: {  	v3 =	vld [tilespmem:$0x1A480]  }
0x44: {  	v7 =	vld [tilespmem:s0+$0xFFFFFE80]  }
0x45: {  	v5 =	vmul.f32 v5, v0;
	v4 =	vmul.f32 v4, v1  }
0x46: {  	v8 =	vld [tilespmem:s0+$0xFFFFFF00]  }
0x47: {  	v4 =	vadd.f32 v4, v5;
	v5 =	vmul.f32 v6, v2  }
0x48: {  	v6 =	vld [tilespmem:s0+$0xFFFFFF80]  }
0x49: {  	v4 =	vadd.f32 v5, v4;
	v5 =	vmul.f32 v7, v3  }
0x4a: {  	v7 =	vld [tilespmem:s0+$0x0]  }
0x4b: {  	v9 =	vld [tilespmem:s0+$0x80];
	v8 =	vmul.f32 v8, v0;
	v5 =	vadd.f32 v5, v4  }
0x4c: {  	v10 =	vld [tilespmem:s0+$0x100]  }
0x4d: {  	v12 =	vld [tilespmem:s0+$0x200];
	v6 =	vmul.f32 v6, v1;
	v8 =	vadd.f32 v8, v5  }
0x4e: {  	v14 =	vld [tilespmem:s0+$0x280]  }
0x4f: {  	v7 =	vmul.f32 v7, v2;
	v8 =	vadd.f32 v6, v8  }
0x50: {  	v11 =	vld [tilespmem:s0+$0x180]  }
0x51: {  	v9 =	vmul.f32 v9, v3;
	v8 =	vadd.f32 v7, v8  }
0x52: {  	v16 =	vmul.f32 v12, v2;
	v12 =	vld [tilespmem:$0x1A4A0]  }
0x53: {  	v10 =	vmul.f32 v10, v0;
	v17 =	vmul.f32 v14, v3;
	v14 =	vld [tilespmem:$0x1A3B0];
	v9 =	vadd.f32 v9, v8  }
0x54: {  	v4 =	vld [tilespmem:$0x1A310]  }
0x55: {  	v11 =	vmul.f32 v11, v1;
	v5 =	vld [tilespmem:$0x1A390];
	v13 =	vadd.f32 v10, v9  }
0x56: {  	s15 =	sshll.u32 s15, $0xC;
	v6 =	vld [tilespmem:$0x1A410]  }
0x57: {  	s21 =	sor.u32 $0x18300, s15;
	v7 =	vld [tilespmem:$0x1A490];
	v15 =	vadd.f32 v11, v13  }
0x58: {  	v8 =	vld [tilespmem:$0x1A320];
	v11 =	vmov s21  }
0x59: {  	v9 =	vld [tilespmem:$0x1A3A0];
	v16 =	vadd.f32 v16, v15  }
0x5a: {  	v10 =	vld [tilespmem:$0x1A420]  }
0x5b: {  	v13 =	vld [tilespmem:$0x1A330];
	v17 =	vadd.f32 v17, v16  }
0x5c: {  	s17 =	simm.s32 $0x0;
	v15 =	vld [tilespmem:$0x1A430]  }
0x5d: {  	v16 =	vld [tilespmem:$0x1A4B0];
	[tilespmem:v11+s17+$0x0 ss:$0x1] =	vst.idx.msk $0xffff, v17  }
0x5e: {  	v17 =	vld [tilespmem:s0+$0xFFFFFD10]  }
0x5f: {  	v18 =	vld [tilespmem:s0+$0xFFFFFD90];
	_ =	sdelay $0x1  }
0x60: {  	v19 =	vld [tilespmem:s0+$0xFFFFFE10];
	_ =	sdelay $0x1  }
0x61: {  	v20 =	vld [tilespmem:s0+$0xFFFFFE90]  }
0x62: {  	v17 =	vmul.f32 v17, v4;
	v18 =	vmul.f32 v18, v5  }
0x63: {  	v21 =	vld [tilespmem:s0+$0xFFFFFF10]  }
0x64: {  	v17 =	vadd.f32 v18, v17;
	v18 =	vmul.f32 v19, v6  }
0x65: {  	v19 =	vld [tilespmem:s0+$0xFFFFFF90]  }
0x66: {  	v17 =	vadd.f32 v18, v17;
	v18 =	vmul.f32 v20, v7  }
0x67: {  	v20 =	vld [tilespmem:s0+$0x10]  }
0x68: {  	v17 =	vadd.f32 v18, v17;
	v18 =	vmul.f32 v21, v4  }
0x69: {  	v57 =	vld [tilespmem:s0+$0x90]  }
0x6a: {  	v17 =	vadd.f32 v18, v17;
	v18 =	vmul.f32 v19, v5  }
0x6b: {  	v19 =	vld [tilespmem:s0+$0x110]  }
0x6c: {  	v17 =	vadd.f32 v18, v17;
	v18 =	vmul.f32 v20, v6  }
0x6d: {  	v20 =	vld [tilespmem:s0+$0x190]  }
0x6e: {  	v17 =	vadd.f32 v18, v17;
	v18 =	vmul.f32 v57, v7  }
0x6f: {  	v58 =	vld [tilespmem:s0+$0x210]  }
0x70: {  	v17 =	vadd.f32 v18, v17;
	v18 =	vmul.f32 v19, v4  }
0x71: {  	v19 =	vld [tilespmem:s0+$0x290]  }
0x72: {  	v17 =	vadd.f32 v18, v17;
	v18 =	vmul.f32 v20, v5;
	_ =	sdelay $0x1  }
0x73: {  	v17 =	vadd.f32 v18, v17;
	v18 =	vmul.f32 v58, v6;
	_ =	sdelay $0x1  }
0x74: {  	v17 =	vadd.f32 v18, v17;
	v18 =	vmul.f32 v19, v7;
	_ =	sdelay $0x1  }
0x75: {  	v17 =	vadd.f32 v18, v17;
	_ =	sdelay $0x1  }
0x76: {  	[tilespmem:v11+s17+$0x10 ss:$0x1] =	vst.idx.msk $0xffff, v17  }
0x77: {  	v17 =	vld [tilespmem:s0+$0xFFFFFD20]  }
0x78: {  	v18 =	vld [tilespmem:s0+$0xFFFFFDA0];
	_ =	sdelay $0x1  }
0x79: {  	v19 =	vld [tilespmem:s0+$0xFFFFFE20];
	_ =	sdelay $0x1  }
0x7a: {  	v20 =	vld [tilespmem:s0+$0xFFFFFEA0]  }
0x7b: {  	v17 =	vmul.f32 v17, v8;
	v18 =	vmul.f32 v18, v9  }
0x7c: {  	v59 =	vld [tilespmem:s0+$0xFFFFFF20]  }
0x7d: {  	v17 =	vadd.f32 v18, v17;
	v18 =	vmul.f32 v19, v10  }
0x7e: {  	v19 =	vld [tilespmem:s0+$0xFFFFFFA0]  }
0x7f: {  	v17 =	vadd.f32 v18, v17;
	v18 =	vmul.f32 v20, v12  }
0x80: {  	v20 =	vld [tilespmem:s0+$0x20]  }
0x81: {  	v17 =	vadd.f32 v18, v17;
	v18 =	vmul.f32 v59, v8  }
0x82: {  	v60 =	vld [tilespmem:s0+$0xA0]  }
0x83: {  	v17 =	vadd.f32 v18, v17;
	v18 =	vmul.f32 v19, v9  }
0x84: {  	v19 =	vld [tilespmem:s0+$0x120]  }
0x85: {  	v17 =	vadd.f32 v18, v17;
	v18 =	vmul.f32 v20, v10  }
0x86: {  	v20 =	vld [tilespmem:s0+$0x1A0]  }
0x87: {  	v17 =	vadd.f32 v18, v17;
	v18 =	vmul.f32 v60, v12  }
0x88: {  	v61 =	vld [tilespmem:s0+$0x220]  }
0x89: {  	v17 =	vadd.f32 v18, v17;
	v18 =	vmul.f32 v19, v8  }
0x8a: {  	v19 =	vld [tilespmem:s0+$0x2A0]  }
0x8b: {  	v17 =	vadd.f32 v18, v17;
	v18 =	vmul.f32 v20, v9;
	_ =	sdelay $0x1  }
0x8c: {  	v17 =	vadd.f32 v18, v17;
	v18 =	vmul.f32 v61, v10;
	_ =	sdelay $0x1  }
0x8d: {  	v17 =	vadd.f32 v18, v17;
	v18 =	vmul.f32 v19, v12;
	_ =	sdelay $0x1  }
0x8e: {  	v17 =	vadd.f32 v18, v17;
	_ =	sdelay $0x1  }
0x8f: {  	[tilespmem:v11+s17+$0x20 ss:$0x1] =	vst.idx.msk $0xffff, v17  }
0x90: {  	v17 =	vld [tilespmem:s0+$0xFFFFFD30]  }
0x91: {  	v18 =	vld [tilespmem:s0+$0xFFFFFDB0];
	_ =	sdelay $0x1  }
0x92: {  	v19 =	vld [tilespmem:s0+$0xFFFFFE30];
	_ =	sdelay $0x1  }
0x93: {  	v20 =	vld [tilespmem:s0+$0xFFFFFEB0]  }
0x94: {  	v17 =	vmul.f32 v17, v13;
	v18 =	vmul.f32 v18, v14  }
0x95: {  	v62 =	vld [tilespmem:s0+$0xFFFFFF30]  }
0x96: {  	v19 =	vmul.f32 v19, v15;
	v17 =	vadd.f32 v18, v17  }
0x97: {  	v18 =	vld [tilespmem:s0+$0xFFFFFFB0]  }
0x98: {  	v20 =	vmul.f32 v20, v16;
	v17 =	vadd.f32 v19, v17  }
0x99: {  	v19 =	vld [tilespmem:s0+$0x30]  }
0x9a: {  	v21 =	vmul.f32 v62, v13;
	v17 =	vadd.f32 v20, v17  }
0x9b: {  	v20 =	vld [tilespmem:s0+$0xB0]  }
0x9c: {  	v18 =	vmul.f32 v18, v14;
	v17 =	vadd.f32 v21, v17  }
0x9d: {  	v63 =	vld [tilespmem:s0+$0x130]  }
0x9e: {  	v19 =	vmul.f32 v19, v15;
	v17 =	vadd.f32 v18, v17  }
0x9f: {  	v18 =	vld [tilespmem:s0+$0x1B0]  }
0xa0: {  	v22 =	vld [tilespmem:s0+$0x230];
	v20 =	vmul.f32 v20, v16;
	v17 =	vadd.f32 v19, v17  }
0xa1: {  	v23 =	vld [tilespmem:s0+$0x2B0]  }
0xa2: {  	v19 =	vmul.f32 v63, v13;
	v17 =	vadd.f32 v20, v17;
	_ =	sdelay $0x1  }
0xa3: {  	v20 =	vmul.f32 v18, v14;
	v17 =	vadd.f32 v19, v17;
	_ =	sdelay $0x1  }
0xa4: {  	s15 =	sor.u32 $0x18340, s15;
	s2 =	sor.u32 $0x640, s20;
	s20 =	simm.s32 $0x200;
	v18 =	vmul.f32 v22, v15;
	v19 =	vadd.f32 v20, v17;
	v17 =	vmul.f32 v23, v16  }
.LBB2_3:
0xa5: {  	p1 =	sne.s32 s20, $0x3E00  }
0xa6: {  	v18 =	vadd.f32 v18, v19;
	s0 =	sadd.s32 $0x600, s0;
	s21 =	smov.u32 s20;
	s20 =	sadd.s32 $0x200, s20  }
0xa7: {  	_ = 	snop  }
0xa8: {  	v17 =	vadd.f32 v17, v18;
	_ =	sdelay $0x1  }
0xa9: {  	[tilespmem:v11+s17+$0x30 ss:$0x1] =	vst.idx.msk $0xffff, v17  }
0xaa: {  	v17 =	vld [tilespmem:s0+$0xFFFFFD80]  }
0xab: {  	v18 =	vld [tilespmem:s0+$0xFFFFFD00];
	_ =	sdelay $0x1  }
0xac: {  	v19 =	vld [tilespmem:s0+$0xFFFFFE00];
	_ =	sdelay $0x1  }
0xad: {  	v20 =	vld [tilespmem:s0+$0xFFFFFE80]  }
0xae: {  	v17 =	vmul.f32 v17, v1;
	v18 =	vmul.f32 v18, v0  }
0xaf: {  	v21 =	vld [tilespmem:s0+$0xFFFFFF00]  }
0xb0: {  	v17 =	vadd.f32 v17, v18;
	v18 =	vmul.f32 v19, v2  }
0xb1: {  	v19 =	vld [tilespmem:s0+$0xFFFFFF80]  }
0xb2: {  	v17 =	vadd.f32 v18, v17;
	v18 =	vmul.f32 v20, v3  }
0xb3: {  	v20 =	vld [tilespmem:s0+$0x0]  }
0xb4: {  	v17 =	vadd.f32 v18, v17;
	v18 =	vmul.f32 v21, v0  }
0xb5: {  	v21 =	vld [tilespmem:s0+$0x80]  }
0xb6: {  	v17 =	vadd.f32 v18, v17;
	v18 =	vmul.f32 v19, v1  }
0xb7: {  	v19 =	vld [tilespmem:s0+$0x100]  }
0xb8: {  	v17 =	vadd.f32 v18, v17;
	v18 =	vmul.f32 v20, v2  }
0xb9: {  	v20 =	vld [tilespmem:s0+$0x180]  }
0xba: {  	v17 =	vadd.f32 v18, v17;
	v18 =	vmul.f32 v21, v3  }
0xbb: {  	v21 =	vld [tilespmem:s0+$0x200]  }
0xbc: {  	v17 =	vadd.f32 v18, v17;
	v18 =	vmul.f32 v19, v0  }
0xbd: {  	v19 =	vld [tilespmem:s0+$0x280]  }
0xbe: {  	v17 =	vadd.f32 v18, v17;
	v18 =	vmul.f32 v20, v1;
	_ =	sdelay $0x1  }
0xbf: {  	v17 =	vadd.f32 v18, v17;
	v18 =	vmul.f32 v21, v2;
	_ =	sdelay $0x1  }
0xc0: {  	v17 =	vadd.f32 v18, v17;
	v18 =	vmul.f32 v19, v3;
	_ =	sdelay $0x1  }
0xc1: {  	v17 =	vadd.f32 v18, v17  }
0xc2: {  	s17 =	sshra.s32 s21, $0x2  }
0xc3: {  	[tilespmem:v11+s17+$0x0 ss:$0x1] =	vst.idx.msk $0xffff, v17  }
0xc4: {  	v17 =	vld [tilespmem:s0+$0xFFFFFD10]  }
0xc5: {  	v18 =	vld [tilespmem:s0+$0xFFFFFD90];
	_ =	sdelay $0x1  }
0xc6: {  	v19 =	vld [tilespmem:s0+$0xFFFFFE10];
	_ =	sdelay $0x1  }
0xc7: {  	v20 =	vld [tilespmem:s0+$0xFFFFFE90]  }
0xc8: {  	v17 =	vmul.f32 v17, v4;
	v18 =	vmul.f32 v18, v5  }
0xc9: {  	v21 =	vld [tilespmem:s0+$0xFFFFFF10]  }
0xca: {  	v17 =	vadd.f32 v18, v17;
	v18 =	vmul.f32 v19, v6  }
0xcb: {  	v19 =	vld [tilespmem:s0+$0xFFFFFF90]  }
0xcc: {  	v17 =	vadd.f32 v18, v17;
	v18 =	vmul.f32 v20, v7  }
0xcd: {  	v20 =	vld [tilespmem:s0+$0x10]  }
0xce: {  	v17 =	vadd.f32 v18, v17;
	v18 =	vmul.f32 v21, v4  }
0xcf: {  	v21 =	vld [tilespmem:s0+$0x90]  }
0xd0: {  	v17 =	vadd.f32 v18, v17;
	v18 =	vmul.f32 v19, v5  }
0xd1: {  	v19 =	vld [tilespmem:s0+$0x110]  }
0xd2: {  	v17 =	vadd.f32 v18, v17;
	v18 =	vmul.f32 v20, v6  }
0xd3: {  	v20 =	vld [tilespmem:s0+$0x190]  }
0xd4: {  	v17 =	vadd.f32 v18, v17;
	v18 =	vmul.f32 v21, v7  }
0xd5: {  	v21 =	vld [tilespmem:s0+$0x210]  }
0xd6: {  	v17 =	vadd.f32 v18, v17;
	v18 =	vmul.f32 v19, v4  }
0xd7: {  	v19 =	vld [tilespmem:s0+$0x290]  }
0xd8: {  	v17 =	vadd.f32 v18, v17;
	v18 =	vmul.f32 v20, v5;
	_ =	sdelay $0x1  }
0xd9: {  	v17 =	vadd.f32 v18, v17;
	v18 =	vmul.f32 v21, v6;
	_ =	sdelay $0x1  }
0xda: {  	v17 =	vadd.f32 v18, v17;
	v18 =	vmul.f32 v19, v7;
	_ =	sdelay $0x1  }
0xdb: {  	v17 =	vadd.f32 v18, v17;
	_ =	sdelay $0x1  }
0xdc: {  	[tilespmem:v11+s17+$0x10 ss:$0x1] =	vst.idx.msk $0xffff, v17  }
0xdd: {  	v17 =	vld [tilespmem:s0+$0xFFFFFD20]  }
0xde: {  	v18 =	vld [tilespmem:s0+$0xFFFFFDA0];
	_ =	sdelay $0x1  }
0xdf: {  	v19 =	vld [tilespmem:s0+$0xFFFFFE20];
	_ =	sdelay $0x1  }
0xe0: {  	v17 =	vmul.f32 v17, v8;
	v20 =	vld [tilespmem:s0+$0xFFFFFEA0]  }
0xe1: {  	v18 =	vmul.f32 v18, v9  }
0xe2: {  	v21 =	vld [tilespmem:s0+$0xFFFFFF20]  }
0xe3: {  	v17 =	vadd.f32 v18, v17;
	v18 =	vmul.f32 v19, v10  }
0xe4: {  	v19 =	vld [tilespmem:s0+$0xFFFFFFA0]  }
0xe5: {  	v17 =	vadd.f32 v18, v17;
	v18 =	vmul.f32 v20, v12  }
0xe6: {  	v20 =	vld [tilespmem:s0+$0x20]  }
0xe7: {  	v17 =	vadd.f32 v18, v17;
	v18 =	vmul.f32 v21, v8  }
0xe8: {  	v21 =	vld [tilespmem:s0+$0xA0]  }
0xe9: {  	v17 =	vadd.f32 v18, v17;
	v18 =	vmul.f32 v19, v9  }
0xea: {  	v19 =	vld [tilespmem:s0+$0x120]  }
0xeb: {  	v17 =	vadd.f32 v18, v17;
	v18 =	vmul.f32 v20, v10  }
0xec: {  	v20 =	vld [tilespmem:s0+$0x1A0]  }
0xed: {  	v17 =	vadd.f32 v18, v17;
	v18 =	vmul.f32 v21, v12  }
0xee: {  	v21 =	vld [tilespmem:s0+$0x220]  }
0xef: {  	v17 =	vadd.f32 v18, v17;
	v18 =	vmul.f32 v19, v8  }
0xf0: {  	v19 =	vld [tilespmem:s0+$0x2A0]  }
0xf1: {  	v17 =	vadd.f32 v18, v17;
	v18 =	vmul.f32 v20, v9;
	_ =	sdelay $0x1  }
0xf2: {  	v17 =	vadd.f32 v18, v17;
	v18 =	vmul.f32 v21, v10;
	_ =	sdelay $0x1  }
0xf3: {  	v17 =	vadd.f32 v18, v17;
	v18 =	vmul.f32 v19, v12;
	_ =	sdelay $0x1  }
0xf4: {  	v17 =	vadd.f32 v18, v17;
	_ =	sdelay $0x1  }
0xf5: {  	[tilespmem:v11+s17+$0x20 ss:$0x1] =	vst.idx.msk $0xffff, v17  }
0xf6: {  	v17 =	vld [tilespmem:s0+$0xFFFFFD30]  }
0xf7: {  	v18 =	vld [tilespmem:s0+$0xFFFFFDB0]  }
0xf8: {  	v19 =	vld [tilespmem:s0+$0xFFFFFE30]  }
0xf9: {  	v20 =	vld [tilespmem:s0+$0xFFFFFEB0]  }
0xfa: {  	v21 =	vld [tilespmem:s0+$0xFFFFFF30]  }
0xfb: {  	v22 =	vld [tilespmem:s0+$0xFFFFFFB0]  }
0xfc: {  	v17 =	vmul.f32 v17, v13;
	v18 =	vmul.f32 v18, v14;
	v23 =	vld [tilespmem:s0+$0x30]  }
0xfd: {  	v19 =	vmul.f32 v19, v15;
	v24 =	vld [tilespmem:s0+$0xB0]  }
0xfe: {  	v17 =	vadd.f32 v18, v17;
	v18 =	vld [tilespmem:s0+$0x130]  }
0xff: {  	v20 =	vmul.f32 v20, v16;
	v25 =	vld [tilespmem:s0+$0x1B0]  }
0x100: {  	v17 =	vadd.f32 v19, v17;
	v19 =	vld [tilespmem:s0+$0x230]  }
0x101: {  	v21 =	vmul.f32 v21, v13;
	v26 =	vld [tilespmem:s0+$0x2B0]  }
0x102: {  	v17 =	vadd.f32 v20, v17  }
0x103: {  	v20 =	vmul.f32 v22, v14  }
0x104: {  	v17 =	vadd.f32 v21, v17  }
0x105: {  	v21 =	vmul.f32 v23, v15  }
0x106: {  	v17 =	vadd.f32 v20, v17  }
0x107: {  	v20 =	vmul.f32 v24, v16  }
0x108: {  	v17 =	vadd.f32 v21, v17  }
0x109: {  	v18 =	vmul.f32 v18, v13  }
0x10a: {  	v17 =	vadd.f32 v20, v17  }
.Ltmp0:
0x10b: {  	v20 =	vmul.f32 v25, v14;
	(pc) =	sbr.rel @p1 .LBB2_3-.Ltmp0, $4  }
0x10c: {  	v17 =	vadd.f32 v18, v17  }
0x10d: {  	v18 =	vmul.f32 v19, v15  }
0x10e: {  	v19 =	vadd.f32 v20, v17  }
0x10f: {  	v17 =	vmul.f32 v26, v16  }
0x110: {  	v0 =	vadd.f32 v18, v19;
	_ =	sdelay $0x1  }
0x111: {  	v0 =	vadd.f32 v17, v0;
	_ =	sdelay $0x1  }
0x112: {  	[tilespmem:v11+s17+$0x30 ss:$0x1] =	vst.idx.msk $0xffff, v0  }
0x113: {  	v0 =	vld [tilespmem:$0x1A340]  }
0x114: {  	v1 =	vld [tilespmem:$0x1A3C0]  }
0x115: {  	v4 =	vld [tilespmem:s2+$0xFFFFFD80]  }
0x116: {  	v5 =	vld [tilespmem:s2+$0xFFFFFD00]  }
0x117: {  	v2 =	vld [tilespmem:$0x1A440]  }
0x118: {  	v6 =	vld [tilespmem:s2+$0xFFFFFE00]  }
0x119: {  	v3 =	vld [tilespmem:$0x1A4C0]  }
0x11a: {  	v7 =	vld [tilespmem:s2+$0xFFFFFE80]  }
0x11b: {  	v5 =	vmul.f32 v5, v0;
	v4 =	vmul.f32 v4, v1  }
0x11c: {  	v8 =	vld [tilespmem:s2+$0xFFFFFF00]  }
0x11d: {  	v4 =	vadd.f32 v4, v5;
	v5 =	vmul.f32 v6, v2  }
0x11e: {  	v6 =	vld [tilespmem:s2+$0xFFFFFF80]  }
0x11f: {  	v4 =	vadd.f32 v5, v4;
	v5 =	vmul.f32 v7, v3  }
0x120: {  	v7 =	vld [tilespmem:s2+$0x0]  }
0x121: {  	v9 =	vld [tilespmem:s2+$0x80];
	v8 =	vmul.f32 v8, v0;
	v5 =	vadd.f32 v5, v4  }
0x122: {  	v10 =	vld [tilespmem:s2+$0x100]  }
0x123: {  	v11 =	vld [tilespmem:s2+$0x180];
	v6 =	vmul.f32 v6, v1;
	v8 =	vadd.f32 v8, v5  }
0x124: {  	v12 =	vld [tilespmem:s2+$0x200]  }
0x125: {  	v14 =	vld [tilespmem:s2+$0x280];
	v7 =	vmul.f32 v7, v2;
	v8 =	vadd.f32 v6, v8;
	_ =	sdelay $0x1  }
0x126: {  	v9 =	vmul.f32 v9, v3;
	v8 =	vadd.f32 v7, v8  }
0x127: {  	v13 =	vmul.f32 v11, v1;
	v11 =	vld [tilespmem:$0x1A460]  }
0x128: {  	v10 =	vmul.f32 v10, v0;
	v16 =	vmul.f32 v12, v2;
	v12 =	vld [tilespmem:$0x1A4E0];
	v9 =	vadd.f32 v9, v8  }
0x129: {  	v17 =	vmul.f32 v14, v3;
	v14 =	vld [tilespmem:$0x1A3F0]  }
0x12a: {  	v4 =	vld [tilespmem:$0x1A350];
	v9 =	vadd.f32 v10, v9  }
0x12b: {  	v5 =	vld [tilespmem:$0x1A3D0]  }
0x12c: {  	v6 =	vld [tilespmem:$0x1A450];
	v15 =	vadd.f32 v13, v9  }
0x12d: {  	v7 =	vld [tilespmem:$0x1A4D0];
	v9 =	vmov s15  }
0x12e: {  	v8 =	vld [tilespmem:$0x1A360];
	v16 =	vadd.f32 v16, v15  }
0x12f: {  	v10 =	vld [tilespmem:$0x1A3E0]  }
0x130: {  	v13 =	vld [tilespmem:$0x1A370];
	v17 =	vadd.f32 v17, v16  }
0x131: {  	s0 =	simm.s32 $0x0;
	v15 =	vld [tilespmem:$0x1A470]  }
0x132: {  	v16 =	vld [tilespmem:$0x1A4F0];
	[tilespmem:v9+s0+$0x0 ss:$0x1] =	vst.idx.msk $0xffff, v17  }
0x133: {  	v17 =	vld [tilespmem:s2+$0xFFFFFD10]  }
0x134: {  	v18 =	vld [tilespmem:s2+$0xFFFFFD90];
	_ =	sdelay $0x1  }
0x135: {  	v19 =	vld [tilespmem:s2+$0xFFFFFE10];
	_ =	sdelay $0x1  }
0x136: {  	v20 =	vld [tilespmem:s2+$0xFFFFFE90]  }
0x137: {  	v17 =	vmul.f32 v17, v4;
	v18 =	vmul.f32 v18, v5  }
0x138: {  	v21 =	vld [tilespmem:s2+$0xFFFFFF10]  }
0x139: {  	v17 =	vadd.f32 v18, v17;
	v18 =	vmul.f32 v19, v6  }
0x13a: {  	v19 =	vld [tilespmem:s2+$0xFFFFFF90]  }
0x13b: {  	v17 =	vadd.f32 v18, v17;
	v18 =	vmul.f32 v20, v7  }
0x13c: {  	v20 =	vld [tilespmem:s2+$0x10]  }
0x13d: {  	v17 =	vadd.f32 v18, v17;
	v18 =	vmul.f32 v21, v4  }
0x13e: {  	v57 =	vld [tilespmem:s2+$0x90]  }
0x13f: {  	v17 =	vadd.f32 v18, v17;
	v18 =	vmul.f32 v19, v5  }
0x140: {  	v19 =	vld [tilespmem:s2+$0x110]  }
0x141: {  	v17 =	vadd.f32 v18, v17;
	v18 =	vmul.f32 v20, v6  }
0x142: {  	v20 =	vld [tilespmem:s2+$0x190]  }
0x143: {  	v17 =	vadd.f32 v18, v17;
	v18 =	vmul.f32 v57, v7  }
0x144: {  	v58 =	vld [tilespmem:s2+$0x210]  }
0x145: {  	v17 =	vadd.f32 v18, v17;
	v18 =	vmul.f32 v19, v4  }
0x146: {  	v19 =	vld [tilespmem:s2+$0x290]  }
0x147: {  	v17 =	vadd.f32 v18, v17;
	v18 =	vmul.f32 v20, v5;
	_ =	sdelay $0x1  }
0x148: {  	v17 =	vadd.f32 v18, v17;
	v18 =	vmul.f32 v58, v6;
	_ =	sdelay $0x1  }
0x149: {  	v17 =	vadd.f32 v18, v17;
	v18 =	vmul.f32 v19, v7;
	_ =	sdelay $0x1  }
0x14a: {  	v17 =	vadd.f32 v18, v17;
	_ =	sdelay $0x1  }
0x14b: {  	[tilespmem:v9+s0+$0x10 ss:$0x1] =	vst.idx.msk $0xffff, v17  }
0x14c: {  	v17 =	vld [tilespmem:s2+$0xFFFFFD20]  }
0x14d: {  	v18 =	vld [tilespmem:s2+$0xFFFFFDA0];
	_ =	sdelay $0x1  }
0x14e: {  	v19 =	vld [tilespmem:s2+$0xFFFFFE20];
	_ =	sdelay $0x1  }
0x14f: {  	v20 =	vld [tilespmem:s2+$0xFFFFFEA0]  }
0x150: {  	v17 =	vmul.f32 v17, v8;
	v18 =	vmul.f32 v18, v10  }
0x151: {  	v59 =	vld [tilespmem:s2+$0xFFFFFF20]  }
0x152: {  	v17 =	vadd.f32 v18, v17;
	v18 =	vmul.f32 v19, v11  }
0x153: {  	v19 =	vld [tilespmem:s2+$0xFFFFFFA0]  }
0x154: {  	v17 =	vadd.f32 v18, v17;
	v18 =	vmul.f32 v20, v12  }
0x155: {  	v20 =	vld [tilespmem:s2+$0x20]  }
0x156: {  	v17 =	vadd.f32 v18, v17;
	v18 =	vmul.f32 v59, v8  }
0x157: {  	v60 =	vld [tilespmem:s2+$0xA0]  }
0x158: {  	v17 =	vadd.f32 v18, v17;
	v18 =	vmul.f32 v19, v10  }
0x159: {  	v19 =	vld [tilespmem:s2+$0x120]  }
0x15a: {  	v17 =	vadd.f32 v18, v17;
	v18 =	vmul.f32 v20, v11  }
0x15b: {  	v20 =	vld [tilespmem:s2+$0x1A0]  }
0x15c: {  	v17 =	vadd.f32 v18, v17;
	v18 =	vmul.f32 v60, v12  }
0x15d: {  	v61 =	vld [tilespmem:s2+$0x220]  }
0x15e: {  	v17 =	vadd.f32 v18, v17;
	v18 =	vmul.f32 v19, v8  }
0x15f: {  	v19 =	vld [tilespmem:s2+$0x2A0]  }
0x160: {  	v17 =	vadd.f32 v18, v17;
	v18 =	vmul.f32 v20, v10;
	_ =	sdelay $0x1  }
0x161: {  	v17 =	vadd.f32 v18, v17;
	v18 =	vmul.f32 v61, v11;
	_ =	sdelay $0x1  }
0x162: {  	v17 =	vadd.f32 v18, v17;
	v18 =	vmul.f32 v19, v12;
	_ =	sdelay $0x1  }
0x163: {  	v17 =	vadd.f32 v18, v17;
	_ =	sdelay $0x1  }
0x164: {  	[tilespmem:v9+s0+$0x20 ss:$0x1] =	vst.idx.msk $0xffff, v17  }
0x165: {  	v17 =	vld [tilespmem:s2+$0xFFFFFD30]  }
0x166: {  	v18 =	vld [tilespmem:s2+$0xFFFFFDB0];
	_ =	sdelay $0x1  }
0x167: {  	v19 =	vld [tilespmem:s2+$0xFFFFFE30];
	_ =	sdelay $0x1  }
0x168: {  	v20 =	vld [tilespmem:s2+$0xFFFFFEB0]  }
0x169: {  	v17 =	vmul.f32 v17, v13;
	v18 =	vmul.f32 v18, v14  }
0x16a: {  	v62 =	vld [tilespmem:s2+$0xFFFFFF30]  }
0x16b: {  	v19 =	vmul.f32 v19, v15;
	v17 =	vadd.f32 v18, v17  }
0x16c: {  	v18 =	vld [tilespmem:s2+$0xFFFFFFB0]  }
0x16d: {  	v20 =	vmul.f32 v20, v16;
	v17 =	vadd.f32 v19, v17  }
0x16e: {  	v19 =	vld [tilespmem:s2+$0x30]  }
0x16f: {  	v21 =	vmul.f32 v62, v13;
	v17 =	vadd.f32 v20, v17  }
0x170: {  	v20 =	vld [tilespmem:s2+$0xB0]  }
0x171: {  	v18 =	vmul.f32 v18, v14;
	v17 =	vadd.f32 v21, v17  }
0x172: {  	v63 =	vld [tilespmem:s2+$0x130]  }
0x173: {  	v19 =	vmul.f32 v19, v15;
	v17 =	vadd.f32 v18, v17  }
0x174: {  	v18 =	vld [tilespmem:s2+$0x1B0]  }
0x175: {  	v22 =	vld [tilespmem:s2+$0x230];
	v20 =	vmul.f32 v20, v16;
	v17 =	vadd.f32 v19, v17  }
0x176: {  	v23 =	vld [tilespmem:s2+$0x2B0]  }
0x177: {  	v19 =	vmul.f32 v63, v13;
	v17 =	vadd.f32 v20, v17;
	_ =	sdelay $0x1  }
0x178: {  	v20 =	vmul.f32 v18, v14;
	v17 =	vadd.f32 v19, v17;
	_ =	sdelay $0x1  }
0x179: {  	s15 =	simm.s32 $0x200;
	v18 =	vmul.f32 v22, v15;
	v19 =	vadd.f32 v20, v17;
	v17 =	vmul.f32 v23, v16  }
.LBB2_5:
0x17a: {  	p1 =	sne.s32 s15, $0x3E00  }
0x17b: {  	v18 =	vadd.f32 v18, v19;
	s2 =	sadd.s32 $0x600, s2;
	s17 =	smov.u32 s15;
	s15 =	sadd.s32 $0x200, s15  }
0x17c: {  	_ = 	snop  }
0x17d: {  	v17 =	vadd.f32 v17, v18;
	_ =	sdelay $0x1  }
0x17e: {  	[tilespmem:v9+s0+$0x30 ss:$0x1] =	vst.idx.msk $0xffff, v17  }
0x17f: {  	v17 =	vld [tilespmem:s2+$0xFFFFFD80]  }
0x180: {  	v18 =	vld [tilespmem:s2+$0xFFFFFD00];
	_ =	sdelay $0x1  }
0x181: {  	v19 =	vld [tilespmem:s2+$0xFFFFFE00];
	_ =	sdelay $0x1  }
0x182: {  	v20 =	vld [tilespmem:s2+$0xFFFFFE80]  }
0x183: {  	v17 =	vmul.f32 v17, v1;
	v18 =	vmul.f32 v18, v0  }
0x184: {  	v21 =	vld [tilespmem:s2+$0xFFFFFF00]  }
0x185: {  	v17 =	vadd.f32 v17, v18;
	v18 =	vmul.f32 v19, v2  }
0x186: {  	v19 =	vld [tilespmem:s2+$0xFFFFFF80]  }
0x187: {  	v17 =	vadd.f32 v18, v17;
	v18 =	vmul.f32 v20, v3  }
0x188: {  	v20 =	vld [tilespmem:s2+$0x0]  }
0x189: {  	v17 =	vadd.f32 v18, v17;
	v18 =	vmul.f32 v21, v0  }
0x18a: {  	v21 =	vld [tilespmem:s2+$0x80]  }
0x18b: {  	v17 =	vadd.f32 v18, v17;
	v18 =	vmul.f32 v19, v1  }
0x18c: {  	v19 =	vld [tilespmem:s2+$0x100]  }
0x18d: {  	v17 =	vadd.f32 v18, v17;
	v18 =	vmul.f32 v20, v2  }
0x18e: {  	v20 =	vld [tilespmem:s2+$0x180]  }
0x18f: {  	v17 =	vadd.f32 v18, v17;
	v18 =	vmul.f32 v21, v3  }
0x190: {  	v21 =	vld [tilespmem:s2+$0x200]  }
0x191: {  	v17 =	vadd.f32 v18, v17;
	v18 =	vmul.f32 v19, v0  }
0x192: {  	v19 =	vld [tilespmem:s2+$0x280]  }
0x193: {  	v17 =	vadd.f32 v18, v17;
	v18 =	vmul.f32 v20, v1;
	_ =	sdelay $0x1  }
0x194: {  	v17 =	vadd.f32 v18, v17;
	v18 =	vmul.f32 v21, v2;
	_ =	sdelay $0x1  }
0x195: {  	v17 =	vadd.f32 v18, v17;
	v18 =	vmul.f32 v19, v3;
	_ =	sdelay $0x1  }
0x196: {  	v17 =	vadd.f32 v18, v17  }
0x197: {  	s0 =	sshra.s32 s17, $0x2  }
0x198: {  	[tilespmem:v9+s0+$0x0 ss:$0x1] =	vst.idx.msk $0xffff, v17  }
0x199: {  	v17 =	vld [tilespmem:s2+$0xFFFFFD10]  }
0x19a: {  	v18 =	vld [tilespmem:s2+$0xFFFFFD90];
	_ =	sdelay $0x1  }
0x19b: {  	v19 =	vld [tilespmem:s2+$0xFFFFFE10];
	_ =	sdelay $0x1  }
0x19c: {  	v20 =	vld [tilespmem:s2+$0xFFFFFE90]  }
0x19d: {  	v17 =	vmul.f32 v17, v4;
	v18 =	vmul.f32 v18, v5  }
0x19e: {  	v21 =	vld [tilespmem:s2+$0xFFFFFF10]  }
0x19f: {  	v17 =	vadd.f32 v18, v17;
	v18 =	vmul.f32 v19, v6  }
0x1a0: {  	v19 =	vld [tilespmem:s2+$0xFFFFFF90]  }
0x1a1: {  	v17 =	vadd.f32 v18, v17;
	v18 =	vmul.f32 v20, v7  }
0x1a2: {  	v20 =	vld [tilespmem:s2+$0x10]  }
0x1a3: {  	v17 =	vadd.f32 v18, v17;
	v18 =	vmul.f32 v21, v4  }
0x1a4: {  	v21 =	vld [tilespmem:s2+$0x90]  }
0x1a5: {  	v17 =	vadd.f32 v18, v17;
	v18 =	vmul.f32 v19, v5  }
0x1a6: {  	v19 =	vld [tilespmem:s2+$0x110]  }
0x1a7: {  	v17 =	vadd.f32 v18, v17;
	v18 =	vmul.f32 v20, v6  }
0x1a8: {  	v20 =	vld [tilespmem:s2+$0x190]  }
0x1a9: {  	v17 =	vadd.f32 v18, v17;
	v18 =	vmul.f32 v21, v7  }
0x1aa: {  	v21 =	vld [tilespmem:s2+$0x210]  }
0x1ab: {  	v17 =	vadd.f32 v18, v17;
	v18 =	vmul.f32 v19, v4  }
0x1ac: {  	v19 =	vld [tilespmem:s2+$0x290]  }
0x1ad: {  	v17 =	vadd.f32 v18, v17;
	v18 =	vmul.f32 v20, v5;
	_ =	sdelay $0x1  }
0x1ae: {  	v17 =	vadd.f32 v18, v17;
	v18 =	vmul.f32 v21, v6;
	_ =	sdelay $0x1  }
0x1af: {  	v17 =	vadd.f32 v18, v17;
	v18 =	vmul.f32 v19, v7;
	_ =	sdelay $0x1  }
0x1b0: {  	v17 =	vadd.f32 v18, v17;
	_ =	sdelay $0x1  }
0x1b1: {  	[tilespmem:v9+s0+$0x10 ss:$0x1] =	vst.idx.msk $0xffff, v17  }
0x1b2: {  	v17 =	vld [tilespmem:s2+$0xFFFFFD20]  }
0x1b3: {  	v18 =	vld [tilespmem:s2+$0xFFFFFDA0];
	_ =	sdelay $0x1  }
0x1b4: {  	v19 =	vld [tilespmem:s2+$0xFFFFFE20];
	_ =	sdelay $0x1  }
0x1b5: {  	v17 =	vmul.f32 v17, v8;
	v20 =	vld [tilespmem:s2+$0xFFFFFEA0]  }
0x1b6: {  	v18 =	vmul.f32 v18, v10  }
0x1b7: {  	v21 =	vld [tilespmem:s2+$0xFFFFFF20]  }
0x1b8: {  	v17 =	vadd.f32 v18, v17;
	v18 =	vmul.f32 v19, v11  }
0x1b9: {  	v19 =	vld [tilespmem:s2+$0xFFFFFFA0]  }
0x1ba: {  	v17 =	vadd.f32 v18, v17;
	v18 =	vmul.f32 v20, v12  }
0x1bb: {  	v20 =	vld [tilespmem:s2+$0x20]  }
0x1bc: {  	v17 =	vadd.f32 v18, v17;
	v18 =	vmul.f32 v21, v8  }
0x1bd: {  	v21 =	vld [tilespmem:s2+$0xA0]  }
0x1be: {  	v17 =	vadd.f32 v18, v17;
	v18 =	vmul.f32 v19, v10  }
0x1bf: {  	v19 =	vld [tilespmem:s2+$0x120]  }
0x1c0: {  	v17 =	vadd.f32 v18, v17;
	v18 =	vmul.f32 v20, v11  }
0x1c1: {  	v20 =	vld [tilespmem:s2+$0x1A0]  }
0x1c2: {  	v17 =	vadd.f32 v18, v17;
	v18 =	vmul.f32 v21, v12  }
0x1c3: {  	v21 =	vld [tilespmem:s2+$0x220]  }
0x1c4: {  	v17 =	vadd.f32 v18, v17;
	v18 =	vmul.f32 v19, v8  }
0x1c5: {  	v19 =	vld [tilespmem:s2+$0x2A0]  }
0x1c6: {  	v17 =	vadd.f32 v18, v17;
	v18 =	vmul.f32 v20, v10;
	_ =	sdelay $0x1  }
0x1c7: {  	v17 =	vadd.f32 v18, v17;
	v18 =	vmul.f32 v21, v11;
	_ =	sdelay $0x1  }
0x1c8: {  	v17 =	vadd.f32 v18, v17;
	v18 =	vmul.f32 v19, v12;
	_ =	sdelay $0x1  }
0x1c9: {  	v17 =	vadd.f32 v18, v17;
	_ =	sdelay $0x1  }
0x1ca: {  	[tilespmem:v9+s0+$0x20 ss:$0x1] =	vst.idx.msk $0xffff, v17  }
0x1cb: {  	v17 =	vld [tilespmem:s2+$0xFFFFFD30]  }
0x1cc: {  	v18 =	vld [tilespmem:s2+$0xFFFFFDB0]  }
0x1cd: {  	v19 =	vld [tilespmem:s2+$0xFFFFFE30]  }
0x1ce: {  	v20 =	vld [tilespmem:s2+$0xFFFFFEB0]  }
0x1cf: {  	v21 =	vld [tilespmem:s2+$0xFFFFFF30]  }
0x1d0: {  	v22 =	vld [tilespmem:s2+$0xFFFFFFB0]  }
0x1d1: {  	v17 =	vmul.f32 v17, v13;
	v18 =	vmul.f32 v18, v14;
	v23 =	vld [tilespmem:s2+$0x30]  }
0x1d2: {  	v19 =	vmul.f32 v19, v15;
	v24 =	vld [tilespmem:s2+$0xB0]  }
0x1d3: {  	v17 =	vadd.f32 v18, v17;
	v18 =	vld [tilespmem:s2+$0x130]  }
0x1d4: {  	v20 =	vmul.f32 v20, v16;
	v25 =	vld [tilespmem:s2+$0x1B0]  }
0x1d5: {  	v17 =	vadd.f32 v19, v17;
	v19 =	vld [tilespmem:s2+$0x230]  }
0x1d6: {  	v21 =	vmul.f32 v21, v13;
	v26 =	vld [tilespmem:s2+$0x2B0]  }
0x1d7: {  	v17 =	vadd.f32 v20, v17  }
0x1d8: {  	v20 =	vmul.f32 v22, v14  }
0x1d9: {  	v17 =	vadd.f32 v21, v17  }
0x1da: {  	v21 =	vmul.f32 v23, v15  }
0x1db: {  	v17 =	vadd.f32 v20, v17  }
0x1dc: {  	v20 =	vmul.f32 v24, v16  }
0x1dd: {  	v17 =	vadd.f32 v21, v17  }
0x1de: {  	v18 =	vmul.f32 v18, v13  }
0x1df: {  	v17 =	vadd.f32 v20, v17  }
.Ltmp1:
0x1e0: {  	v20 =	vmul.f32 v25, v14;
	(pc) =	sbr.rel @p1 .LBB2_5-.Ltmp1, $4  }
0x1e1: {  	v17 =	vadd.f32 v18, v17  }
0x1e2: {  	v18 =	vmul.f32 v19, v15  }
0x1e3: {  	v19 =	vadd.f32 v20, v17  }
0x1e4: {  	v17 =	vmul.f32 v26, v16  }
0x1e5: {  	s2 =	sshll.u32 s30, $0xC;
	s30 =	sadd.s32 $0x1, s30  }
0x1e6: {  	v0 =	vadd.f32 v18, v19;
	p1 =	sne.s32 s30, $0x30  }
.Ltmp2:
0x1e7: {  	_ = 	snop;
	(pc) =	sbr.rel @p1 .LBB2_2-.Ltmp2, $4  }
0x1e8: {  	s2 =	sadd.s32 s7, s2;
	v0 =	vadd.f32 v17, v0  }
0x1e9: {  	s15 =	sshll.u32 s31, $0xC;
	s2 =	sshrl.u32 s2, $0x3  }
0x1ea: {  	p0 =	por !p0, !p0;
	s31 =	sor.u32 $0x18300, s15;
	s2 =	sadd.s32 s6, s2;
	[tilespmem:v9+s0+$0x30 ss:$0x1] =	vst.idx.msk $0xffff, v0  }
0x1eb: {  	[hbm4b:s2+s4] =	stream.linear.scatter [tilespmem:s31], [sflag:$0x3], $0x1000, $0x38;
	[tilespmem:$0x1A500] =	vst v63  }
0x1ec: {  	_ =	swait.ge [sflag:s26], $0x4000  }
0x1ed: {  	[sflag:s26] =	ssyncset.done $0x0  }
0x1ee: {  	[sflag:s26] =	ssyncadd.s32 $0xFFFFC000  }
0x1ef: {  	_ =	swait.ge [sflag:s26], $0x4000  }
0x1f0: {  	[sflag:s26] =	ssyncset.done $0x0  }
0x1f1: {  	[sflag:s26] =	ssyncadd.s32 $0xFFFFC000  }
0x1f2: {  	_ =	swait.ge [sflag:s26], $0x4000  }
0x1f3: {  	[sflag:s26] =	ssyncset.done $0x0  }
0x1f4: {  	[sflag:s26] =	ssyncadd.s32 $0xFFFFC000  }
0x1f5: {  	_ =	swait.ge [sflag:s28], $0x1000  }
0x1f6: {  	[sflag:s28] =	ssyncset.done $0x0  }
0x1f7: {  	[sflag:s28] =	ssyncadd.s32 $0xFFFFF000  }
0x1f8: {  	v0 =	vld [tilespmem:$0x1A300]  }
0x1f9: {  	s0 =	simm.s32 $0x600;
	v1 =	vld [tilespmem:$0x1A380]  }
0x1fa: {  	v4 =	vld [tilespmem:s0+$0xFFFFFD80]  }
0x1fb: {  	v5 =	vld [tilespmem:s0+$0xFFFFFD00]  }
0x1fc: {  	v2 =	vld [tilespmem:$0x1A400]  }
0x1fd: {  	v6 =	vld [tilespmem:s0+$0xFFFFFE00]  }
0x1fe: {  	v3 =	vld [tilespmem:$0x1A480]  }
0x1ff: {  	v7 =	vld [tilespmem:s0+$0xFFFFFE80]  }
0x200: {  	v5 =	vmul.f32 v5, v0;
	v4 =	vmul.f32 v4, v1  }
0x201: {  	v8 =	vld [tilespmem:s0+$0xFFFFFF00]  }
0x202: {  	v4 =	vadd.f32 v4, v5;
	v5 =	vmul.f32 v6, v2  }
0x203: {  	v6 =	vld [tilespmem:s0+$0xFFFFFF80]  }
0x204: {  	v4 =	vadd.f32 v5, v4;
	v5 =	vmul.f32 v7, v3  }
0x205: {  	v7 =	vld [tilespmem:s0+$0x0]  }
0x206: {  	v9 =	vld [tilespmem:s0+$0x80];
	v8 =	vmul.f32 v8, v0;
	v5 =	vadd.f32 v5, v4  }
0x207: {  	v10 =	vld [tilespmem:s0+$0x100]  }
0x208: {  	v12 =	vld [tilespmem:s0+$0x200];
	v6 =	vmul.f32 v6, v1;
	v8 =	vadd.f32 v8, v5  }
0x209: {  	v13 =	vld [tilespmem:s0+$0x280]  }
0x20a: {  	v7 =	vmul.f32 v7, v2;
	v8 =	vadd.f32 v6, v8  }
0x20b: {  	v11 =	vld [tilespmem:s0+$0x180]  }
0x20c: {  	v9 =	vmul.f32 v9, v3;
	v8 =	vadd.f32 v7, v8  }
0x20d: {  	v15 =	vmul.f32 v12, v2;
	v12 =	vld [tilespmem:$0x1A330]  }
0x20e: {  	v10 =	vmul.f32 v10, v0;
	v16 =	vmul.f32 v13, v3;
	v13 =	vld [tilespmem:$0x1A3B0];
	v9 =	vadd.f32 v9, v8  }
0x20f: {  	v4 =	vld [tilespmem:$0x1A310]  }
0x210: {  	v11 =	vmul.f32 v11, v1;
	v5 =	vld [tilespmem:$0x1A390];
	v14 =	vadd.f32 v10, v9  }
0x211: {  	v6 =	vld [tilespmem:$0x1A410]  }
0x212: {  	v7 =	vld [tilespmem:$0x1A490];
	v14 =	vadd.f32 v11, v14  }
0x213: {  	v8 =	vld [tilespmem:$0x1A320]  }
0x214: {  	v9 =	vld [tilespmem:$0x1A3A0];
	v15 =	vadd.f32 v15, v14  }
0x215: {  	v10 =	vld [tilespmem:$0x1A420]  }
0x216: {  	v11 =	vld [tilespmem:$0x1A4A0];
	v16 =	vadd.f32 v16, v15  }
0x217: {  	s2 =	simm.s32 $0x0;
	v14 =	vld [tilespmem:$0x1A430]  }
0x218: {  	v15 =	vld [tilespmem:$0x1A4B0];
	[tilespmem:s2+$0x18300] =	vst v16  }
0x219: {  	v16 =	vld [tilespmem:s0+$0xFFFFFD10]  }
0x21a: {  	v17 =	vld [tilespmem:s0+$0xFFFFFD90];
	_ =	sdelay $0x1  }
0x21b: {  	v18 =	vld [tilespmem:s0+$0xFFFFFE10];
	_ =	sdelay $0x1  }
0x21c: {  	v19 =	vld [tilespmem:s0+$0xFFFFFE90]  }
0x21d: {  	v16 =	vmul.f32 v16, v4;
	v17 =	vmul.f32 v17, v5  }
0x21e: {  	v20 =	vld [tilespmem:s0+$0xFFFFFF10]  }
0x21f: {  	v16 =	vadd.f32 v17, v16;
	v17 =	vmul.f32 v18, v6  }
0x220: {  	v18 =	vld [tilespmem:s0+$0xFFFFFF90]  }
0x221: {  	v16 =	vadd.f32 v17, v16;
	v17 =	vmul.f32 v19, v7  }
0x222: {  	v19 =	vld [tilespmem:s0+$0x10]  }
0x223: {  	v16 =	vadd.f32 v17, v16;
	v17 =	vmul.f32 v20, v4  }
0x224: {  	v20 =	vld [tilespmem:s0+$0x90]  }
0x225: {  	v16 =	vadd.f32 v17, v16;
	v17 =	vmul.f32 v18, v5  }
0x226: {  	v18 =	vld [tilespmem:s0+$0x110]  }
0x227: {  	v16 =	vadd.f32 v17, v16;
	v17 =	vmul.f32 v19, v6  }
0x228: {  	v19 =	vld [tilespmem:s0+$0x190]  }
0x229: {  	v16 =	vadd.f32 v17, v16;
	v17 =	vmul.f32 v20, v7  }
0x22a: {  	v20 =	vld [tilespmem:s0+$0x210]  }
0x22b: {  	v16 =	vadd.f32 v17, v16;
	v17 =	vmul.f32 v18, v4  }
0x22c: {  	v18 =	vld [tilespmem:s0+$0x290]  }
0x22d: {  	v16 =	vadd.f32 v17, v16;
	v17 =	vmul.f32 v19, v5;
	_ =	sdelay $0x1  }
0x22e: {  	v16 =	vadd.f32 v17, v16;
	v17 =	vmul.f32 v20, v6;
	_ =	sdelay $0x1  }
0x22f: {  	v16 =	vadd.f32 v17, v16;
	v17 =	vmul.f32 v18, v7;
	_ =	sdelay $0x1  }
0x230: {  	v16 =	vadd.f32 v17, v16;
	_ =	sdelay $0x1  }
0x231: {  	[tilespmem:s2+$0x18310] =	vst v16  }
0x232: {  	v16 =	vld [tilespmem:s0+$0xFFFFFD20]  }
0x233: {  	v17 =	vld [tilespmem:s0+$0xFFFFFDA0];
	_ =	sdelay $0x1  }
0x234: {  	v18 =	vld [tilespmem:s0+$0xFFFFFE20];
	_ =	sdelay $0x1  }
0x235: {  	v19 =	vld [tilespmem:s0+$0xFFFFFEA0]  }
0x236: {  	v16 =	vmul.f32 v16, v8;
	v17 =	vmul.f32 v17, v9  }
0x237: {  	v20 =	vld [tilespmem:s0+$0xFFFFFF20]  }
0x238: {  	v16 =	vadd.f32 v17, v16;
	v17 =	vmul.f32 v18, v10  }
0x239: {  	v18 =	vld [tilespmem:s0+$0xFFFFFFA0]  }
0x23a: {  	v16 =	vadd.f32 v17, v16;
	v17 =	vmul.f32 v19, v11  }
0x23b: {  	v19 =	vld [tilespmem:s0+$0x20]  }
0x23c: {  	v16 =	vadd.f32 v17, v16;
	v17 =	vmul.f32 v20, v8  }
0x23d: {  	v20 =	vld [tilespmem:s0+$0xA0]  }
0x23e: {  	v16 =	vadd.f32 v17, v16;
	v17 =	vmul.f32 v18, v9  }
0x23f: {  	v18 =	vld [tilespmem:s0+$0x120]  }
0x240: {  	v16 =	vadd.f32 v17, v16;
	v17 =	vmul.f32 v19, v10  }
0x241: {  	v19 =	vld [tilespmem:s0+$0x1A0]  }
0x242: {  	v16 =	vadd.f32 v17, v16;
	v17 =	vmul.f32 v20, v11  }
0x243: {  	v20 =	vld [tilespmem:s0+$0x220]  }
0x244: {  	v16 =	vadd.f32 v17, v16;
	v17 =	vmul.f32 v18, v8  }
0x245: {  	v18 =	vld [tilespmem:s0+$0x2A0]  }
0x246: {  	v16 =	vadd.f32 v17, v16;
	v17 =	vmul.f32 v19, v9;
	_ =	sdelay $0x1  }
0x247: {  	v16 =	vadd.f32 v17, v16;
	v17 =	vmul.f32 v20, v10;
	_ =	sdelay $0x1  }
0x248: {  	v16 =	vadd.f32 v17, v16;
	v17 =	vmul.f32 v18, v11;
	_ =	sdelay $0x1  }
0x249: {  	v16 =	vadd.f32 v17, v16;
	_ =	sdelay $0x1  }
0x24a: {  	[tilespmem:s2+$0x18320] =	vst v16  }
0x24b: {  	v16 =	vld [tilespmem:s0+$0xFFFFFD30]  }
0x24c: {  	v17 =	vld [tilespmem:s0+$0xFFFFFDB0];
	_ =	sdelay $0x1  }
0x24d: {  	v18 =	vld [tilespmem:s0+$0xFFFFFE30];
	_ =	sdelay $0x1  }
0x24e: {  	v19 =	vld [tilespmem:s0+$0xFFFFFEB0]  }
0x24f: {  	v16 =	vmul.f32 v16, v12;
	v17 =	vmul.f32 v17, v13  }
0x250: {  	v20 =	vld [tilespmem:s0+$0xFFFFFF30]  }
0x251: {  	v18 =	vmul.f32 v18, v14;
	v16 =	vadd.f32 v17, v16  }
0x252: {  	v17 =	vld [tilespmem:s0+$0xFFFFFFB0]  }
0x253: {  	v19 =	vmul.f32 v19, v15;
	v16 =	vadd.f32 v18, v16  }
0x254: {  	v18 =	vld [tilespmem:s0+$0x30]  }
0x255: {  	v20 =	vmul.f32 v20, v12;
	v16 =	vadd.f32 v19, v16  }
0x256: {  	v19 =	vld [tilespmem:s0+$0xB0]  }
0x257: {  	v17 =	vmul.f32 v17, v13;
	v16 =	vadd.f32 v20, v16  }
0x258: {  	v20 =	vld [tilespmem:s0+$0x130]  }
0x259: {  	v18 =	vmul.f32 v18, v14;
	v16 =	vadd.f32 v17, v16  }
0x25a: {  	v17 =	vld [tilespmem:s0+$0x1B0]  }
0x25b: {  	v21 =	vld [tilespmem:s0+$0x230];
	v19 =	vmul.f32 v19, v15;
	v16 =	vadd.f32 v18, v16  }
0x25c: {  	v22 =	vld [tilespmem:s0+$0x2B0]  }
0x25d: {  	v18 =	vmul.f32 v20, v12;
	v16 =	vadd.f32 v19, v16;
	_ =	sdelay $0x1  }
0x25e: {  	v19 =	vmul.f32 v17, v13;
	v16 =	vadd.f32 v18, v16;
	_ =	sdelay $0x1  }
0x25f: {  	s15 =	simm.s32 $0x200;
	v17 =	vmul.f32 v21, v14;
	v18 =	vadd.f32 v19, v16;
	v16 =	vmul.f32 v22, v15  }
.LBB2_8:
0x260: {  	p0 =	sne.s32 s15, $0x3E00  }
0x261: {  	v17 =	vadd.f32 v17, v18;
	s0 =	sadd.s32 $0x600, s0;
	s17 =	smov.u32 s15;
	s15 =	sadd.s32 $0x200, s15  }
0x262: {  	_ = 	snop  }
0x263: {  	v16 =	vadd.f32 v16, v17;
	_ =	sdelay $0x1  }
0x264: {  	[tilespmem:s2+$0x18330] =	vst v16  }
0x265: {  	v16 =	vld [tilespmem:s0+$0xFFFFFD80]  }
0x266: {  	v17 =	vld [tilespmem:s0+$0xFFFFFD00];
	_ =	sdelay $0x1  }
0x267: {  	v18 =	vld [tilespmem:s0+$0xFFFFFE00];
	_ =	sdelay $0x1  }
0x268: {  	v19 =	vld [tilespmem:s0+$0xFFFFFE80]  }
0x269: {  	v16 =	vmul.f32 v16, v1;
	v17 =	vmul.f32 v17, v0  }
0x26a: {  	v20 =	vld [tilespmem:s0+$0xFFFFFF00]  }
0x26b: {  	v16 =	vadd.f32 v16, v17;
	v17 =	vmul.f32 v18, v2  }
0x26c: {  	v18 =	vld [tilespmem:s0+$0xFFFFFF80]  }
0x26d: {  	v16 =	vadd.f32 v17, v16;
	v17 =	vmul.f32 v19, v3  }
0x26e: {  	v19 =	vld [tilespmem:s0+$0x0]  }
0x26f: {  	v16 =	vadd.f32 v17, v16;
	v17 =	vmul.f32 v20, v0  }
0x270: {  	v20 =	vld [tilespmem:s0+$0x80]  }
0x271: {  	v16 =	vadd.f32 v17, v16;
	v17 =	vmul.f32 v18, v1  }
0x272: {  	v18 =	vld [tilespmem:s0+$0x100]  }
0x273: {  	v16 =	vadd.f32 v17, v16;
	v17 =	vmul.f32 v19, v2  }
0x274: {  	v19 =	vld [tilespmem:s0+$0x180]  }
0x275: {  	v16 =	vadd.f32 v17, v16;
	v17 =	vmul.f32 v20, v3  }
0x276: {  	v20 =	vld [tilespmem:s0+$0x200]  }
0x277: {  	v16 =	vadd.f32 v17, v16;
	v17 =	vmul.f32 v18, v0  }
0x278: {  	v18 =	vld [tilespmem:s0+$0x280]  }
0x279: {  	v16 =	vadd.f32 v17, v16;
	v17 =	vmul.f32 v19, v1;
	_ =	sdelay $0x1  }
0x27a: {  	v16 =	vadd.f32 v17, v16;
	v17 =	vmul.f32 v20, v2;
	_ =	sdelay $0x1  }
0x27b: {  	v16 =	vadd.f32 v17, v16;
	v17 =	vmul.f32 v18, v3;
	_ =	sdelay $0x1  }
0x27c: {  	v16 =	vadd.f32 v17, v16  }
0x27d: {  	s2 =	sshra.s32 s17, $0x2  }
0x27e: {  	[tilespmem:s2+$0x18300] =	vst v16  }
0x27f: {  	v16 =	vld [tilespmem:s0+$0xFFFFFD10]  }
0x280: {  	v17 =	vld [tilespmem:s0+$0xFFFFFD90];
	_ =	sdelay $0x1  }
0x281: {  	v18 =	vld [tilespmem:s0+$0xFFFFFE10];
	_ =	sdelay $0x1  }
0x282: {  	v19 =	vld [tilespmem:s0+$0xFFFFFE90]  }
0x283: {  	v16 =	vmul.f32 v16, v4;
	v17 =	vmul.f32 v17, v5  }
0x284: {  	v20 =	vld [tilespmem:s0+$0xFFFFFF10]  }
0x285: {  	v16 =	vadd.f32 v17, v16;
	v17 =	vmul.f32 v18, v6  }
0x286: {  	v18 =	vld [tilespmem:s0+$0xFFFFFF90]  }
0x287: {  	v16 =	vadd.f32 v17, v16;
	v17 =	vmul.f32 v19, v7  }
0x288: {  	v19 =	vld [tilespmem:s0+$0x10]  }
0x289: {  	v16 =	vadd.f32 v17, v16;
	v17 =	vmul.f32 v20, v4  }
0x28a: {  	v20 =	vld [tilespmem:s0+$0x90]  }
0x28b: {  	v16 =	vadd.f32 v17, v16;
	v17 =	vmul.f32 v18, v5  }
0x28c: {  	v18 =	vld [tilespmem:s0+$0x110]  }
0x28d: {  	v16 =	vadd.f32 v17, v16;
	v17 =	vmul.f32 v19, v6  }
0x28e: {  	v19 =	vld [tilespmem:s0+$0x190]  }
0x28f: {  	v16 =	vadd.f32 v17, v16;
	v17 =	vmul.f32 v20, v7  }
0x290: {  	v20 =	vld [tilespmem:s0+$0x210]  }
0x291: {  	v16 =	vadd.f32 v17, v16;
	v17 =	vmul.f32 v18, v4  }
0x292: {  	v18 =	vld [tilespmem:s0+$0x290]  }
0x293: {  	v16 =	vadd.f32 v17, v16;
	v17 =	vmul.f32 v19, v5;
	_ =	sdelay $0x1  }
0x294: {  	v16 =	vadd.f32 v17, v16;
	v17 =	vmul.f32 v20, v6;
	_ =	sdelay $0x1  }
0x295: {  	v16 =	vadd.f32 v17, v16;
	v17 =	vmul.f32 v18, v7;
	_ =	sdelay $0x1  }
0x296: {  	v16 =	vadd.f32 v17, v16;
	_ =	sdelay $0x1  }
0x297: {  	[tilespmem:s2+$0x18310] =	vst v16  }
0x298: {  	v16 =	vld [tilespmem:s0+$0xFFFFFD20]  }
0x299: {  	v17 =	vld [tilespmem:s0+$0xFFFFFDA0];
	_ =	sdelay $0x1  }
0x29a: {  	v18 =	vld [tilespmem:s0+$0xFFFFFE20];
	_ =	sdelay $0x1  }
0x29b: {  	v16 =	vmul.f32 v16, v8;
	v19 =	vld [tilespmem:s0+$0xFFFFFEA0]  }
0x29c: {  	v17 =	vmul.f32 v17, v9  }
0x29d: {  	v20 =	vld [tilespmem:s0+$0xFFFFFF20]  }
0x29e: {  	v16 =	vadd.f32 v17, v16;
	v17 =	vmul.f32 v18, v10  }
0x29f: {  	v18 =	vld [tilespmem:s0+$0xFFFFFFA0]  }
0x2a0: {  	v16 =	vadd.f32 v17, v16;
	v17 =	vmul.f32 v19, v11  }
0x2a1: {  	v19 =	vld [tilespmem:s0+$0x20]  }
0x2a2: {  	v16 =	vadd.f32 v17, v16;
	v17 =	vmul.f32 v20, v8  }
0x2a3: {  	v20 =	vld [tilespmem:s0+$0xA0]  }
0x2a4: {  	v16 =	vadd.f32 v17, v16;
	v17 =	vmul.f32 v18, v9  }
0x2a5: {  	v18 =	vld [tilespmem:s0+$0x120]  }
0x2a6: {  	v16 =	vadd.f32 v17, v16;
	v17 =	vmul.f32 v19, v10  }
0x2a7: {  	v19 =	vld [tilespmem:s0+$0x1A0]  }
0x2a8: {  	v16 =	vadd.f32 v17, v16;
	v17 =	vmul.f32 v20, v11  }
0x2a9: {  	v20 =	vld [tilespmem:s0+$0x220]  }
0x2aa: {  	v16 =	vadd.f32 v17, v16;
	v17 =	vmul.f32 v18, v8  }
0x2ab: {  	v18 =	vld [tilespmem:s0+$0x2A0]  }
0x2ac: {  	v16 =	vadd.f32 v17, v16;
	v17 =	vmul.f32 v19, v9;
	_ =	sdelay $0x1  }
0x2ad: {  	v16 =	vadd.f32 v17, v16;
	v17 =	vmul.f32 v20, v10;
	_ =	sdelay $0x1  }
0x2ae: {  	v16 =	vadd.f32 v17, v16;
	v17 =	vmul.f32 v18, v11;
	_ =	sdelay $0x1  }
0x2af: {  	v16 =	vadd.f32 v17, v16;
	_ =	sdelay $0x1  }
0x2b0: {  	[tilespmem:s2+$0x18320] =	vst v16  }
0x2b1: {  	v16 =	vld [tilespmem:s0+$0xFFFFFD30]  }
0x2b2: {  	v17 =	vld [tilespmem:s0+$0xFFFFFDB0]  }
0x2b3: {  	v18 =	vld [tilespmem:s0+$0xFFFFFE30]  }
0x2b4: {  	v19 =	vld [tilespmem:s0+$0xFFFFFEB0]  }
0x2b5: {  	v20 =	vld [tilespmem:s0+$0xFFFFFF30]  }
0x2b6: {  	v21 =	vld [tilespmem:s0+$0xFFFFFFB0]  }
0x2b7: {  	v16 =	vmul.f32 v16, v12;
	v17 =	vmul.f32 v17, v13;
	v22 =	vld [tilespmem:s0+$0x30]  }
0x2b8: {  	v18 =	vmul.f32 v18, v14;
	v23 =	vld [tilespmem:s0+$0xB0]  }
0x2b9: {  	v16 =	vadd.f32 v17, v16;
	v17 =	vld [tilespmem:s0+$0x130]  }
0x2ba: {  	v19 =	vmul.f32 v19, v15;
	v24 =	vld [tilespmem:s0+$0x1B0]  }
0x2bb: {  	v16 =	vadd.f32 v18, v16;
	v18 =	vld [tilespmem:s0+$0x230]  }
0x2bc: {  	v20 =	vmul.f32 v20, v12;
	v25 =	vld [tilespmem:s0+$0x2B0]  }
0x2bd: {  	v16 =	vadd.f32 v19, v16  }
0x2be: {  	v19 =	vmul.f32 v21, v13  }
0x2bf: {  	v16 =	vadd.f32 v20, v16  }
0x2c0: {  	v20 =	vmul.f32 v22, v14  }
0x2c1: {  	v16 =	vadd.f32 v19, v16  }
0x2c2: {  	v19 =	vmul.f32 v23, v15  }
0x2c3: {  	v16 =	vadd.f32 v20, v16  }
0x2c4: {  	v17 =	vmul.f32 v17, v12  }
0x2c5: {  	v16 =	vadd.f32 v19, v16  }
.Ltmp3:
0x2c6: {  	v19 =	vmul.f32 v24, v13;
	(pc) =	sbr.rel @p0 .LBB2_8-.Ltmp3, $4  }
0x2c7: {  	v16 =	vadd.f32 v17, v16  }
0x2c8: {  	v17 =	vmul.f32 v18, v14  }
0x2c9: {  	v18 =	vadd.f32 v19, v16  }
0x2ca: {  	v16 =	vmul.f32 v25, v15  }
0x2cb: {  	v0 =	vadd.f32 v17, v18;
	_ =	sdelay $0x1  }
0x2cc: {  	v0 =	vadd.f32 v16, v0;
	_ =	sdelay $0x1  }
0x2cd: {  	[tilespmem:s2+$0x18330] =	vst v0  }
0x2ce: {  	v0 =	vld [tilespmem:$0x1A340]  }
0x2cf: {  	s0 =	simm.s32 $0x640;
	v1 =	vld [tilespmem:$0x1A3C0]  }
0x2d0: {  	v4 =	vld [tilespmem:s0+$0xFFFFFD80]  }
0x2d1: {  	v5 =	vld [tilespmem:s0+$0xFFFFFD00]  }
0x2d2: {  	v2 =	vld [tilespmem:$0x1A440]  }
0x2d3: {  	v6 =	vld [tilespmem:s0+$0xFFFFFE00]  }
0x2d4: {  	v3 =	vld [tilespmem:$0x1A4C0]  }
0x2d5: {  	v7 =	vld [tilespmem:s0+$0xFFFFFE80]  }
0x2d6: {  	v5 =	vmul.f32 v5, v0;
	v4 =	vmul.f32 v4, v1  }
0x2d7: {  	v8 =	vld [tilespmem:s0+$0xFFFFFF00]  }
0x2d8: {  	v4 =	vadd.f32 v4, v5;
	v5 =	vmul.f32 v6, v2  }
0x2d9: {  	v6 =	vld [tilespmem:s0+$0xFFFFFF80]  }
0x2da: {  	v4 =	vadd.f32 v5, v4;
	v5 =	vmul.f32 v7, v3  }
0x2db: {  	v7 =	vld [tilespmem:s0+$0x0]  }
0x2dc: {  	v9 =	vld [tilespmem:s0+$0x80];
	v8 =	vmul.f32 v8, v0;
	v5 =	vadd.f32 v5, v4  }
0x2dd: {  	v10 =	vld [tilespmem:s0+$0x100]  }
0x2de: {  	v12 =	vld [tilespmem:s0+$0x200];
	v6 =	vmul.f32 v6, v1;
	v8 =	vadd.f32 v8, v5  }
0x2df: {  	v13 =	vld [tilespmem:s0+$0x280]  }
0x2e0: {  	v7 =	vmul.f32 v7, v2;
	v8 =	vadd.f32 v6, v8  }
0x2e1: {  	v11 =	vld [tilespmem:s0+$0x180]  }
0x2e2: {  	v9 =	vmul.f32 v9, v3;
	v8 =	vadd.f32 v7, v8  }
0x2e3: {  	v15 =	vmul.f32 v12, v2;
	v12 =	vld [tilespmem:$0x1A370]  }
0x2e4: {  	v10 =	vmul.f32 v10, v0;
	v16 =	vmul.f32 v13, v3;
	v13 =	vld [tilespmem:$0x1A3F0];
	v9 =	vadd.f32 v9, v8  }
0x2e5: {  	v4 =	vld [tilespmem:$0x1A350]  }
0x2e6: {  	v11 =	vmul.f32 v11, v1;
	v5 =	vld [tilespmem:$0x1A3D0];
	v14 =	vadd.f32 v10, v9  }
0x2e7: {  	v6 =	vld [tilespmem:$0x1A450]  }
0x2e8: {  	v7 =	vld [tilespmem:$0x1A4D0];
	v14 =	vadd.f32 v11, v14  }
0x2e9: {  	v8 =	vld [tilespmem:$0x1A360]  }
0x2ea: {  	v9 =	vld [tilespmem:$0x1A3E0];
	v15 =	vadd.f32 v15, v14  }
0x2eb: {  	v10 =	vld [tilespmem:$0x1A460]  }
0x2ec: {  	v11 =	vld [tilespmem:$0x1A4E0];
	v16 =	vadd.f32 v16, v15  }
0x2ed: {  	s2 =	simm.s32 $0x0;
	v14 =	vld [tilespmem:$0x1A470]  }
0x2ee: {  	v15 =	vld [tilespmem:$0x1A4F0];
	[tilespmem:s2+$0x18340] =	vst v16  }
0x2ef: {  	v16 =	vld [tilespmem:s0+$0xFFFFFD10]  }
0x2f0: {  	v17 =	vld [tilespmem:s0+$0xFFFFFD90];
	_ =	sdelay $0x1  }
0x2f1: {  	v18 =	vld [tilespmem:s0+$0xFFFFFE10];
	_ =	sdelay $0x1  }
0x2f2: {  	v19 =	vld [tilespmem:s0+$0xFFFFFE90]  }
0x2f3: {  	v16 =	vmul.f32 v16, v4;
	v17 =	vmul.f32 v17, v5  }
0x2f4: {  	v20 =	vld [tilespmem:s0+$0xFFFFFF10]  }
0x2f5: {  	v16 =	vadd.f32 v17, v16;
	v17 =	vmul.f32 v18, v6  }
0x2f6: {  	v18 =	vld [tilespmem:s0+$0xFFFFFF90]  }
0x2f7: {  	v16 =	vadd.f32 v17, v16;
	v17 =	vmul.f32 v19, v7  }
0x2f8: {  	v19 =	vld [tilespmem:s0+$0x10]  }
0x2f9: {  	v16 =	vadd.f32 v17, v16;
	v17 =	vmul.f32 v20, v4  }
0x2fa: {  	v20 =	vld [tilespmem:s0+$0x90]  }
0x2fb: {  	v16 =	vadd.f32 v17, v16;
	v17 =	vmul.f32 v18, v5  }
0x2fc: {  	v18 =	vld [tilespmem:s0+$0x110]  }
0x2fd: {  	v16 =	vadd.f32 v17, v16;
	v17 =	vmul.f32 v19, v6  }
0x2fe: {  	v19 =	vld [tilespmem:s0+$0x190]  }
0x2ff: {  	v16 =	vadd.f32 v17, v16;
	v17 =	vmul.f32 v20, v7  }
0x300: {  	v20 =	vld [tilespmem:s0+$0x210]  }
0x301: {  	v16 =	vadd.f32 v17, v16;
	v17 =	vmul.f32 v18, v4  }
0x302: {  	v18 =	vld [tilespmem:s0+$0x290]  }
0x303: {  	v16 =	vadd.f32 v17, v16;
	v17 =	vmul.f32 v19, v5;
	_ =	sdelay $0x1  }
0x304: {  	v16 =	vadd.f32 v17, v16;
	v17 =	vmul.f32 v20, v6;
	_ =	sdelay $0x1  }
0x305: {  	v16 =	vadd.f32 v17, v16;
	v17 =	vmul.f32 v18, v7;
	_ =	sdelay $0x1  }
0x306: {  	v16 =	vadd.f32 v17, v16;
	_ =	sdelay $0x1  }
0x307: {  	[tilespmem:s2+$0x18350] =	vst v16  }
0x308: {  	v16 =	vld [tilespmem:s0+$0xFFFFFD20]  }
0x309: {  	v17 =	vld [tilespmem:s0+$0xFFFFFDA0];
	_ =	sdelay $0x1  }
0x30a: {  	v18 =	vld [tilespmem:s0+$0xFFFFFE20];
	_ =	sdelay $0x1  }
0x30b: {  	v19 =	vld [tilespmem:s0+$0xFFFFFEA0]  }
0x30c: {  	v16 =	vmul.f32 v16, v8;
	v17 =	vmul.f32 v17, v9  }
0x30d: {  	v20 =	vld [tilespmem:s0+$0xFFFFFF20]  }
0x30e: {  	v16 =	vadd.f32 v17, v16;
	v17 =	vmul.f32 v18, v10  }
0x30f: {  	v18 =	vld [tilespmem:s0+$0xFFFFFFA0]  }
0x310: {  	v16 =	vadd.f32 v17, v16;
	v17 =	vmul.f32 v19, v11  }
0x311: {  	v19 =	vld [tilespmem:s0+$0x20]  }
0x312: {  	v16 =	vadd.f32 v17, v16;
	v17 =	vmul.f32 v20, v8  }
0x313: {  	v20 =	vld [tilespmem:s0+$0xA0]  }
0x314: {  	v16 =	vadd.f32 v17, v16;
	v17 =	vmul.f32 v18, v9  }
0x315: {  	v18 =	vld [tilespmem:s0+$0x120]  }
0x316: {  	v16 =	vadd.f32 v17, v16;
	v17 =	vmul.f32 v19, v10  }
0x317: {  	v19 =	vld [tilespmem:s0+$0x1A0]  }
0x318: {  	v16 =	vadd.f32 v17, v16;
	v17 =	vmul.f32 v20, v11  }
0x319: {  	v20 =	vld [tilespmem:s0+$0x220]  }
0x31a: {  	v16 =	vadd.f32 v17, v16;
	v17 =	vmul.f32 v18, v8  }
0x31b: {  	v18 =	vld [tilespmem:s0+$0x2A0]  }
0x31c: {  	v16 =	vadd.f32 v17, v16;
	v17 =	vmul.f32 v19, v9;
	_ =	sdelay $0x1  }
0x31d: {  	v16 =	vadd.f32 v17, v16;
	v17 =	vmul.f32 v20, v10;
	_ =	sdelay $0x1  }
0x31e: {  	v16 =	vadd.f32 v17, v16;
	v17 =	vmul.f32 v18, v11;
	_ =	sdelay $0x1  }
0x31f: {  	v16 =	vadd.f32 v17, v16;
	_ =	sdelay $0x1  }
0x320: {  	[tilespmem:s2+$0x18360] =	vst v16  }
0x321: {  	v16 =	vld [tilespmem:s0+$0xFFFFFD30]  }
0x322: {  	v17 =	vld [tilespmem:s0+$0xFFFFFDB0];
	_ =	sdelay $0x1  }
0x323: {  	v18 =	vld [tilespmem:s0+$0xFFFFFE30];
	_ =	sdelay $0x1  }
0x324: {  	v19 =	vld [tilespmem:s0+$0xFFFFFEB0]  }
0x325: {  	v16 =	vmul.f32 v16, v12;
	v17 =	vmul.f32 v17, v13  }
0x326: {  	v20 =	vld [tilespmem:s0+$0xFFFFFF30]  }
0x327: {  	v18 =	vmul.f32 v18, v14;
	v16 =	vadd.f32 v17, v16  }
0x328: {  	v17 =	vld [tilespmem:s0+$0xFFFFFFB0]  }
0x329: {  	v19 =	vmul.f32 v19, v15;
	v16 =	vadd.f32 v18, v16  }
0x32a: {  	v18 =	vld [tilespmem:s0+$0x30]  }
0x32b: {  	v20 =	vmul.f32 v20, v12;
	v16 =	vadd.f32 v19, v16  }
0x32c: {  	v19 =	vld [tilespmem:s0+$0xB0]  }
0x32d: {  	v17 =	vmul.f32 v17, v13;
	v16 =	vadd.f32 v20, v16  }
0x32e: {  	v20 =	vld [tilespmem:s0+$0x130]  }
0x32f: {  	v18 =	vmul.f32 v18, v14;
	v16 =	vadd.f32 v17, v16  }
0x330: {  	v17 =	vld [tilespmem:s0+$0x1B0]  }
0x331: {  	v21 =	vld [tilespmem:s0+$0x230];
	v19 =	vmul.f32 v19, v15;
	v16 =	vadd.f32 v18, v16  }
0x332: {  	v22 =	vld [tilespmem:s0+$0x2B0]  }
0x333: {  	v18 =	vmul.f32 v20, v12;
	v16 =	vadd.f32 v19, v16;
	_ =	sdelay $0x1  }
0x334: {  	v19 =	vmul.f32 v17, v13;
	v16 =	vadd.f32 v18, v16;
	_ =	sdelay $0x1  }
0x335: {  	s15 =	simm.s32 $0x200;
	v17 =	vmul.f32 v21, v14;
	v18 =	vadd.f32 v19, v16;
	v16 =	vmul.f32 v22, v15  }
.LBB2_10:
0x336: {  	p0 =	sne.s32 s15, $0x3E00  }
0x337: {  	v17 =	vadd.f32 v17, v18;
	s0 =	sadd.s32 $0x600, s0;
	s17 =	smov.u32 s15;
	s15 =	sadd.s32 $0x200, s15  }
0x338: {  	_ = 	snop  }
0x339: {  	v16 =	vadd.f32 v16, v17;
	_ =	sdelay $0x1  }
0x33a: {  	[tilespmem:s2+$0x18370] =	vst v16  }
0x33b: {  	v16 =	vld [tilespmem:s0+$0xFFFFFD80]  }
0x33c: {  	v17 =	vld [tilespmem:s0+$0xFFFFFD00];
	_ =	sdelay $0x1  }
0x33d: {  	v18 =	vld [tilespmem:s0+$0xFFFFFE00];
	_ =	sdelay $0x1  }
0x33e: {  	v19 =	vld [tilespmem:s0+$0xFFFFFE80]  }
0x33f: {  	v16 =	vmul.f32 v16, v1;
	v17 =	vmul.f32 v17, v0  }
0x340: {  	v20 =	vld [tilespmem:s0+$0xFFFFFF00]  }
0x341: {  	v16 =	vadd.f32 v16, v17;
	v17 =	vmul.f32 v18, v2  }
0x342: {  	v18 =	vld [tilespmem:s0+$0xFFFFFF80]  }
0x343: {  	v16 =	vadd.f32 v17, v16;
	v17 =	vmul.f32 v19, v3  }
0x344: {  	v19 =	vld [tilespmem:s0+$0x0]  }
0x345: {  	v16 =	vadd.f32 v17, v16;
	v17 =	vmul.f32 v20, v0  }
0x346: {  	v20 =	vld [tilespmem:s0+$0x80]  }
0x347: {  	v16 =	vadd.f32 v17, v16;
	v17 =	vmul.f32 v18, v1  }
0x348: {  	v18 =	vld [tilespmem:s0+$0x100]  }
0x349: {  	v16 =	vadd.f32 v17, v16;
	v17 =	vmul.f32 v19, v2  }
0x34a: {  	v19 =	vld [tilespmem:s0+$0x180]  }
0x34b: {  	v16 =	vadd.f32 v17, v16;
	v17 =	vmul.f32 v20, v3  }
0x34c: {  	v20 =	vld [tilespmem:s0+$0x200]  }
0x34d: {  	v16 =	vadd.f32 v17, v16;
	v17 =	vmul.f32 v18, v0  }
0x34e: {  	v18 =	vld [tilespmem:s0+$0x280]  }
0x34f: {  	v16 =	vadd.f32 v17, v16;
	v17 =	vmul.f32 v19, v1;
	_ =	sdelay $0x1  }
0x350: {  	v16 =	vadd.f32 v17, v16;
	v17 =	vmul.f32 v20, v2;
	_ =	sdelay $0x1  }
0x351: {  	v16 =	vadd.f32 v17, v16;
	v17 =	vmul.f32 v18, v3;
	_ =	sdelay $0x1  }
0x352: {  	v16 =	vadd.f32 v17, v16  }
0x353: {  	s2 =	sshra.s32 s17, $0x2  }
0x354: {  	[tilespmem:s2+$0x18340] =	vst v16  }
0x355: {  	v16 =	vld [tilespmem:s0+$0xFFFFFD10]  }
0x356: {  	v17 =	vld [tilespmem:s0+$0xFFFFFD90];
	_ =	sdelay $0x1  }
0x357: {  	v18 =	vld [tilespmem:s0+$0xFFFFFE10];
	_ =	sdelay $0x1  }
0x358: {  	v19 =	vld [tilespmem:s0+$0xFFFFFE90]  }
0x359: {  	v16 =	vmul.f32 v16, v4;
	v17 =	vmul.f32 v17, v5  }
0x35a: {  	v20 =	vld [tilespmem:s0+$0xFFFFFF10]  }
0x35b: {  	v16 =	vadd.f32 v17, v16;
	v17 =	vmul.f32 v18, v6  }
0x35c: {  	v18 =	vld [tilespmem:s0+$0xFFFFFF90]  }
0x35d: {  	v16 =	vadd.f32 v17, v16;
	v17 =	vmul.f32 v19, v7  }
0x35e: {  	v19 =	vld [tilespmem:s0+$0x10]  }
0x35f: {  	v16 =	vadd.f32 v17, v16;
	v17 =	vmul.f32 v20, v4  }
0x360: {  	v20 =	vld [tilespmem:s0+$0x90]  }
0x361: {  	v16 =	vadd.f32 v17, v16;
	v17 =	vmul.f32 v18, v5  }
0x362: {  	v18 =	vld [tilespmem:s0+$0x110]  }
0x363: {  	v16 =	vadd.f32 v17, v16;
	v17 =	vmul.f32 v19, v6  }
0x364: {  	v19 =	vld [tilespmem:s0+$0x190]  }
0x365: {  	v16 =	vadd.f32 v17, v16;
	v17 =	vmul.f32 v20, v7  }
0x366: {  	v20 =	vld [tilespmem:s0+$0x210]  }
0x367: {  	v16 =	vadd.f32 v17, v16;
	v17 =	vmul.f32 v18, v4  }
0x368: {  	v18 =	vld [tilespmem:s0+$0x290]  }
0x369: {  	v16 =	vadd.f32 v17, v16;
	v17 =	vmul.f32 v19, v5;
	_ =	sdelay $0x1  }
0x36a: {  	v16 =	vadd.f32 v17, v16;
	v17 =	vmul.f32 v20, v6;
	_ =	sdelay $0x1  }
0x36b: {  	v16 =	vadd.f32 v17, v16;
	v17 =	vmul.f32 v18, v7;
	_ =	sdelay $0x1  }
0x36c: {  	v16 =	vadd.f32 v17, v16;
	_ =	sdelay $0x1  }
0x36d: {  	[tilespmem:s2+$0x18350] =	vst v16  }
0x36e: {  	v16 =	vld [tilespmem:s0+$0xFFFFFD20]  }
0x36f: {  	v17 =	vld [tilespmem:s0+$0xFFFFFDA0];
	_ =	sdelay $0x1  }
0x370: {  	v18 =	vld [tilespmem:s0+$0xFFFFFE20];
	_ =	sdelay $0x1  }
0x371: {  	v16 =	vmul.f32 v16, v8;
	v19 =	vld [tilespmem:s0+$0xFFFFFEA0]  }
0x372: {  	v17 =	vmul.f32 v17, v9  }
0x373: {  	v20 =	vld [tilespmem:s0+$0xFFFFFF20]  }
0x374: {  	v16 =	vadd.f32 v17, v16;
	v17 =	vmul.f32 v18, v10  }
0x375: {  	v18 =	vld [tilespmem:s0+$0xFFFFFFA0]  }
0x376: {  	v16 =	vadd.f32 v17, v16;
	v17 =	vmul.f32 v19, v11  }
0x377: {  	v19 =	vld [tilespmem:s0+$0x20]  }
0x378: {  	v16 =	vadd.f32 v17, v16;
	v17 =	vmul.f32 v20, v8  }
0x379: {  	v20 =	vld [tilespmem:s0+$0xA0]  }
0x37a: {  	v16 =	vadd.f32 v17, v16;
	v17 =	vmul.f32 v18, v9  }
0x37b: {  	v18 =	vld [tilespmem:s0+$0x120]  }
0x37c: {  	v16 =	vadd.f32 v17, v16;
	v17 =	vmul.f32 v19, v10  }
0x37d: {  	v19 =	vld [tilespmem:s0+$0x1A0]  }
0x37e: {  	v16 =	vadd.f32 v17, v16;
	v17 =	vmul.f32 v20, v11  }
0x37f: {  	v20 =	vld [tilespmem:s0+$0x220]  }
0x380: {  	v16 =	vadd.f32 v17, v16;
	v17 =	vmul.f32 v18, v8  }
0x381: {  	v18 =	vld [tilespmem:s0+$0x2A0]  }
0x382: {  	v16 =	vadd.f32 v17, v16;
	v17 =	vmul.f32 v19, v9;
	_ =	sdelay $0x1  }
0x383: {  	v16 =	vadd.f32 v17, v16;
	v17 =	vmul.f32 v20, v10;
	_ =	sdelay $0x1  }
0x384: {  	v16 =	vadd.f32 v17, v16;
	v17 =	vmul.f32 v18, v11;
	_ =	sdelay $0x1  }
0x385: {  	v16 =	vadd.f32 v17, v16;
	_ =	sdelay $0x1  }
0x386: {  	[tilespmem:s2+$0x18360] =	vst v16  }
0x387: {  	v16 =	vld [tilespmem:s0+$0xFFFFFD30]  }
0x388: {  	v17 =	vld [tilespmem:s0+$0xFFFFFDB0]  }
0x389: {  	v18 =	vld [tilespmem:s0+$0xFFFFFE30]  }
0x38a: {  	v19 =	vld [tilespmem:s0+$0xFFFFFEB0]  }
0x38b: {  	v20 =	vld [tilespmem:s0+$0xFFFFFF30]  }
0x38c: {  	v21 =	vld [tilespmem:s0+$0xFFFFFFB0]  }
0x38d: {  	v16 =	vmul.f32 v16, v12;
	v17 =	vmul.f32 v17, v13;
	v22 =	vld [tilespmem:s0+$0x30]  }
0x38e: {  	v18 =	vmul.f32 v18, v14;
	v23 =	vld [tilespmem:s0+$0xB0]  }
0x38f: {  	v16 =	vadd.f32 v17, v16;
	v17 =	vld [tilespmem:s0+$0x130]  }
0x390: {  	v19 =	vmul.f32 v19, v15;
	v24 =	vld [tilespmem:s0+$0x1B0]  }
0x391: {  	v16 =	vadd.f32 v18, v16;
	v18 =	vld [tilespmem:s0+$0x230]  }
0x392: {  	v20 =	vmul.f32 v20, v12;
	v25 =	vld [tilespmem:s0+$0x2B0]  }
0x393: {  	v16 =	vadd.f32 v19, v16  }
0x394: {  	v19 =	vmul.f32 v21, v13  }
0x395: {  	v16 =	vadd.f32 v20, v16  }
0x396: {  	v20 =	vmul.f32 v22, v14  }
0x397: {  	v16 =	vadd.f32 v19, v16  }
0x398: {  	v19 =	vmul.f32 v23, v15  }
0x399: {  	v16 =	vadd.f32 v20, v16  }
0x39a: {  	v17 =	vmul.f32 v17, v12  }
0x39b: {  	v16 =	vadd.f32 v19, v16  }
.Ltmp4:
0x39c: {  	v19 =	vmul.f32 v24, v13;
	(pc) =	sbr.rel @p0 .LBB2_10-.Ltmp4, $4  }
0x39d: {  	v16 =	vadd.f32 v17, v16  }
0x39e: {  	v17 =	vmul.f32 v18, v14  }
0x39f: {  	v18 =	vadd.f32 v19, v16  }
0x3a0: {  	v16 =	vmul.f32 v25, v15  }
0x3a1: {  	v0 =	vadd.f32 v17, v18;
	_ =	sdelay $0x1  }
0x3a2: {  	v0 =	vadd.f32 v16, v0;
	_ =	sdelay $0x1  }
0x3a3: {  	s29 =	sadd.s32 $0x1, s29;
	[tilespmem:s2+$0x18370] =	vst v0  }
0x3a4: {  	[hbm4b:s13+s4] =	stream.linear.scatter [tilespmem:s24], [sflag:$0x3], $0x1000, $0x38;
	[tilespmem:$0x1A500] =	vst v63  }
0x3a5: {  	p0 =	sne.s32 s29, s14;
	_ =	swait.ge [sflag:s28], $0x1000  }
.Ltmp5:
0x3a6: {  	[sflag:s28] =	ssyncset.done $0x0;
	(pc) =	sbr.rel @p0 .LBB2_1-.Ltmp5, $4  }
0x3a7: {  	[sflag:s28] =	ssyncadd.s32 $0xFFFFF000  }
0x3a8: {  	_ =	swait.ge [sflag:s28], $0x1000  }
0x3a9: {  	[sflag:s28] =	ssyncset.done $0x0  }
0x3aa: {  	[sflag:s28] =	ssyncadd.s32 $0xFFFFF000  }
0x3ab: {  	_ =	sfence.sel $0x180000  }
0x3ac: {  	[bflag:$0x0] =	sbarrier.arrive $0xFFFF  }
0x3ad: {  	_ =	strace $0x90000047  }
0x3ae: {  	s0 =	stileid.u32;
	[bflag:$0x2] =	sbarrier.arrive $0xFFFF  }
0x3af: {  	p0 =	sne.s32 s0, $0x0;
	s0 =	rddreg [dreg:$0x3]  }
0x3b0: {  	s0 =	sadd.s32 @!p0 $0x100000, s0  }
0x3b1: {  	[sflag:s0] =	ssyncadd.tile.s32 @!p0 $0x1;
	_ =	shalt  }
.Lfunc_end2:
_tile_overlayer_lowered:
.L_overlay_start_2:
0x3b2: {  	(tag) =	ssettag $0x2  }
0x3b3: {  	s0 =	rddreg [dreg:$0x0];
	s2 =	stileid.u32  }
0x3b4: {  	s1 =	rddreg [dreg:$0x1];
	p0 =	sne.s32 s2, $0x0  }
0x3b5: {  	s3 =	rddreg [dreg:$0x2];
	[bflag:$0x3] =	sbarrier.arrive $0xFFFF;
	s2 =	simm.s32 @!p0 $0x1C04  }
0x3b6: {  	[timem:s3], [sflag:s2] =	dma.local @!p0 [hbm:s0], s1  }
0x3b7: {  	s0 =	simm.s32 @!p0 $0x4  }
0x3b8: {  	_ =	swait.ge @!p0 [sflag:s0], s1  }
0x3b9: {  	s1 =	ssub.s32 @!p0 $0x0, s1;
	[sflag:s0] =	ssyncset.done @!p0 $0x0  }
0x3ba: {  	[sflag:s0] =	ssyncadd.s32 @!p0 s1  }
0x3bb: {  	[bflag:$0x3] =	sbarrier.arrive $0xFFFF  }
0x3bc: {  	_ =	shalt  }

</sc_bundles>
